<compile_context>
chip_gen: v7x
topology: tpu7x:2x2x1
jax: 0.10.2.dev20260603
libtpu: 0.0.44.dev20260713+nightly
codegen_flags: <defaults>
</compile_context>

<pallas_src>
import functools

import jax
import jax.numpy as jnp
from jax import lax
from jax.experimental import pallas as pl
from jax.experimental.pallas import tpu as pltpu
from jax.experimental.pallas import tpu_sc as plsc

_B, _T, _D, _H, _G, _E, _KG, _KE = 1, 2048, 768, 1536, 8, 8, 2, 2
_N = _B * _T
_S = _N * _KG
_P = _S * _KE
_M = 256
_NB = _P // _M
_NGE = _G * _E
_W = _NB + _NGE - 1
_EPS = 1e-5


def _phase1_body(x_ref, wgrp_ref, bgrp_ref, lng_ref, lnb_ref, gw_ref, gb_ref,
                 norm_ref, meta_ref):
    x = x_ref[...]
    mu = jnp.mean(x, axis=1, keepdims=True)
    xc = x - mu
    var = jnp.mean(xc * xc, axis=1, keepdims=True)
    nrm = xc * lax.rsqrt(var + _EPS) * lng_ref[...] + lnb_ref[...]
    norm_ref[...] = nrm

    gl = jnp.dot(x, wgrp_ref[...], preferred_element_type=jnp.float32) + bgrp_ref[...]
    lg = jnp.dot(nrm, gw_ref[...], preferred_element_type=jnp.float32) + gb_ref[...]

    iota_g = lax.broadcasted_iota(jnp.int32, gl.shape, 1)
    m1 = jnp.max(gl, axis=1, keepdims=True)
    i1 = jnp.min(jnp.where(gl == m1, iota_g, _G), axis=1, keepdims=True)
    glm = jnp.where(iota_g == i1, -jnp.inf, gl)
    m2 = jnp.max(glm, axis=1, keepdims=True)
    i2 = jnp.min(jnp.where(glm == m2, iota_g, _G), axis=1, keepdims=True)
    gs2 = 1.0 / (1.0 + jnp.exp(m1 - m2))
    gs1 = 1.0 - gs2

    lg3 = lg.reshape(lg.shape[0], _G, _E)
    iota_e = lax.broadcasted_iota(jnp.int32, lg3.shape, 2)
    t1 = jnp.max(lg3, axis=2, keepdims=True)
    j1 = jnp.min(jnp.where(lg3 == t1, iota_e, _E), axis=2, keepdims=True)
    lgm3 = jnp.where(iota_e == j1, -jnp.inf, lg3)
    t2 = jnp.max(lgm3, axis=2, keepdims=True)
    j2 = jnp.min(jnp.where(lgm3 == t2, iota_e, _E), axis=2, keepdims=True)
    w2 = 1.0 / (1.0 + jnp.exp(t1 - t2))
    e1 = j1[:, :, 0].astype(jnp.float32)
    e2 = j2[:, :, 0].astype(jnp.float32)
    s2 = w2[:, :, 0]
    s1 = 1.0 - s2

    oh1 = (iota_g == i1).astype(jnp.float32)
    oh2 = (iota_g == i2).astype(jnp.float32)

    def sel(oh, arr):
        return jnp.sum(oh * arr, axis=1, keepdims=True)

    meta_ref[...] = jnp.concatenate([
        i1.astype(jnp.float32), i2.astype(jnp.float32), gs1, gs2,
        sel(oh1, e1), sel(oh1, e2), sel(oh2, e1), sel(oh2, e2),
        sel(oh1, s1), sel(oh1, s2), sel(oh2, s1), sel(oh2, s2),
        jnp.zeros((x.shape[0], 4), jnp.float32)], axis=1)


_TB1 = 256


def _phase1(x, wgrp, bgrp, lng, lnb, gw, gb):
    return pl.pallas_call(
        _phase1_body,
        grid=(_N // _TB1,),
        in_specs=[
            pl.BlockSpec((_TB1, _D), lambda i: (i, 0)),
            pl.BlockSpec((_D, _G), lambda i: (0, 0)),
            pl.BlockSpec((1, _G), lambda i: (0, 0)),
            pl.BlockSpec((1, _D), lambda i: (0, 0)),
            pl.BlockSpec((1, _D), lambda i: (0, 0)),
            pl.BlockSpec((_D, _NGE), lambda i: (0, 0)),
            pl.BlockSpec((1, _NGE), lambda i: (0, 0)),
        ],
        out_specs=[
            pl.BlockSpec((_TB1, _D), lambda i: (i, 0)),
            pl.BlockSpec((_TB1, 16), lambda i: (i, 0)),
        ],
        out_shape=[
            jax.ShapeDtypeStruct((_N, _D), jnp.float32),
            jax.ShapeDtypeStruct((_N, 16), jnp.float32),
        ],
    )(x, wgrp, bgrp, lng, lnb, gw, gb)


def _sc_gather(table, idx, n_rows):
    info = plsc.get_sparse_core_info()
    nw = info.num_cores * info.num_subcores
    per_w = n_rows // nw
    ch = 64
    nch = per_w // ch
    nc = info.num_cores
    mesh = plsc.VectorSubcoreMesh(core_axis_name="c", subcore_axis_name="s")

    @functools.partial(
        pl.kernel, mesh=mesh,
        out_type=jax.ShapeDtypeStruct((n_rows, _D), jnp.float32),
        scratch_types=[
            pltpu.VMEM((nch, ch), jnp.int32),
            pltpu.VMEM((ch, _D), jnp.float32),
            pltpu.VMEM((ch, _D), jnp.float32),
            pltpu.SemaphoreType.DMA,
            pltpu.SemaphoreType.DMA,
        ],
    )
    def k(table_hbm, idx_hbm, out_hbm, idx_v, rows_a, rows_b, sem_a, sem_b):
        wid = lax.axis_index("s") * nc + lax.axis_index("c")
        pltpu.sync_copy(idx_hbm.at[pl.ds(wid * nch, nch)], idx_v)
        bufs = [(rows_a, sem_a), (rows_b, sem_b)]
        pend = [None, None]
        pend[0] = pltpu.async_copy(table_hbm.at[idx_v.at[0]], rows_a, sem_a)
        for c in range(nch):
            buf, _ = bufs[c % 2]
            if c + 1 < nch:
                nbuf, nsem = bufs[(c + 1) % 2]
                pend[(c + 1) % 2] = pltpu.async_copy(
                    table_hbm.at[idx_v.at[c + 1]], nbuf, nsem)
            pend[c % 2].wait()
            pltpu.sync_copy(buf, out_hbm.at[pl.ds(wid * per_w + c * ch, ch)])

    return k(table, idx.reshape(-1, ch))


def _ff_body(blk_ref, eidx_ref, emask_ref, x_ref, ge_ref, sc_ref,
             w1_ref, b1_ref, w2_ref, b2_ref, out_ref):
    w = pl.program_id(0)
    e = emask_ref[w]
    x = x_ref[...]
    h = jnp.maximum(
        jnp.dot(x, w1_ref[0], preferred_element_type=jnp.float32) + b1_ref[0], 0.0)
    y = jnp.dot(h, w2_ref[0], preferred_element_type=jnp.float32) + b2_ref[0]
    scale = jnp.where(ge_ref[...] == e, sc_ref[...], 0.0)
    contrib = y * scale
    first = jnp.logical_or(w == 0, blk_ref[w] != blk_ref[jnp.maximum(w - 1, 0)])

    @pl.when(first)
    def _():
        out_ref[...] = contrib

    @pl.when(jnp.logical_not(first))
    def _():
        out_ref[...] = out_ref[...] + contrib


def _expert_ff(x_sorted, ge_s, sc_s, w1, b1, w2, b2, blk_w, e_idx_w, e_mask_w):
    grid_spec = pltpu.PrefetchScalarGridSpec(
        num_scalar_prefetch=3,
        grid=(_W,),
        in_specs=[
            pl.BlockSpec((_M, _D), lambda w, blk, ei, em: (blk[w], 0)),
            pl.BlockSpec((_M, 1), lambda w, blk, ei, em: (blk[w], 0)),
            pl.BlockSpec((_M, 1), lambda w, blk, ei, em: (blk[w], 0)),
            pl.BlockSpec((1, _D, _H), lambda w, blk, ei, em: (ei[w], 0, 0)),
            pl.BlockSpec((1, 1, _H), lambda w, blk, ei, em: (ei[w], 0, 0)),
            pl.BlockSpec((1, _H, _D), lambda w, blk, ei, em: (ei[w], 0, 0)),
            pl.BlockSpec((1, 1, _D), lambda w, blk, ei, em: (ei[w], 0, 0)),
        ],
        out_specs=pl.BlockSpec((_M, _D), lambda w, blk, ei, em: (blk[w], 0)),
    )
    return pl.pallas_call(
        _ff_body,
        grid_spec=grid_spec,
        out_shape=jax.ShapeDtypeStruct((_P, _D), jnp.float32),
        compiler_params=pltpu.CompilerParams(dimension_semantics=("arbitrary",)),
    )(blk_w, e_idx_w, e_mask_w, x_sorted, ge_s.reshape(_P, 1),
      sc_s.reshape(_P, 1), w1, b1, w2, b2)


_TB2 = 256


def _combine_body(inp_ref, nrm_ref, on_ref, gsc_ref, tg_ref, gg_ref, gb_ref,
                  out_ref):
    xi = inp_ref[...]
    nrm = nrm_ref[...]
    x4 = on_ref[...].reshape(_TB2, _KG, _KE, _D)
    gsc = gsc_ref[...]
    tg = tg_ref[...]
    iota_g = lax.broadcasted_iota(jnp.int32, (_TB2, _G), 1)
    acc = xi
    for k in range(_KG):
        core = x4[:, k, 0, :] + x4[:, k, 1, :]
        z = nrm + core
        mu = jnp.mean(z, axis=1, keepdims=True)
        zc = z - mu
        var = jnp.mean(zc * zc, axis=1, keepdims=True)
        oh = (iota_g == tg[:, k:k + 1]).astype(jnp.float32)
        gam = jnp.dot(oh, gg_ref[...], preferred_element_type=jnp.float32)
        bet = jnp.dot(oh, gb_ref[...], preferred_element_type=jnp.float32)
        y = zc * lax.rsqrt(var + _EPS) * gam + bet
        acc = acc + y * gsc[:, k:k + 1]
    out_ref[...] = acc


def _combine(x, norm, out_nat, gsc, tg, gg, gb):
    return pl.pallas_call(
        _combine_body,
        grid=(_N // _TB2,),
        in_specs=[
            pl.BlockSpec((_TB2, _D), lambda i: (i, 0)),
            pl.BlockSpec((_TB2, _D), lambda i: (i, 0)),
            pl.BlockSpec((_TB2 * _KG * _KE, _D), lambda i: (i, 0)),
            pl.BlockSpec((_TB2, 2), lambda i: (i, 0)),
            pl.BlockSpec((_TB2, 2), lambda i: (i, 0)),
            pl.BlockSpec((_G, _D), lambda i: (0, 0)),
            pl.BlockSpec((_G, _D), lambda i: (0, 0)),
        ],
        out_specs=pl.BlockSpec((_TB2, _D), lambda i: (i, 0)),
        out_shape=jax.ShapeDtypeStruct((_N, _D), jnp.float32),
    )(x, norm, out_nat, gsc, tg, gg, gb)


def _routing(tg, eid, scm):
    ge = (jnp.repeat(tg, _KE, axis=1) * _E + eid).reshape(-1)
    sc_pair = scm.reshape(-1)
    perm = jnp.argsort(ge, stable=True).astype(jnp.int32)
    ge_s = jnp.take(ge, perm)
    tok_s = perm // (_KG * _KE)
    sc_s = jnp.take(sc_pair, perm)
    inv = jnp.zeros((_P,), jnp.int32).at[perm].set(
        jnp.arange(_P, dtype=jnp.int32))

    counts = jnp.zeros((_NGE,), jnp.int32).at[ge].add(1)
    offs = jnp.concatenate(
        [jnp.zeros((1,), jnp.int32), jnp.cumsum(counts)[:-1]])
    firstb = offs // _M
    lastb = (offs + counts - 1) // _M
    nb = jnp.where(counts > 0, lastb - firstb + 1, 0)
    starts = jnp.concatenate(
        [jnp.zeros((1,), jnp.int32), jnp.cumsum(nb)[:-1]])
    total = jnp.sum(nb)
    wids = jnp.arange(_W, dtype=jnp.int32)
    e_of_w = jnp.searchsorted(starts, wids, side='right').astype(jnp.int32) - 1
    valid = wids < total
    blk_w = jnp.take(firstb, e_of_w) + wids - jnp.take(starts, e_of_w)
    blk_w = jnp.where(valid, blk_w, _NB - 1).astype(jnp.int32)
    e_idx_w = jnp.where(valid, e_of_w, 0).astype(jnp.int32)
    e_mask_w = jnp.where(valid, e_of_w, _NGE).astype(jnp.int32)
    return ge_s, tok_s.astype(jnp.int32), sc_s, inv, blk_w, e_idx_w, e_mask_w


def kernel(inp, ln_g, ln_b, Wgrp, bgrp, grp_ln_g, grp_ln_b, gate_W, gate_b,
           W1, b1, W2, b2):
    x = inp.reshape(_N, _D)
    gate_wt = gate_W.transpose(1, 0, 2).reshape(_D, _NGE)
    norm, meta = _phase1(
        x, Wgrp, bgrp.reshape(1, _G), ln_g.reshape(1, _D),
        ln_b.reshape(1, _D), gate_wt, gate_b.reshape(1, _NGE))
    tg = meta[:, 0:2].astype(jnp.int32)
    eid = meta[:, 4:8].astype(jnp.int32)
    gsc = meta[:, 2:4]

    ge_s, tok_s, sc_s, inv, blk_w, e_idx_w, e_mask_w = _routing(
        tg, eid, meta[:, 8:12])

    x_sorted = _sc_gather(norm, tok_s, _P)
    out_sorted = _expert_ff(
        x_sorted, ge_s, sc_s,
        W1.reshape(_NGE, _D, _H), b1.reshape(_NGE, 1, _H),
        W2.reshape(_NGE, _H, _D), b2.reshape(_NGE, 1, _D),
        blk_w, e_idx_w, e_mask_w)
    out_nat = _sc_gather(out_sorted, inv, _P)

    out = _combine(x, norm, out_nat, gsc, tg, grp_ln_g, grp_ln_b)
    return out.reshape(_B, _T, _D)

# --- scband reference (transcript-rebuilt; emitter-appended) ---
"""Pipeline reference for scband-customized-mo-gpositionwise-ff-63763084476796 (READ-ONLY COPY).

The authoritative reference and input builder live on the scoring server;
editing this copy changes nothing except your own understanding.
"""

import jax, jax.numpy as jnp
import numpy as np

B, T, D, H, G, E, KG, KE = 1, 2048, 768, 1536, 8, 8, 2, 2


def layer_norm(x, g, b, eps=1e-5):
    mu = jnp.mean(x, axis=-1, keepdims=True)
    var = jnp.mean((x - mu) ** 2, axis=-1, keepdims=True)
    return (x - mu) / jnp.sqrt(var + eps) * g + b


def setup_inputs(seed: int = 0) -> dict:
    key = jax.random.key(seed)
    ks = jax.random.split(key, 8)
    inp = jax.random.normal(ks[0], (B, T, D), dtype=jnp.float32)
    ln_g = jnp.ones((D,), jnp.float32)
    ln_b = jnp.zeros((D,), jnp.float32)
    Wgrp = jax.random.normal(ks[1], (D, G), dtype=jnp.float32) * 0.02
    bgrp = jnp.zeros((G,), jnp.float32)
    grp_ln_g = jnp.ones((G, D), jnp.float32)
    grp_ln_b = jnp.zeros((G, D), jnp.float32)
    gate_W = jax.random.normal(ks[2], (G, D, E), dtype=jnp.float32) * 0.02
    gate_b = jnp.zeros((G, E), jnp.float32)
    W1 = jax.random.normal(ks[3], (G, E, D, H), dtype=jnp.float32) * 0.02
    b1 = jnp.zeros((G, E, H), jnp.float32)
    W2 = jax.random.normal(ks[4], (G, E, H, D), dtype=jnp.float32) * 0.02
    b2 = jnp.zeros((G, E, D), jnp.float32)
    return {"inp": inp, "ln_g": ln_g, "ln_b": ln_b, "Wgrp": Wgrp, "bgrp": bgrp,
            "grp_ln_g": grp_ln_g, "grp_ln_b": grp_ln_b, "gate_W": gate_W,
            "gate_b": gate_b, "W1": W1, "b1": b1, "W2": W2, "b2": b2}


def reference(inp, ln_g, ln_b, Wgrp, bgrp, grp_ln_g, grp_ln_b, gate_W, gate_b, W1, b1, W2, b2):
    N = B * T
    # group gate: top-k over group logits, softmax over selected logits
    logits = inp @ Wgrp + bgrp                       # [B,T,G]
    topv, topi = jax.lax.top_k(logits, KG)           # [B,T,KG]
    gsc = jax.nn.softmax(topv, axis=-1)
    norm = layer_norm(inp, ln_g, ln_b).reshape(N, D)
    flat_ids = topi.reshape(N * KG)
    flat_sc = gsc.reshape(N * KG)
    flat_x = jnp.repeat(norm, KG, axis=0)            # expand each token KG times
    out_buf = jnp.zeros((N * KG, D), inp.dtype)
    for g in range(G):
        gmask = flat_ids == g
        xg = flat_x                                  # [N*KG, D]
        # inner MoE (FMoETransformerMLP) for group g
        lg = xg @ gate_W[g] + gate_b[g]              # [N*KG, E]
        tv, ti = jax.lax.top_k(lg, KE)
        sc = jax.nn.softmax(tv, axis=-1)
        S = xg.shape[0]
        pair_x = jnp.repeat(xg, KE, axis=0)
        pair_ids = ti.reshape(-1)
        pair_sc = sc.reshape(-1)
        pair_out = jnp.zeros((S * KE, D), inp.dtype)
        for e in range(E):
            emask = pair_ids == e
            he = jax.nn.relu(pair_x @ W1[g, e] + b1[g, e])
            ye = he @ W2[g, e] + b2[g, e]
            pair_out = jnp.where(emask[:, None], ye * pair_sc[:, None], pair_out)
        core = pair_out.reshape(S, KE, D).sum(axis=1)
        # post-norm residual inside CustomizedMoEPositionwiseFF
        yg = layer_norm(xg + core, grp_ln_g[g], grp_ln_b[g])
        out_buf = jnp.where(gmask[:, None], yg * flat_sc[:, None], out_buf)
    out = out_buf.reshape(N, KG, D).sum(axis=1).reshape(B, T, D)
    return out + inp

if __name__ == "__main__":
    import jax
    _d = setup_inputs()
    print(jax.jit(kernel)(*tuple(_d.values())))

</pallas_src>

<mosaic_0001>
#map = affine_map<(d0, d1) -> (0, 0)>
module attributes {stable_mosaic.version = 14 : i64} {
  func.func @k(%arg0: i32, %arg1: i32, %arg2: memref<2048x768xf32, #tpu.memory_space<hbm>>, %arg3: memref<128x64xi32, #tpu.memory_space<hbm>>, %arg4: memref<8192x768xf32, #tpu.memory_space<hbm>>, %arg5: memref<4x64xi32, #tpu.memory_space<vmem>>, %arg6: memref<64x768xf32, #tpu.memory_space<vmem>>, %arg7: memref<64x768xf32, #tpu.memory_space<vmem>>, %arg8: memref<!tpu.dma_semaphore, #tpu.memory_space<semaphore_mem>>, %arg9: memref<!tpu.dma_semaphore, #tpu.memory_space<semaphore_mem>>) attributes {dimension_semantics = [#tpu.dimension_semantics<core_parallel>, #tpu.dimension_semantics<subcore_parallel>], iteration_bounds = array<i64: 2, 16>, scalar_prefetch = 0 : i64, scratch_operands = 5 : i64, tpu.core_type = #tpu.core_type<sc_vector_subcore>, window_params = [{transform_indices = #map}, {transform_indices = #map}, {transform_indices = #map}]} {
    %mul3A = arith.constant 2 : i32
    %mul3A_0 = arith.muli %arg1, %mul3A : i32
    %add3A = arith.addi %mul3A_0, %arg0 : i32
    %mul3A_1 = arith.constant 4 : i32
    %mul3A_2 = arith.muli %add3A, %mul3A_1 : i32
    "tpu.region"() ({
      %run_scoped3A = tpu.sem_alloc : memref<!tpu.dma_semaphore, #tpu.memory_space<semaphore_mem>>
      %dma_start3A_73 = arith.constant 0 : i32
      %dma_start3A_74 = tpu.memref_slice %arg3[%mul3A_2, %dma_start3A_73] : memref<128x64xi32, #tpu.memory_space<hbm>> -> memref<4x64xi32, #tpu.memory_space<hbm>>
      %dma_start3A_75 = arith.constant 0 : i32
      %dma_start3A_76 = tpu.memref_slice %arg3[%mul3A_2, %dma_start3A_75] : memref<128x64xi32, #tpu.memory_space<hbm>> -> memref<4x64xi32, #tpu.memory_space<hbm>>
      tpu.enqueue_dma source(%dma_start3A_76 : memref<4x64xi32, #tpu.memory_space<hbm>>) target(%arg5 : memref<4x64xi32, #tpu.memory_space<vmem>>) target_semaphore(%run_scoped3A : memref<!tpu.dma_semaphore, #tpu.memory_space<semaphore_mem>>)
      %dma_wait3A_77 = arith.constant 0 : i32
      %dma_wait3A_78 = tpu.memref_slice %arg3[%mul3A_2, %dma_wait3A_77] : memref<128x64xi32, #tpu.memory_space<hbm>> -> memref<4x64xi32, #tpu.memory_space<hbm>>
      %dma_wait3A_79 = arith.constant 0 : i32
      %dma_wait3A_80 = tpu.memref_slice %arg3[%mul3A_2, %dma_wait3A_79] : memref<128x64xi32, #tpu.memory_space<hbm>> -> memref<4x64xi32, #tpu.memory_space<hbm>>
      tpu.wait_dma2 semaphore(%run_scoped3A : memref<!tpu.dma_semaphore, #tpu.memory_space<semaphore_mem>>) src(%dma_wait3A_80 : memref<4x64xi32, #tpu.memory_space<hbm>>) dst(%arg5 : memref<4x64xi32, #tpu.memory_space<vmem>>)
      tpu.yield
    }) : () -> ()
    %dma_start3A = arith.constant 0 : i32
    %dma_start3A_3 = arith.constant 0 : i32
    %dma_start3A_4 = tpu.memref_slice %arg5[%dma_start3A, %dma_start3A_3] : memref<4x64xi32, #tpu.memory_space<vmem>> -> memref<1x64xi32, #tpu.memory_space<vmem>>
    %dma_start3A_5 = tpu.memref_squeeze %dma_start3A_4 : memref<1x64xi32, #tpu.memory_space<vmem>> -> memref<64xi32, #tpu.memory_space<vmem>>
    %dma_start3A_6 = arith.constant 0 : i32
    %dma_start3A_7 = arith.constant 0 : i32
    %dma_start3A_8 = tpu.memref_slice %arg2[%dma_start3A_6, %dma_start3A_7] : memref<2048x768xf32, #tpu.memory_space<hbm>> -> memref<2048x768xf32, #tpu.memory_space<hbm>>
    tpu.enqueue_indirect_dma source(%dma_start3A_8 : memref<2048x768xf32, #tpu.memory_space<hbm>>) target(%arg6 : memref<64x768xf32, #tpu.memory_space<vmem>>) offsets(%dma_start3A_5 : memref<64xi32, #tpu.memory_space<vmem>>) semaphore(%arg8 : memref<!tpu.dma_semaphore, #tpu.memory_space<semaphore_mem>>)
    %dma_start3A_9 = arith.constant 1 : i32
    %dma_start3A_10 = arith.constant 0 : i32
    %dma_start3A_11 = tpu.memref_slice %arg5[%dma_start3A_9, %dma_start3A_10] : memref<4x64xi32, #tpu.memory_space<vmem>> -> memref<1x64xi32, #tpu.memory_space<vmem>>
    %dma_start3A_12 = tpu.memref_squeeze %dma_start3A_11 : memref<1x64xi32, #tpu.memory_space<vmem>> -> memref<64xi32, #tpu.memory_space<vmem>>
    %dma_start3A_13 = arith.constant 0 : i32
    %dma_start3A_14 = arith.constant 0 : i32
    %dma_start3A_15 = tpu.memref_slice %arg2[%dma_start3A_13, %dma_start3A_14] : memref<2048x768xf32, #tpu.memory_space<hbm>> -> memref<2048x768xf32, #tpu.memory_space<hbm>>
    tpu.enqueue_indirect_dma source(%dma_start3A_15 : memref<2048x768xf32, #tpu.memory_space<hbm>>) target(%arg7 : memref<64x768xf32, #tpu.memory_space<vmem>>) offsets(%dma_start3A_12 : memref<64xi32, #tpu.memory_space<vmem>>) semaphore(%arg9 : memref<!tpu.dma_semaphore, #tpu.memory_space<semaphore_mem>>)
    %dma_wait3A = arith.constant 0 : i32
    %dma_wait3A_16 = arith.constant 0 : i32
    %dma_wait3A_17 = tpu.memref_slice %arg5[%dma_wait3A, %dma_wait3A_16] : memref<4x64xi32, #tpu.memory_space<vmem>> -> memref<1x64xi32, #tpu.memory_space<vmem>>
    %dma_wait3A_18 = tpu.memref_squeeze %dma_wait3A_17 : memref<1x64xi32, #tpu.memory_space<vmem>> -> memref<64xi32, #tpu.memory_space<vmem>>
    %dma_wait3A_19 = arith.constant 0 : i32
    %dma_wait3A_20 = arith.constant 0 : i32
    %dma_wait3A_21 = tpu.memref_slice %arg2[%dma_wait3A_19, %dma_wait3A_20] : memref<2048x768xf32, #tpu.memory_space<hbm>> -> memref<2048x768xf32, #tpu.memory_space<hbm>>
    tpu.wait_indirect_dma semaphore(%arg8 : memref<!tpu.dma_semaphore, #tpu.memory_space<semaphore_mem>>) src(%dma_wait3A_21 : memref<2048x768xf32, #tpu.memory_space<hbm>>) dst(%arg6 : memref<64x768xf32, #tpu.memory_space<vmem>>)
    %mul3A_22 = arith.constant 256 : i32
    %mul3A_23 = arith.muli %add3A, %mul3A_22 : i32
    %add3A_24 = arith.constant 0 : i32
    %add3A_25 = arith.addi %mul3A_23, %add3A_24 : i32
    "tpu.region"() ({
      %run_scoped3A = tpu.sem_alloc : memref<!tpu.dma_semaphore, #tpu.memory_space<semaphore_mem>>
      %dma_start3A_73 = arith.constant 0 : i32
      %dma_start3A_74 = tpu.memref_slice %arg4[%add3A_25, %dma_start3A_73] : memref<8192x768xf32, #tpu.memory_space<hbm>> -> memref<64x768xf32, #tpu.memory_space<hbm>>
      %dma_start3A_75 = arith.constant 0 : i32
      %dma_start3A_76 = tpu.memref_slice %arg4[%add3A_25, %dma_start3A_75] : memref<8192x768xf32, #tpu.memory_space<hbm>> -> memref<64x768xf32, #tpu.memory_space<hbm>>
      tpu.enqueue_dma source(%arg6 : memref<64x768xf32, #tpu.memory_space<vmem>>) target(%dma_start3A_76 : memref<64x768xf32, #tpu.memory_space<hbm>>) target_semaphore(%run_scoped3A : memref<!tpu.dma_semaphore, #tpu.memory_space<semaphore_mem>>)
      %dma_wait3A_77 = arith.constant 0 : i32
      %dma_wait3A_78 = tpu.memref_slice %arg4[%add3A_25, %dma_wait3A_77] : memref<8192x768xf32, #tpu.memory_space<hbm>> -> memref<64x768xf32, #tpu.memory_space<hbm>>
      %dma_wait3A_79 = arith.constant 0 : i32
      %dma_wait3A_80 = tpu.memref_slice %arg4[%add3A_25, %dma_wait3A_79] : memref<8192x768xf32, #tpu.memory_space<hbm>> -> memref<64x768xf32, #tpu.memory_space<hbm>>
      tpu.wait_dma2 semaphore(%run_scoped3A : memref<!tpu.dma_semaphore, #tpu.memory_space<semaphore_mem>>) src(%arg6 : memref<64x768xf32, #tpu.memory_space<vmem>>) dst(%dma_wait3A_80 : memref<64x768xf32, #tpu.memory_space<hbm>>)
      tpu.yield
    }) : () -> ()
    %dma_start3A_26 = arith.constant 2 : i32
    %dma_start3A_27 = arith.constant 0 : i32
    %dma_start3A_28 = tpu.memref_slice %arg5[%dma_start3A_26, %dma_start3A_27] : memref<4x64xi32, #tpu.memory_space<vmem>> -> memref<1x64xi32, #tpu.memory_space<vmem>>
    %dma_start3A_29 = tpu.memref_squeeze %dma_start3A_28 : memref<1x64xi32, #tpu.memory_space<vmem>> -> memref<64xi32, #tpu.memory_space<vmem>>
    %dma_start3A_30 = arith.constant 0 : i32
    %dma_start3A_31 = arith.constant 0 : i32
    %dma_start3A_32 = tpu.memref_slice %arg2[%dma_start3A_30, %dma_start3A_31] : memref<2048x768xf32, #tpu.memory_space<hbm>> -> memref<2048x768xf32, #tpu.memory_space<hbm>>
    tpu.enqueue_indirect_dma source(%dma_start3A_32 : memref<2048x768xf32, #tpu.memory_space<hbm>>) target(%arg6 : memref<64x768xf32, #tpu.memory_space<vmem>>) offsets(%dma_start3A_29 : memref<64xi32, #tpu.memory_space<vmem>>) semaphore(%arg8 : memref<!tpu.dma_semaphore, #tpu.memory_space<semaphore_mem>>)
    %dma_wait3A_33 = arith.constant 1 : i32
    %dma_wait3A_34 = arith.constant 0 : i32
    %dma_wait3A_35 = tpu.memref_slice %arg5[%dma_wait3A_33, %dma_wait3A_34] : memref<4x64xi32, #tpu.memory_space<vmem>> -> memref<1x64xi32, #tpu.memory_space<vmem>>
    %dma_wait3A_36 = tpu.memref_squeeze %dma_wait3A_35 : memref<1x64xi32, #tpu.memory_space<vmem>> -> memref<64xi32, #tpu.memory_space<vmem>>
    %dma_wait3A_37 = arith.constant 0 : i32
    %dma_wait3A_38 = arith.constant 0 : i32
    %dma_wait3A_39 = tpu.memref_slice %arg2[%dma_wait3A_37, %dma_wait3A_38] : memref<2048x768xf32, #tpu.memory_space<hbm>> -> memref<2048x768xf32, #tpu.memory_space<hbm>>
    tpu.wait_indirect_dma semaphore(%arg9 : memref<!tpu.dma_semaphore, #tpu.memory_space<semaphore_mem>>) src(%dma_wait3A_39 : memref<2048x768xf32, #tpu.memory_space<hbm>>) dst(%arg7 : memref<64x768xf32, #tpu.memory_space<vmem>>)
    %mul3A_40 = arith.constant 256 : i32
    %mul3A_41 = arith.muli %add3A, %mul3A_40 : i32
    %add3A_42 = arith.constant 64 : i32
    %add3A_43 = arith.addi %mul3A_41, %add3A_42 : i32
    "tpu.region"() ({
      %run_scoped3A = tpu.sem_alloc : memref<!tpu.dma_semaphore, #tpu.memory_space<semaphore_mem>>
      %dma_start3A_73 = arith.constant 0 : i32
      %dma_start3A_74 = tpu.memref_slice %arg4[%add3A_43, %dma_start3A_73] : memref<8192x768xf32, #tpu.memory_space<hbm>> -> memref<64x768xf32, #tpu.memory_space<hbm>>
      %dma_start3A_75 = arith.constant 0 : i32
      %dma_start3A_76 = tpu.memref_slice %arg4[%add3A_43, %dma_start3A_75] : memref<8192x768xf32, #tpu.memory_space<hbm>> -> memref<64x768xf32, #tpu.memory_space<hbm>>
      tpu.enqueue_dma source(%arg7 : memref<64x768xf32, #tpu.memory_space<vmem>>) target(%dma_start3A_76 : memref<64x768xf32, #tpu.memory_space<hbm>>) target_semaphore(%run_scoped3A : memref<!tpu.dma_semaphore, #tpu.memory_space<semaphore_mem>>)
      %dma_wait3A_77 = arith.constant 0 : i32
      %dma_wait3A_78 = tpu.memref_slice %arg4[%add3A_43, %dma_wait3A_77] : memref<8192x768xf32, #tpu.memory_space<hbm>> -> memref<64x768xf32, #tpu.memory_space<hbm>>
      %dma_wait3A_79 = arith.constant 0 : i32
      %dma_wait3A_80 = tpu.memref_slice %arg4[%add3A_43, %dma_wait3A_79] : memref<8192x768xf32, #tpu.memory_space<hbm>> -> memref<64x768xf32, #tpu.memory_space<hbm>>
      tpu.wait_dma2 semaphore(%run_scoped3A : memref<!tpu.dma_semaphore, #tpu.memory_space<semaphore_mem>>) src(%arg7 : memref<64x768xf32, #tpu.memory_space<vmem>>) dst(%dma_wait3A_80 : memref<64x768xf32, #tpu.memory_space<hbm>>)
      tpu.yield
    }) : () -> ()
    %dma_start3A_44 = arith.constant 3 : i32
    %dma_start3A_45 = arith.constant 0 : i32
    %dma_start3A_46 = tpu.memref_slice %arg5[%dma_start3A_44, %dma_start3A_45] : memref<4x64xi32, #tpu.memory_space<vmem>> -> memref<1x64xi32, #tpu.memory_space<vmem>>
    %dma_start3A_47 = tpu.memref_squeeze %dma_start3A_46 : memref<1x64xi32, #tpu.memory_space<vmem>> -> memref<64xi32, #tpu.memory_space<vmem>>
    %dma_start3A_48 = arith.constant 0 : i32
    %dma_start3A_49 = arith.constant 0 : i32
    %dma_start3A_50 = tpu.memref_slice %arg2[%dma_start3A_48, %dma_start3A_49] : memref<2048x768xf32, #tpu.memory_space<hbm>> -> memref<2048x768xf32, #tpu.memory_space<hbm>>
    tpu.enqueue_indirect_dma source(%dma_start3A_50 : memref<2048x768xf32, #tpu.memory_space<hbm>>) target(%arg7 : memref<64x768xf32, #tpu.memory_space<vmem>>) offsets(%dma_start3A_47 : memref<64xi32, #tpu.memory_space<vmem>>) semaphore(%arg9 : memref<!tpu.dma_semaphore, #tpu.memory_space<semaphore_mem>>)
    %dma_wait3A_51 = arith.constant 2 : i32
    %dma_wait3A_52 = arith.constant 0 : i32
    %dma_wait3A_53 = tpu.memref_slice %arg5[%dma_wait3A_51, %dma_wait3A_52] : memref<4x64xi32, #tpu.memory_space<vmem>> -> memref<1x64xi32, #tpu.memory_space<vmem>>
    %dma_wait3A_54 = tpu.memref_squeeze %dma_wait3A_53 : memref<1x64xi32, #tpu.memory_space<vmem>> -> memref<64xi32, #tpu.memory_space<vmem>>
    %dma_wait3A_55 = arith.constant 0 : i32
    %dma_wait3A_56 = arith.constant 0 : i32
    %dma_wait3A_57 = tpu.memref_slice %arg2[%dma_wait3A_55, %dma_wait3A_56] : memref<2048x768xf32, #tpu.memory_space<hbm>> -> memref<2048x768xf32, #tpu.memory_space<hbm>>
    tpu.wait_indirect_dma semaphore(%arg8 : memref<!tpu.dma_semaphore, #tpu.memory_space<semaphore_mem>>) src(%dma_wait3A_57 : memref<2048x768xf32, #tpu.memory_space<hbm>>) dst(%arg6 : memref<64x768xf32, #tpu.memory_space<vmem>>)
    %mul3A_58 = arith.constant 256 : i32
    %mul3A_59 = arith.muli %add3A, %mul3A_58 : i32
    %add3A_60 = arith.constant 128 : i32
    %add3A_61 = arith.addi %mul3A_59, %add3A_60 : i32
    "tpu.region"() ({
      %run_scoped3A = tpu.sem_alloc : memref<!tpu.dma_semaphore, #tpu.memory_space<semaphore_mem>>
      %dma_start3A_73 = arith.constant 0 : i32
      %dma_start3A_74 = tpu.memref_slice %arg4[%add3A_61, %dma_start3A_73] : memref<8192x768xf32, #tpu.memory_space<hbm>> -> memref<64x768xf32, #tpu.memory_space<hbm>>
      %dma_start3A_75 = arith.constant 0 : i32
      %dma_start3A_76 = tpu.memref_slice %arg4[%add3A_61, %dma_start3A_75] : memref<8192x768xf32, #tpu.memory_space<hbm>> -> memref<64x768xf32, #tpu.memory_space<hbm>>
      tpu.enqueue_dma source(%arg6 : memref<64x768xf32, #tpu.memory_space<vmem>>) target(%dma_start3A_76 : memref<64x768xf32, #tpu.memory_space<hbm>>) target_semaphore(%run_scoped3A : memref<!tpu.dma_semaphore, #tpu.memory_space<semaphore_mem>>)
      %dma_wait3A_77 = arith.constant 0 : i32
      %dma_wait3A_78 = tpu.memref_slice %arg4[%add3A_61, %dma_wait3A_77] : memref<8192x768xf32, #tpu.memory_space<hbm>> -> memref<64x768xf32, #tpu.memory_space<hbm>>
      %dma_wait3A_79 = arith.constant 0 : i32
      %dma_wait3A_80 = tpu.memref_slice %arg4[%add3A_61, %dma_wait3A_79] : memref<8192x768xf32, #tpu.memory_space<hbm>> -> memref<64x768xf32, #tpu.memory_space<hbm>>
      tpu.wait_dma2 semaphore(%run_scoped3A : memref<!tpu.dma_semaphore, #tpu.memory_space<semaphore_mem>>) src(%arg6 : memref<64x768xf32, #tpu.memory_space<vmem>>) dst(%dma_wait3A_80 : memref<64x768xf32, #tpu.memory_space<hbm>>)
      tpu.yield
    }) : () -> ()
    %dma_wait3A_62 = arith.constant 3 : i32
    %dma_wait3A_63 = arith.constant 0 : i32
    %dma_wait3A_64 = tpu.memref_slice %arg5[%dma_wait3A_62, %dma_wait3A_63] : memref<4x64xi32, #tpu.memory_space<vmem>> -> memref<1x64xi32, #tpu.memory_space<vmem>>
    %dma_wait3A_65 = tpu.memref_squeeze %dma_wait3A_64 : memref<1x64xi32, #tpu.memory_space<vmem>> -> memref<64xi32, #tpu.memory_space<vmem>>
    %dma_wait3A_66 = arith.constant 0 : i32
    %dma_wait3A_67 = arith.constant 0 : i32
    %dma_wait3A_68 = tpu.memref_slice %arg2[%dma_wait3A_66, %dma_wait3A_67] : memref<2048x768xf32, #tpu.memory_space<hbm>> -> memref<2048x768xf32, #tpu.memory_space<hbm>>
    tpu.wait_indirect_dma semaphore(%arg9 : memref<!tpu.dma_semaphore, #tpu.memory_space<semaphore_mem>>) src(%dma_wait3A_68 : memref<2048x768xf32, #tpu.memory_space<hbm>>) dst(%arg7 : memref<64x768xf32, #tpu.memory_space<vmem>>)
    %mul3A_69 = arith.constant 256 : i32
    %mul3A_70 = arith.muli %add3A, %mul3A_69 : i32
    %add3A_71 = arith.constant 192 : i32
    %add3A_72 = arith.addi %mul3A_70, %add3A_71 : i32
    "tpu.region"() ({
      %run_scoped3A = tpu.sem_alloc : memref<!tpu.dma_semaphore, #tpu.memory_space<semaphore_mem>>
      %dma_start3A_73 = arith.constant 0 : i32
      %dma_start3A_74 = tpu.memref_slice %arg4[%add3A_72, %dma_start3A_73] : memref<8192x768xf32, #tpu.memory_space<hbm>> -> memref<64x768xf32, #tpu.memory_space<hbm>>
      %dma_start3A_75 = arith.constant 0 : i32
      %dma_start3A_76 = tpu.memref_slice %arg4[%add3A_72, %dma_start3A_75] : memref<8192x768xf32, #tpu.memory_space<hbm>> -> memref<64x768xf32, #tpu.memory_space<hbm>>
      tpu.enqueue_dma source(%arg7 : memref<64x768xf32, #tpu.memory_space<vmem>>) target(%dma_start3A_76 : memref<64x768xf32, #tpu.memory_space<hbm>>) target_semaphore(%run_scoped3A : memref<!tpu.dma_semaphore, #tpu.memory_space<semaphore_mem>>)
      %dma_wait3A_77 = arith.constant 0 : i32
      %dma_wait3A_78 = tpu.memref_slice %arg4[%add3A_72, %dma_wait3A_77] : memref<8192x768xf32, #tpu.memory_space<hbm>> -> memref<64x768xf32, #tpu.memory_space<hbm>>
      %dma_wait3A_79 = arith.constant 0 : i32
      %dma_wait3A_80 = tpu.memref_slice %arg4[%add3A_72, %dma_wait3A_79] : memref<8192x768xf32, #tpu.memory_space<hbm>> -> memref<64x768xf32, #tpu.memory_space<hbm>>
      tpu.wait_dma2 semaphore(%run_scoped3A : memref<!tpu.dma_semaphore, #tpu.memory_space<semaphore_mem>>) src(%arg7 : memref<64x768xf32, #tpu.memory_space<vmem>>) dst(%dma_wait3A_80 : memref<64x768xf32, #tpu.memory_space<hbm>>)
      tpu.yield
    }) : () -> ()
    return
  }
}

#map = affine_map<(d0, d1) -> (0, 0)>
module attributes {stable_mosaic.version = 14 : i64} {
  func.func @k(%arg0: i32, %arg1: i32, %arg2: memref<8192x768xf32, #tpu.memory_space<hbm>>, %arg3: memref<128x64xi32, #tpu.memory_space<hbm>>, %arg4: memref<8192x768xf32, #tpu.memory_space<hbm>>, %arg5: memref<4x64xi32, #tpu.memory_space<vmem>>, %arg6: memref<64x768xf32, #tpu.memory_space<vmem>>, %arg7: memref<64x768xf32, #tpu.memory_space<vmem>>, %arg8: memref<!tpu.dma_semaphore, #tpu.memory_space<semaphore_mem>>, %arg9: memref<!tpu.dma_semaphore, #tpu.memory_space<semaphore_mem>>) attributes {dimension_semantics = [#tpu.dimension_semantics<core_parallel>, #tpu.dimension_semantics<subcore_parallel>], iteration_bounds = array<i64: 2, 16>, scalar_prefetch = 0 : i64, scratch_operands = 5 : i64, tpu.core_type = #tpu.core_type<sc_vector_subcore>, window_params = [{transform_indices = #map}, {transform_indices = #map}, {transform_indices = #map}]} {
    %mul3A = arith.constant 2 : i32
    %mul3A_0 = arith.muli %arg1, %mul3A : i32
    %add3A = arith.addi %mul3A_0, %arg0 : i32
    %mul3A_1 = arith.constant 4 : i32
    %mul3A_2 = arith.muli %add3A, %mul3A_1 : i32
    "tpu.region"() ({
      %run_scoped3A = tpu.sem_alloc : memref<!tpu.dma_semaphore, #tpu.memory_space<semaphore_mem>>
      %dma_start3A_73 = arith.constant 0 : i32
      %dma_start3A_74 = tpu.memref_slice %arg3[%mul3A_2, %dma_start3A_73] : memref<128x64xi32, #tpu.memory_space<hbm>> -> memref<4x64xi32, #tpu.memory_space<hbm>>
      %dma_start3A_75 = arith.constant 0 : i32
      %dma_start3A_76 = tpu.memref_slice %arg3[%mul3A_2, %dma_start3A_75] : memref<128x64xi32, #tpu.memory_space<hbm>> -> memref<4x64xi32, #tpu.memory_space<hbm>>
      tpu.enqueue_dma source(%dma_start3A_76 : memref<4x64xi32, #tpu.memory_space<hbm>>) target(%arg5 : memref<4x64xi32, #tpu.memory_space<vmem>>) target_semaphore(%run_scoped3A : memref<!tpu.dma_semaphore, #tpu.memory_space<semaphore_mem>>)
      %dma_wait3A_77 = arith.constant 0 : i32
      %dma_wait3A_78 = tpu.memref_slice %arg3[%mul3A_2, %dma_wait3A_77] : memref<128x64xi32, #tpu.memory_space<hbm>> -> memref<4x64xi32, #tpu.memory_space<hbm>>
      %dma_wait3A_79 = arith.constant 0 : i32
      %dma_wait3A_80 = tpu.memref_slice %arg3[%mul3A_2, %dma_wait3A_79] : memref<128x64xi32, #tpu.memory_space<hbm>> -> memref<4x64xi32, #tpu.memory_space<hbm>>
      tpu.wait_dma2 semaphore(%run_scoped3A : memref<!tpu.dma_semaphore, #tpu.memory_space<semaphore_mem>>) src(%dma_wait3A_80 : memref<4x64xi32, #tpu.memory_space<hbm>>) dst(%arg5 : memref<4x64xi32, #tpu.memory_space<vmem>>)
      tpu.yield
    }) : () -> ()
    %dma_start3A = arith.constant 0 : i32
    %dma_start3A_3 = arith.constant 0 : i32
    %dma_start3A_4 = tpu.memref_slice %arg5[%dma_start3A, %dma_start3A_3] : memref<4x64xi32, #tpu.memory_space<vmem>> -> memref<1x64xi32, #tpu.memory_space<vmem>>
    %dma_start3A_5 = tpu.memref_squeeze %dma_start3A_4 : memref<1x64xi32, #tpu.memory_space<vmem>> -> memref<64xi32, #tpu.memory_space<vmem>>
    %dma_start3A_6 = arith.constant 0 : i32
    %dma_start3A_7 = arith.constant 0 : i32
    %dma_start3A_8 = tpu.memref_slice %arg2[%dma_start3A_6, %dma_start3A_7] : memref<8192x768xf32, #tpu.memory_space<hbm>> -> memref<8192x768xf32, #tpu.memory_space<hbm>>
    tpu.enqueue_indirect_dma source(%dma_start3A_8 : memref<8192x768xf32, #tpu.memory_space<hbm>>) target(%arg6 : memref<64x768xf32, #tpu.memory_space<vmem>>) offsets(%dma_start3A_5 : memref<64xi32, #tpu.memory_space<vmem>>) semaphore(%arg8 : memref<!tpu.dma_semaphore, #tpu.memory_space<semaphore_mem>>)
    %dma_start3A_9 = arith.constant 1 : i32
    %dma_start3A_10 = arith.constant 0 : i32
    %dma_start3A_11 = tpu.memref_slice %arg5[%dma_start3A_9, %dma_start3A_10] : memref<4x64xi32, #tpu.memory_space<vmem>> -> memref<1x64xi32, #tpu.memory_space<vmem>>
    %dma_start3A_12 = tpu.memref_squeeze %dma_start3A_11 : memref<1x64xi32, #tpu.memory_space<vmem>> -> memref<64xi32, #tpu.memory_space<vmem>>
    %dma_start3A_13 = arith.constant 0 : i32
    %dma_start3A_14 = arith.constant 0 : i32
    %dma_start3A_15 = tpu.memref_slice %arg2[%dma_start3A_13, %dma_start3A_14] : memref<8192x768xf32, #tpu.memory_space<hbm>> -> memref<8192x768xf32, #tpu.memory_space<hbm>>
    tpu.enqueue_indirect_dma source(%dma_start3A_15 : memref<8192x768xf32, #tpu.memory_space<hbm>>) target(%arg7 : memref<64x768xf32, #tpu.memory_space<vmem>>) offsets(%dma_start3A_12 : memref<64xi32, #tpu.memory_space<vmem>>) semaphore(%arg9 : memref<!tpu.dma_semaphore, #tpu.memory_space<semaphore_mem>>)
    %dma_wait3A = arith.constant 0 : i32
    %dma_wait3A_16 = arith.constant 0 : i32
    %dma_wait3A_17 = tpu.memref_slice %arg5[%dma_wait3A, %dma_wait3A_16] : memref<4x64xi32, #tpu.memory_space<vmem>> -> memref<1x64xi32, #tpu.memory_space<vmem>>
    %dma_wait3A_18 = tpu.memref_squeeze %dma_wait3A_17 : memref<1x64xi32, #tpu.memory_space<vmem>> -> memref<64xi32, #tpu.memory_space<vmem>>
    %dma_wait3A_19 = arith.constant 0 : i32
    %dma_wait3A_20 = arith.constant 0 : i32
    %dma_wait3A_21 = tpu.memref_slice %arg2[%dma_wait3A_19, %dma_wait3A_20] : memref<8192x768xf32, #tpu.memory_space<hbm>> -> memref<8192x768xf32, #tpu.memory_space<hbm>>
    tpu.wait_indirect_dma semaphore(%arg8 : memref<!tpu.dma_semaphore, #tpu.memory_space<semaphore_mem>>) src(%dma_wait3A_21 : memref<8192x768xf32, #tpu.memory_space<hbm>>) dst(%arg6 : memref<64x768xf32, #tpu.memory_space<vmem>>)
    %mul3A_22 = arith.constant 256 : i32
    %mul3A_23 = arith.muli %add3A, %mul3A_22 : i32
    %add3A_24 = arith.constant 0 : i32
    %add3A_25 = arith.addi %mul3A_23, %add3A_24 : i32
    "tpu.region"() ({
      %run_scoped3A = tpu.sem_alloc : memref<!tpu.dma_semaphore, #tpu.memory_space<semaphore_mem>>
      %dma_start3A_73 = arith.constant 0 : i32
      %dma_start3A_74 = tpu.memref_slice %arg4[%add3A_25, %dma_start3A_73] : memref<8192x768xf32, #tpu.memory_space<hbm>> -> memref<64x768xf32, #tpu.memory_space<hbm>>
      %dma_start3A_75 = arith.constant 0 : i32
      %dma_start3A_76 = tpu.memref_slice %arg4[%add3A_25, %dma_start3A_75] : memref<8192x768xf32, #tpu.memory_space<hbm>> -> memref<64x768xf32, #tpu.memory_space<hbm>>
      tpu.enqueue_dma source(%arg6 : memref<64x768xf32, #tpu.memory_space<vmem>>) target(%dma_start3A_76 : memref<64x768xf32, #tpu.memory_space<hbm>>) target_semaphore(%run_scoped3A : memref<!tpu.dma_semaphore, #tpu.memory_space<semaphore_mem>>)
      %dma_wait3A_77 = arith.constant 0 : i32
      %dma_wait3A_78 = tpu.memref_slice %arg4[%add3A_25, %dma_wait3A_77] : memref<8192x768xf32, #tpu.memory_space<hbm>> -> memref<64x768xf32, #tpu.memory_space<hbm>>
      %dma_wait3A_79 = arith.constant 0 : i32
      %dma_wait3A_80 = tpu.memref_slice %arg4[%add3A_25, %dma_wait3A_79] : memref<8192x768xf32, #tpu.memory_space<hbm>> -> memref<64x768xf32, #tpu.memory_space<hbm>>
      tpu.wait_dma2 semaphore(%run_scoped3A : memref<!tpu.dma_semaphore, #tpu.memory_space<semaphore_mem>>) src(%arg6 : memref<64x768xf32, #tpu.memory_space<vmem>>) dst(%dma_wait3A_80 : memref<64x768xf32, #tpu.memory_space<hbm>>)
      tpu.yield
    }) : () -> ()
    %dma_start3A_26 = arith.constant 2 : i32
    %dma_start3A_27 = arith.constant 0 : i32
    %dma_start3A_28 = tpu.memref_slice %arg5[%dma_start3A_26, %dma_start3A_27] : memref<4x64xi32, #tpu.memory_space<vmem>> -> memref<1x64xi32, #tpu.memory_space<vmem>>
    %dma_start3A_29 = tpu.memref_squeeze %dma_start3A_28 : memref<1x64xi32, #tpu.memory_space<vmem>> -> memref<64xi32, #tpu.memory_space<vmem>>
    %dma_start3A_30 = arith.constant 0 : i32
    %dma_start3A_31 = arith.constant 0 : i32
    %dma_start3A_32 = tpu.memref_slice %arg2[%dma_start3A_30, %dma_start3A_31] : memref<8192x768xf32, #tpu.memory_space<hbm>> -> memref<8192x768xf32, #tpu.memory_space<hbm>>
    tpu.enqueue_indirect_dma source(%dma_start3A_32 : memref<8192x768xf32, #tpu.memory_space<hbm>>) target(%arg6 : memref<64x768xf32, #tpu.memory_space<vmem>>) offsets(%dma_start3A_29 : memref<64xi32, #tpu.memory_space<vmem>>) semaphore(%arg8 : memref<!tpu.dma_semaphore, #tpu.memory_space<semaphore_mem>>)
    %dma_wait3A_33 = arith.constant 1 : i32
    %dma_wait3A_34 = arith.constant 0 : i32
    %dma_wait3A_35 = tpu.memref_slice %arg5[%dma_wait3A_33, %dma_wait3A_34] : memref<4x64xi32, #tpu.memory_space<vmem>> -> memref<1x64xi32, #tpu.memory_space<vmem>>
    %dma_wait3A_36 = tpu.memref_squeeze %dma_wait3A_35 : memref<1x64xi32, #tpu.memory_space<vmem>> -> memref<64xi32, #tpu.memory_space<vmem>>
    %dma_wait3A_37 = arith.constant 0 : i32
    %dma_wait3A_38 = arith.constant 0 : i32
    %dma_wait3A_39 = tpu.memref_slice %arg2[%dma_wait3A_37, %dma_wait3A_38] : memref<8192x768xf32, #tpu.memory_space<hbm>> -> memref<8192x768xf32, #tpu.memory_space<hbm>>
    tpu.wait_indirect_dma semaphore(%arg9 : memref<!tpu.dma_semaphore, #tpu.memory_space<semaphore_mem>>) src(%dma_wait3A_39 : memref<8192x768xf32, #tpu.memory_space<hbm>>) dst(%arg7 : memref<64x768xf32, #tpu.memory_space<vmem>>)
    %mul3A_40 = arith.constant 256 : i32
    %mul3A_41 = arith.muli %add3A, %mul3A_40 : i32
    %add3A_42 = arith.constant 64 : i32
    %add3A_43 = arith.addi %mul3A_41, %add3A_42 : i32
    "tpu.region"() ({
      %run_scoped3A = tpu.sem_alloc : memref<!tpu.dma_semaphore, #tpu.memory_space<semaphore_mem>>
      %dma_start3A_73 = arith.constant 0 : i32
      %dma_start3A_74 = tpu.memref_slice %arg4[%add3A_43, %dma_start3A_73] : memref<8192x768xf32, #tpu.memory_space<hbm>> -> memref<64x768xf32, #tpu.memory_space<hbm>>
      %dma_start3A_75 = arith.constant 0 : i32
      %dma_start3A_76 = tpu.memref_slice %arg4[%add3A_43, %dma_start3A_75] : memref<8192x768xf32, #tpu.memory_space<hbm>> -> memref<64x768xf32, #tpu.memory_space<hbm>>
      tpu.enqueue_dma source(%arg7 : memref<64x768xf32, #tpu.memory_space<vmem>>) target(%dma_start3A_76 : memref<64x768xf32, #tpu.memory_space<hbm>>) target_semaphore(%run_scoped3A : memref<!tpu.dma_semaphore, #tpu.memory_space<semaphore_mem>>)
      %dma_wait3A_77 = arith.constant 0 : i32
      %dma_wait3A_78 = tpu.memref_slice %arg4[%add3A_43, %dma_wait3A_77] : memref<8192x768xf32, #tpu.memory_space<hbm>> -> memref<64x768xf32, #tpu.memory_space<hbm>>
      %dma_wait3A_79 = arith.constant 0 : i32
      %dma_wait3A_80 = tpu.memref_slice %arg4[%add3A_43, %dma_wait3A_79] : memref<8192x768xf32, #tpu.memory_space<hbm>> -> memref<64x768xf32, #tpu.memory_space<hbm>>
      tpu.wait_dma2 semaphore(%run_scoped3A : memref<!tpu.dma_semaphore, #tpu.memory_space<semaphore_mem>>) src(%arg7 : memref<64x768xf32, #tpu.memory_space<vmem>>) dst(%dma_wait3A_80 : memref<64x768xf32, #tpu.memory_space<hbm>>)
      tpu.yield
    }) : () -> ()
    %dma_start3A_44 = arith.constant 3 : i32
    %dma_start3A_45 = arith.constant 0 : i32
    %dma_start3A_46 = tpu.memref_slice %arg5[%dma_start3A_44, %dma_start3A_45] : memref<4x64xi32, #tpu.memory_space<vmem>> -> memref<1x64xi32, #tpu.memory_space<vmem>>
    %dma_start3A_47 = tpu.memref_squeeze %dma_start3A_46 : memref<1x64xi32, #tpu.memory_space<vmem>> -> memref<64xi32, #tpu.memory_space<vmem>>
    %dma_start3A_48 = arith.constant 0 : i32
    %dma_start3A_49 = arith.constant 0 : i32
    %dma_start3A_50 = tpu.memref_slice %arg2[%dma_start3A_48, %dma_start3A_49] : memref<8192x768xf32, #tpu.memory_space<hbm>> -> memref<8192x768xf32, #tpu.memory_space<hbm>>
    tpu.enqueue_indirect_dma source(%dma_start3A_50 : memref<8192x768xf32, #tpu.memory_space<hbm>>) target(%arg7 : memref<64x768xf32, #tpu.memory_space<vmem>>) offsets(%dma_start3A_47 : memref<64xi32, #tpu.memory_space<vmem>>) semaphore(%arg9 : memref<!tpu.dma_semaphore, #tpu.memory_space<semaphore_mem>>)
    %dma_wait3A_51 = arith.constant 2 : i32
    %dma_wait3A_52 = arith.constant 0 : i32
    %dma_wait3A_53 = tpu.memref_slice %arg5[%dma_wait3A_51, %dma_wait3A_52] : memref<4x64xi32, #tpu.memory_space<vmem>> -> memref<1x64xi32, #tpu.memory_space<vmem>>
    %dma_wait3A_54 = tpu.memref_squeeze %dma_wait3A_53 : memref<1x64xi32, #tpu.memory_space<vmem>> -> memref<64xi32, #tpu.memory_space<vmem>>
    %dma_wait3A_55 = arith.constant 0 : i32
    %dma_wait3A_56 = arith.constant 0 : i32
    %dma_wait3A_57 = tpu.memref_slice %arg2[%dma_wait3A_55, %dma_wait3A_56] : memref<8192x768xf32, #tpu.memory_space<hbm>> -> memref<8192x768xf32, #tpu.memory_space<hbm>>
    tpu.wait_indirect_dma semaphore(%arg8 : memref<!tpu.dma_semaphore, #tpu.memory_space<semaphore_mem>>) src(%dma_wait3A_57 : memref<8192x768xf32, #tpu.memory_space<hbm>>) dst(%arg6 : memref<64x768xf32, #tpu.memory_space<vmem>>)
    %mul3A_58 = arith.constant 256 : i32
    %mul3A_59 = arith.muli %add3A, %mul3A_58 : i32
    %add3A_60 = arith.constant 128 : i32
    %add3A_61 = arith.addi %mul3A_59, %add3A_60 : i32
    "tpu.region"() ({
      %run_scoped3A = tpu.sem_alloc : memref<!tpu.dma_semaphore, #tpu.memory_space<semaphore_mem>>
      %dma_start3A_73 = arith.constant 0 : i32
      %dma_start3A_74 = tpu.memref_slice %arg4[%add3A_61, %dma_start3A_73] : memref<8192x768xf32, #tpu.memory_space<hbm>> -> memref<64x768xf32, #tpu.memory_space<hbm>>
      %dma_start3A_75 = arith.constant 0 : i32
      %dma_start3A_76 = tpu.memref_slice %arg4[%add3A_61, %dma_start3A_75] : memref<8192x768xf32, #tpu.memory_space<hbm>> -> memref<64x768xf32, #tpu.memory_space<hbm>>
      tpu.enqueue_dma source(%arg6 : memref<64x768xf32, #tpu.memory_space<vmem>>) target(%dma_start3A_76 : memref<64x768xf32, #tpu.memory_space<hbm>>) target_semaphore(%run_scoped3A : memref<!tpu.dma_semaphore, #tpu.memory_space<semaphore_mem>>)
      %dma_wait3A_77 = arith.constant 0 : i32
      %dma_wait3A_78 = tpu.memref_slice %arg4[%add3A_61, %dma_wait3A_77] : memref<8192x768xf32, #tpu.memory_space<hbm>> -> memref<64x768xf32, #tpu.memory_space<hbm>>
      %dma_wait3A_79 = arith.constant 0 : i32
      %dma_wait3A_80 = tpu.memref_slice %arg4[%add3A_61, %dma_wait3A_79] : memref<8192x768xf32, #tpu.memory_space<hbm>> -> memref<64x768xf32, #tpu.memory_space<hbm>>
      tpu.wait_dma2 semaphore(%run_scoped3A : memref<!tpu.dma_semaphore, #tpu.memory_space<semaphore_mem>>) src(%arg6 : memref<64x768xf32, #tpu.memory_space<vmem>>) dst(%dma_wait3A_80 : memref<64x768xf32, #tpu.memory_space<hbm>>)
      tpu.yield
    }) : () -> ()
    %dma_wait3A_62 = arith.constant 3 : i32
    %dma_wait3A_63 = arith.constant 0 : i32
    %dma_wait3A_64 = tpu.memref_slice %arg5[%dma_wait3A_62, %dma_wait3A_63] : memref<4x64xi32, #tpu.memory_space<vmem>> -> memref<1x64xi32, #tpu.memory_space<vmem>>
    %dma_wait3A_65 = tpu.memref_squeeze %dma_wait3A_64 : memref<1x64xi32, #tpu.memory_space<vmem>> -> memref<64xi32, #tpu.memory_space<vmem>>
    %dma_wait3A_66 = arith.constant 0 : i32
    %dma_wait3A_67 = arith.constant 0 : i32
    %dma_wait3A_68 = tpu.memref_slice %arg2[%dma_wait3A_66, %dma_wait3A_67] : memref<8192x768xf32, #tpu.memory_space<hbm>> -> memref<8192x768xf32, #tpu.memory_space<hbm>>
    tpu.wait_indirect_dma semaphore(%arg9 : memref<!tpu.dma_semaphore, #tpu.memory_space<semaphore_mem>>) src(%dma_wait3A_68 : memref<8192x768xf32, #tpu.memory_space<hbm>>) dst(%arg7 : memref<64x768xf32, #tpu.memory_space<vmem>>)
    %mul3A_69 = arith.constant 256 : i32
    %mul3A_70 = arith.muli %add3A, %mul3A_69 : i32
    %add3A_71 = arith.constant 192 : i32
    %add3A_72 = arith.addi %mul3A_70, %add3A_71 : i32
    "tpu.region"() ({
      %run_scoped3A = tpu.sem_alloc : memref<!tpu.dma_semaphore, #tpu.memory_space<semaphore_mem>>
      %dma_start3A_73 = arith.constant 0 : i32
      %dma_start3A_74 = tpu.memref_slice %arg4[%add3A_72, %dma_start3A_73] : memref<8192x768xf32, #tpu.memory_space<hbm>> -> memref<64x768xf32, #tpu.memory_space<hbm>>
      %dma_start3A_75 = arith.constant 0 : i32
      %dma_start3A_76 = tpu.memref_slice %arg4[%add3A_72, %dma_start3A_75] : memref<8192x768xf32, #tpu.memory_space<hbm>> -> memref<64x768xf32, #tpu.memory_space<hbm>>
      tpu.enqueue_dma source(%arg7 : memref<64x768xf32, #tpu.memory_space<vmem>>) target(%dma_start3A_76 : memref<64x768xf32, #tpu.memory_space<hbm>>) target_semaphore(%run_scoped3A : memref<!tpu.dma_semaphore, #tpu.memory_space<semaphore_mem>>)
      %dma_wait3A_77 = arith.constant 0 : i32
      %dma_wait3A_78 = tpu.memref_slice %arg4[%add3A_72, %dma_wait3A_77] : memref<8192x768xf32, #tpu.memory_space<hbm>> -> memref<64x768xf32, #tpu.memory_space<hbm>>
      %dma_wait3A_79 = arith.constant 0 : i32
      %dma_wait3A_80 = tpu.memref_slice %arg4[%add3A_72, %dma_wait3A_79] : memref<8192x768xf32, #tpu.memory_space<hbm>> -> memref<64x768xf32, #tpu.memory_space<hbm>>
      tpu.wait_dma2 semaphore(%run_scoped3A : memref<!tpu.dma_semaphore, #tpu.memory_space<semaphore_mem>>) src(%arg7 : memref<64x768xf32, #tpu.memory_space<vmem>>) dst(%dma_wait3A_80 : memref<64x768xf32, #tpu.memory_space<hbm>>)
      tpu.yield
    }) : () -> ()
    return
  }
}

module attributes {stable_mosaic.version = 14 : i64} {
  func.func @_phase1_body(%arg0: i32, %arg1: memref<256x768xf32, #tpu.memory_space<vmem>>, %arg2: memref<768x8xf32, #tpu.memory_space<vmem>>, %arg3: memref<1x8xf32, #tpu.memory_space<vmem>>, %arg4: memref<1x768xf32, #tpu.memory_space<vmem>>, %arg5: memref<1x768xf32, #tpu.memory_space<vmem>>, %arg6: memref<768x64xf32, #tpu.memory_space<vmem>>, %arg7: memref<1x64xf32, #tpu.memory_space<vmem>>, %arg8: memref<256x768xf32, #tpu.memory_space<vmem>>, %arg9: memref<256x16xf32, #tpu.memory_space<vmem>>) attributes {dimension_semantics = [#tpu.dimension_semantics<arbitrary>], iteration_bounds = array<i64: 8>, scalar_prefetch = 0 : i64, scratch_operands = 0 : i64, tpu.core_type = #tpu.core_type<tc>, window_params = [{transform_indices = @transform_0, window_bounds = array<i64: 256, 768>}, {pipeline_mode = #tpu.pipeline_mode<synchronous>, transform_indices = @transform_1, window_bounds = array<i64: 768, 8>}, {pipeline_mode = #tpu.pipeline_mode<synchronous>, transform_indices = @transform_2, window_bounds = array<i64: 1, 8>}, {pipeline_mode = #tpu.pipeline_mode<synchronous>, transform_indices = @transform_3, window_bounds = array<i64: 1, 768>}, {pipeline_mode = #tpu.pipeline_mode<synchronous>, transform_indices = @transform_4, window_bounds = array<i64: 1, 768>}, {pipeline_mode = #tpu.pipeline_mode<synchronous>, transform_indices = @transform_5, window_bounds = array<i64: 768, 64>}, {pipeline_mode = #tpu.pipeline_mode<synchronous>, transform_indices = @transform_6, window_bounds = array<i64: 1, 64>}, {transform_indices = @transform_7, window_bounds = array<i64: 256, 768>}, {transform_indices = @transform_8, window_bounds = array<i64: 256, 16>}]} {
    %get3A = arith.constant 0 : index
    %get3A_0 = arith.constant 0 : index
    %get3A_1 = vector.load %arg1[%get3A, %get3A_0] : memref<256x768xf32, #tpu.memory_space<vmem>>, vector<256x768xf32>
    %reduce_sum3A = arith.constant dense<0.000000e+00> : vector<256xf32>
    %reduce_sum3A_2 = vector.multi_reduction <add>, %get3A_1, %reduce_sum3A [1] : vector<256x768xf32> to vector<256xf32>
    %broadcast_in_dim3A = vector.shape_cast %reduce_sum3A_2 : vector<256xf32> to vector<256x1xf32>
    %div3A = arith.constant 7.680000e+02 : f32
    %div3A_3 = vector.broadcast %div3A : f32 to vector<256x1xf32>
    %div3A_4 = arith.divf %broadcast_in_dim3A, %div3A_3 : vector<256x1xf32>
    %sub3A = vector.broadcast %div3A_4 : vector<256x1xf32> to vector<256x768xf32>
    %sub3A_5 = arith.subf %get3A_1, %sub3A : vector<256x768xf32>
    %mul3A = arith.mulf %sub3A_5, %sub3A_5 : vector<256x768xf32>
    %reduce_sum3A_6 = arith.constant dense<0.000000e+00> : vector<256xf32>
    %reduce_sum3A_7 = vector.multi_reduction <add>, %mul3A, %reduce_sum3A_6 [1] : vector<256x768xf32> to vector<256xf32>
    %broadcast_in_dim3A_8 = vector.shape_cast %reduce_sum3A_7 : vector<256xf32> to vector<256x1xf32>
    %div3A_9 = arith.constant 7.680000e+02 : f32
    %div3A_10 = vector.broadcast %div3A_9 : f32 to vector<256x1xf32>
    %div3A_11 = arith.divf %broadcast_in_dim3A_8, %div3A_10 : vector<256x1xf32>
    %add3A = arith.constant 9.99999974E-6 : f32
    %add3A_12 = vector.broadcast %add3A : f32 to vector<256x1xf32>
    %add3A_13 = arith.addf %div3A_11, %add3A_12 : vector<256x1xf32>
    %rsqrt3A = math.rsqrt %add3A_13 : vector<256x1xf32>
    %mul3A_14 = vector.broadcast %rsqrt3A : vector<256x1xf32> to vector<256x768xf32>
    %mul3A_15 = arith.mulf %sub3A_5, %mul3A_14 : vector<256x768xf32>
    %get3A_16 = arith.constant 0 : index
    %get3A_17 = arith.constant 0 : index
    %get3A_18 = vector.load %arg4[%get3A_16, %get3A_17] : memref<1x768xf32, #tpu.memory_space<vmem>>, vector<1x768xf32>
    %mul3A_19 = vector.broadcast %get3A_18 : vector<1x768xf32> to vector<256x768xf32>
    %mul3A_20 = arith.mulf %mul3A_15, %mul3A_19 : vector<256x768xf32>
    %get3A_21 = arith.constant 0 : index
    %get3A_22 = arith.constant 0 : index
    %get3A_23 = vector.load %arg5[%get3A_21, %get3A_22] : memref<1x768xf32, #tpu.memory_space<vmem>>, vector<1x768xf32>
    %add3A_24 = vector.broadcast %get3A_23 : vector<1x768xf32> to vector<256x768xf32>
    %add3A_25 = arith.addf %mul3A_20, %add3A_24 : vector<256x768xf32>
    %swap3A = arith.constant 0 : index
    %swap3A_26 = arith.constant 0 : index
    %swap3A_27 = vector.load %arg8[%swap3A, %swap3A_26] : memref<256x768xf32, #tpu.memory_space<vmem>>, vector<256x768xf32>
    tpu.vector_store %arg8[%swap3A, %swap3A_26], %add3A_25 {strides = array<i32>} : memref<256x768xf32, #tpu.memory_space<vmem>>, vector<256x768xf32>,
    %get3A_28 = arith.constant 0 : index
    %get3A_29 = arith.constant 0 : index
    %get3A_30 = vector.load %arg2[%get3A_28, %get3A_29] : memref<768x8xf32, #tpu.memory_space<vmem>>, vector<768x8xf32>
    %dot_general3A = arith.constant dense<0.000000e+00> : vector<256x8xf32>
    %dot_general3A_31 = tpu.matmul %get3A_1, %get3A_30, %dot_general3A {dimension_numbers = #tpu.dot_dimension_numbers<[1], [0], [0], [1], [0, 0, 1, 1], [], []>, transpose_lhs_hint = false} : vector<256x768xf32>, vector<768x8xf32>, vector<256x8xf32> -> vector<256x8xf32>
    %get3A_32 = arith.constant 0 : index
    %get3A_33 = arith.constant 0 : index
    %get3A_34 = vector.load %arg3[%get3A_32, %get3A_33] : memref<1x8xf32, #tpu.memory_space<vmem>>, vector<1x8xf32>
    %add3A_35 = vector.broadcast %get3A_34 : vector<1x8xf32> to vector<256x8xf32>
    %add3A_36 = arith.addf %dot_general3A_31, %add3A_35 : vector<256x8xf32>
    %get3A_37 = arith.constant 0 : index
    %get3A_38 = arith.constant 0 : index
    %get3A_39 = vector.load %arg6[%get3A_37, %get3A_38] : memref<768x64xf32, #tpu.memory_space<vmem>>, vector<768x64xf32>
    %dot_general3A_40 = arith.constant dense<0.000000e+00> : vector<256x64xf32>
    %dot_general3A_41 = tpu.matmul %add3A_25, %get3A_39, %dot_general3A_40 {dimension_numbers = #tpu.dot_dimension_numbers<[1], [0], [0], [1], [0, 0, 1, 1], [], []>, transpose_lhs_hint = false} : vector<256x768xf32>, vector<768x64xf32>, vector<256x64xf32> -> vector<256x64xf32>
    %get3A_42 = arith.constant 0 : index
    %get3A_43 = arith.constant 0 : index
    %get3A_44 = vector.load %arg7[%get3A_42, %get3A_43] : memref<1x64xf32, #tpu.memory_space<vmem>>, vector<1x64xf32>
    %add3A_45 = vector.broadcast %get3A_44 : vector<1x64xf32> to vector<256x64xf32>
    %add3A_46 = arith.addf %dot_general3A_41, %add3A_45 : vector<256x64xf32>
    %iota3A = tpu.iota {dimensions = array<i32: 1>} : vector<256x8xi32>
    %reduce_max3A = arith.constant dense<0xFF800000> : vector<256xf32>
    %reduce_max3A_47 = vector.multi_reduction <maximumf>, %add3A_36, %reduce_max3A [1] : vector<256x8xf32> to vector<256xf32>
    %broadcast_in_dim3A_48 = vector.shape_cast %reduce_max3A_47 : vector<256xf32> to vector<256x1xf32>
    %eq3A = vector.broadcast %broadcast_in_dim3A_48 : vector<256x1xf32> to vector<256x8xf32>
    %eq3A_49 = arith.cmpf oeq, %add3A_36, %eq3A : vector<256x8xf32>
    %jit3A = arith.constant 8 : i32
    %broadcast_in_dim3A_50 = vector.broadcast %jit3A : i32 to vector<256x8xi32>
    %select_n3A = arith.select %eq3A_49, %iota3A, %broadcast_in_dim3A_50 : vector<256x8xi1>, vector<256x8xi32>
    %reduce_min3A = arith.constant dense<2147483647> : vector<256xi32>
    %reduce_min3A_51 = vector.multi_reduction <minsi>, %select_n3A, %reduce_min3A [1] : vector<256x8xi32> to vector<256xi32>
    %broadcast_in_dim3A_52 = vector.shape_cast %reduce_min3A_51 : vector<256xi32> to vector<256x1xi32>
    %eq3A_53 = vector.broadcast %broadcast_in_dim3A_52 : vector<256x1xi32> to vector<256x8xi32>
    %eq3A_54 = arith.cmpi eq, %iota3A, %eq3A_53 : vector<256x8xi32>
    %jit3A_55 = arith.constant 0xFF800000 : f32
    %broadcast_in_dim3A_56 = vector.broadcast %jit3A_55 : f32 to vector<256x8xf32>
    %select_n3A_57 = arith.select %eq3A_54, %broadcast_in_dim3A_56, %add3A_36 : vector<256x8xi1>, vector<256x8xf32>
    %reduce_max3A_58 = arith.constant dense<0xFF800000> : vector<256xf32>
    %reduce_max3A_59 = vector.multi_reduction <maximumf>, %select_n3A_57, %reduce_max3A_58 [1] : vector<256x8xf32> to vector<256xf32>
    %broadcast_in_dim3A_60 = vector.shape_cast %reduce_max3A_59 : vector<256xf32> to vector<256x1xf32>
    %eq3A_61 = vector.broadcast %broadcast_in_dim3A_60 : vector<256x1xf32> to vector<256x8xf32>
    %eq3A_62 = arith.cmpf oeq, %select_n3A_57, %eq3A_61 : vector<256x8xf32>
    %jit3A_63 = arith.constant 8 : i32
    %broadcast_in_dim3A_64 = vector.broadcast %jit3A_63 : i32 to vector<256x8xi32>
    %select_n3A_65 = arith.select %eq3A_62, %iota3A, %broadcast_in_dim3A_64 : vector<256x8xi1>, vector<256x8xi32>
    %reduce_min3A_66 = arith.constant dense<2147483647> : vector<256xi32>
    %reduce_min3A_67 = vector.multi_reduction <minsi>, %select_n3A_65, %reduce_min3A_66 [1] : vector<256x8xi32> to vector<256xi32>
    %broadcast_in_dim3A_68 = vector.shape_cast %reduce_min3A_67 : vector<256xi32> to vector<256x1xi32>
    %sub3A_69 = arith.subf %broadcast_in_dim3A_48, %broadcast_in_dim3A_60 : vector<256x1xf32>
    %exp3A = math.exp %sub3A_69 : vector<256x1xf32>
    %add3A_70 = arith.constant 1.000000e+00 : f32
    %add3A_71 = vector.broadcast %add3A_70 : f32 to vector<256x1xf32>
    %add3A_72 = arith.addf %add3A_71, %exp3A : vector<256x1xf32>
    %div3A_73 = arith.constant 1.000000e+00 : f32
    %div3A_74 = vector.broadcast %div3A_73 : f32 to vector<256x1xf32>
    %div3A_75 = arith.divf %div3A_74, %add3A_72 : vector<256x1xf32>
    %sub3A_76 = arith.constant 1.000000e+00 : f32
    %sub3A_77 = vector.broadcast %sub3A_76 : f32 to vector<256x1xf32>
    %sub3A_78 = arith.subf %sub3A_77, %div3A_75 : vector<256x1xf32>
    %reshape3A = vector.shape_cast %add3A_46 : vector<256x64xf32> to vector<256x8x8xf32>
    %iota3A_79 = tpu.iota {dimensions = array<i32: 2>} : vector<256x8x8xi32>
    %reduce_max3A_80 = arith.constant dense<0xFF800000> : vector<256x8xf32>
    %reduce_max3A_81 = vector.multi_reduction <maximumf>, %reshape3A, %reduce_max3A_80 [2] : vector<256x8x8xf32> to vector<256x8xf32>
    %broadcast_in_dim3A_82 = vector.shape_cast %reduce_max3A_81 : vector<256x8xf32> to vector<256x8x1xf32>
    %eq3A_83 = vector.broadcast %broadcast_in_dim3A_82 : vector<256x8x1xf32> to vector<256x8x8xf32>
    %eq3A_84 = arith.cmpf oeq, %reshape3A, %eq3A_83 : vector<256x8x8xf32>
    %jit3A_85 = arith.constant 8 : i32
    %broadcast_in_dim3A_86 = vector.broadcast %jit3A_85 : i32 to vector<256x8x8xi32>
    %select_n3A_87 = arith.select %eq3A_84, %iota3A_79, %broadcast_in_dim3A_86 : vector<256x8x8xi1>, vector<256x8x8xi32>
    %reduce_min3A_88 = arith.constant dense<2147483647> : vector<256x8xi32>
    %reduce_min3A_89 = vector.multi_reduction <minsi>, %select_n3A_87, %reduce_min3A_88 [2] : vector<256x8x8xi32> to vector<256x8xi32>
    %broadcast_in_dim3A_90 = vector.shape_cast %reduce_min3A_89 : vector<256x8xi32> to vector<256x8x1xi32>
    %eq3A_91 = vector.broadcast %broadcast_in_dim3A_90 : vector<256x8x1xi32> to vector<256x8x8xi32>
    %eq3A_92 = arith.cmpi eq, %iota3A_79, %eq3A_91 : vector<256x8x8xi32>
    %jit3A_93 = arith.constant 0xFF800000 : f32
    %broadcast_in_dim3A_94 = vector.broadcast %jit3A_93 : f32 to vector<256x8x8xf32>
    %select_n3A_95 = arith.select %eq3A_92, %broadcast_in_dim3A_94, %reshape3A : vector<256x8x8xi1>, vector<256x8x8xf32>
    %reduce_max3A_96 = arith.constant dense<0xFF800000> : vector<256x8xf32>
    %reduce_max3A_97 = vector.multi_reduction <maximumf>, %select_n3A_95, %reduce_max3A_96 [2] : vector<256x8x8xf32> to vector<256x8xf32>
    %broadcast_in_dim3A_98 = vector.shape_cast %reduce_max3A_97 : vector<256x8xf32> to vector<256x8x1xf32>
    %eq3A_99 = vector.broadcast %broadcast_in_dim3A_98 : vector<256x8x1xf32> to vector<256x8x8xf32>
    %eq3A_100 = arith.cmpf oeq, %select_n3A_95, %eq3A_99 : vector<256x8x8xf32>
    %jit3A_101 = arith.constant 8 : i32
    %broadcast_in_dim3A_102 = vector.broadcast %jit3A_101 : i32 to vector<256x8x8xi32>
    %select_n3A_103 = arith.select %eq3A_100, %iota3A_79, %broadcast_in_dim3A_102 : vector<256x8x8xi1>, vector<256x8x8xi32>
    %reduce_min3A_104 = arith.constant dense<2147483647> : vector<256x8xi32>
    %reduce_min3A_105 = vector.multi_reduction <minsi>, %select_n3A_103, %reduce_min3A_104 [2] : vector<256x8x8xi32> to vector<256x8xi32>
    %broadcast_in_dim3A_106 = vector.shape_cast %reduce_min3A_105 : vector<256x8xi32> to vector<256x8x1xi32>
    %sub3A_107 = arith.subf %broadcast_in_dim3A_82, %broadcast_in_dim3A_98 : vector<256x8x1xf32>
    %exp3A_108 = math.exp %sub3A_107 : vector<256x8x1xf32>
    %add3A_109 = arith.constant 1.000000e+00 : f32
    %add3A_110 = vector.broadcast %add3A_109 : f32 to vector<256x8x1xf32>
    %add3A_111 = arith.addf %add3A_110, %exp3A_108 : vector<256x8x1xf32>
    %div3A_112 = arith.constant 1.000000e+00 : f32
    %div3A_113 = vector.broadcast %div3A_112 : f32 to vector<256x8x1xf32>
    %div3A_114 = arith.divf %div3A_113, %add3A_111 : vector<256x8x1xf32>
    %squeeze3A = vector.shape_cast %broadcast_in_dim3A_90 : vector<256x8x1xi32> to vector<256x8xi32>
    %convert_element_type3A = arith.sitofp %squeeze3A : vector<256x8xi32> to vector<256x8xf32>
    %squeeze3A_115 = vector.shape_cast %broadcast_in_dim3A_106 : vector<256x8x1xi32> to vector<256x8xi32>
    %convert_element_type3A_116 = arith.sitofp %squeeze3A_115 : vector<256x8xi32> to vector<256x8xf32>
    %squeeze3A_117 = vector.shape_cast %div3A_114 : vector<256x8x1xf32> to vector<256x8xf32>
    %sub3A_118 = arith.constant 1.000000e+00 : f32
    %sub3A_119 = vector.broadcast %sub3A_118 : f32 to vector<256x8xf32>
    %sub3A_120 = arith.subf %sub3A_119, %squeeze3A_117 : vector<256x8xf32>
    %eq3A_121 = vector.broadcast %broadcast_in_dim3A_52 : vector<256x1xi32> to vector<256x8xi32>
    %eq3A_122 = arith.cmpi eq, %iota3A, %eq3A_121 : vector<256x8xi32>
    %convert_element_type3A_123 = arith.extui %eq3A_122 : vector<256x8xi1> to vector<256x8xi32>
    %convert_element_type3A_124 = arith.sitofp %convert_element_type3A_123 : vector<256x8xi32> to vector<256x8xf32>
    %eq3A_125 = vector.broadcast %broadcast_in_dim3A_68 : vector<256x1xi32> to vector<256x8xi32>
    %eq3A_126 = arith.cmpi eq, %iota3A, %eq3A_125 : vector<256x8xi32>
    %convert_element_type3A_127 = arith.extui %eq3A_126 : vector<256x8xi1> to vector<256x8xi32>
    %convert_element_type3A_128 = arith.sitofp %convert_element_type3A_127 : vector<256x8xi32> to vector<256x8xf32>
    %convert_element_type3A_129 = arith.sitofp %broadcast_in_dim3A_52 : vector<256x1xi32> to vector<256x1xf32>
    %convert_element_type3A_130 = arith.sitofp %broadcast_in_dim3A_68 : vector<256x1xi32> to vector<256x1xf32>
    %mul3A_131 = arith.mulf %convert_element_type3A_124, %convert_element_type3A : vector<256x8xf32>
    %reduce_sum3A_132 = arith.constant dense<0.000000e+00> : vector<256xf32>
    %reduce_sum3A_133 = vector.multi_reduction <add>, %mul3A_131, %reduce_sum3A_132 [1] : vector<256x8xf32> to vector<256xf32>
    %broadcast_in_dim3A_134 = vector.shape_cast %reduce_sum3A_133 : vector<256xf32> to vector<256x1xf32>
    %mul3A_135 = arith.mulf %convert_element_type3A_124, %convert_element_type3A_116 : vector<256x8xf32>
    %reduce_sum3A_136 = arith.constant dense<0.000000e+00> : vector<256xf32>
    %reduce_sum3A_137 = vector.multi_reduction <add>, %mul3A_135, %reduce_sum3A_136 [1] : vector<256x8xf32> to vector<256xf32>
    %broadcast_in_dim3A_138 = vector.shape_cast %reduce_sum3A_137 : vector<256xf32> to vector<256x1xf32>
    %mul3A_139 = arith.mulf %convert_element_type3A_128, %convert_element_type3A : vector<256x8xf32>
    %reduce_sum3A_140 = arith.constant dense<0.000000e+00> : vector<256xf32>
    %reduce_sum3A_141 = vector.multi_reduction <add>, %mul3A_139, %reduce_sum3A_140 [1] : vector<256x8xf32> to vector<256xf32>
    %broadcast_in_dim3A_142 = vector.shape_cast %reduce_sum3A_141 : vector<256xf32> to vector<256x1xf32>
    %mul3A_143 = arith.mulf %convert_element_type3A_128, %convert_element_type3A_116 : vector<256x8xf32>
    %reduce_sum3A_144 = arith.constant dense<0.000000e+00> : vector<256xf32>
    %reduce_sum3A_145 = vector.multi_reduction <add>, %mul3A_143, %reduce_sum3A_144 [1] : vector<256x8xf32> to vector<256xf32>
    %broadcast_in_dim3A_146 = vector.shape_cast %reduce_sum3A_145 : vector<256xf32> to vector<256x1xf32>
    %mul3A_147 = arith.mulf %convert_element_type3A_124, %sub3A_120 : vector<256x8xf32>
    %reduce_sum3A_148 = arith.constant dense<0.000000e+00> : vector<256xf32>
    %reduce_sum3A_149 = vector.multi_reduction <add>, %mul3A_147, %reduce_sum3A_148 [1] : vector<256x8xf32> to vector<256xf32>
    %broadcast_in_dim3A_150 = vector.shape_cast %reduce_sum3A_149 : vector<256xf32> to vector<256x1xf32>
    %mul3A_151 = arith.mulf %convert_element_type3A_124, %squeeze3A_117 : vector<256x8xf32>
    %reduce_sum3A_152 = arith.constant dense<0.000000e+00> : vector<256xf32>
    %reduce_sum3A_153 = vector.multi_reduction <add>, %mul3A_151, %reduce_sum3A_152 [1] : vector<256x8xf32> to vector<256xf32>
    %broadcast_in_dim3A_154 = vector.shape_cast %reduce_sum3A_153 : vector<256xf32> to vector<256x1xf32>
    %mul3A_155 = arith.mulf %convert_element_type3A_128, %sub3A_120 : vector<256x8xf32>
    %reduce_sum3A_156 = arith.constant dense<0.000000e+00> : vector<256xf32>
    %reduce_sum3A_157 = vector.multi_reduction <add>, %mul3A_155, %reduce_sum3A_156 [1] : vector<256x8xf32> to vector<256xf32>
    %broadcast_in_dim3A_158 = vector.shape_cast %reduce_sum3A_157 : vector<256xf32> to vector<256x1xf32>
    %mul3A_159 = arith.mulf %convert_element_type3A_128, %squeeze3A_117 : vector<256x8xf32>
    %reduce_sum3A_160 = arith.constant dense<0.000000e+00> : vector<256xf32>
    %reduce_sum3A_161 = vector.multi_reduction <add>, %mul3A_159, %reduce_sum3A_160 [1] : vector<256x8xf32> to vector<256xf32>
    %broadcast_in_dim3A_162 = vector.shape_cast %reduce_sum3A_161 : vector<256xf32> to vector<256x1xf32>
    %broadcast_in_dim3A_163 = arith.constant 0.000000e+00 : f32
    %broadcast_in_dim3A_164 = vector.broadcast %broadcast_in_dim3A_163 : f32 to vector<256x4xf32>
    %concatenate3A = tpu.concatenate %convert_element_type3A_129, %convert_element_type3A_130, %sub3A_78, %div3A_75, %broadcast_in_dim3A_134, %broadcast_in_dim3A_138, %broadcast_in_dim3A_142, %broadcast_in_dim3A_146, %broadcast_in_dim3A_150, %broadcast_in_dim3A_154, %broadcast_in_dim3A_158, %broadcast_in_dim3A_162, %broadcast_in_dim3A_164 in 1 : vector<256x1xf32>, vector<256x1xf32>, vector<256x1xf32>, vector<256x1xf32>, vector<256x1xf32>, vector<256x1xf32>, vector<256x1xf32>, vector<256x1xf32>, vector<256x1xf32>, vector<256x1xf32>, vector<256x1xf32>, vector<256x1xf32>, vector<256x4xf32> -> vector<256x16xf32>
    %swap3A_165 = arith.constant 0 : index
    %swap3A_166 = arith.constant 0 : index
    %swap3A_167 = vector.load %arg9[%swap3A_165, %swap3A_166] : memref<256x16xf32, #tpu.memory_space<vmem>>, vector<256x16xf32>
    tpu.vector_store %arg9[%swap3A_165, %swap3A_166], %concatenate3A {strides = array<i32>} : memref<256x16xf32, #tpu.memory_space<vmem>>, vector<256x16xf32>,
    return
  }
  func.func @transform_0(%arg0: i32) -> (i32, i32) {
    %c0_i32 = arith.constant 0 : i32
    %c0_i32_0 = arith.constant 0 : i32
    return %arg0, %c0_i32 : i32, i32
  }
  func.func @transform_1(%arg0: i32) -> (i32, i32) {
    %c0_i32 = arith.constant 0 : i32
    %c0_i32_0 = arith.constant 0 : i32
    %c0_i32_1 = arith.constant 0 : i32
    return %c0_i32, %c0_i32_0 : i32, i32
  }
  func.func @transform_2(%arg0: i32) -> (i32, i32) {
    %c0_i32 = arith.constant 0 : i32
    %c0_i32_0 = arith.constant 0 : i32
    %c0_i32_1 = arith.constant 0 : i32
    return %c0_i32, %c0_i32_0 : i32, i32
  }
  func.func @transform_3(%arg0: i32) -> (i32, i32) {
    %c0_i32 = arith.constant 0 : i32
    %c0_i32_0 = arith.constant 0 : i32
    %c0_i32_1 = arith.constant 0 : i32
    return %c0_i32, %c0_i32_0 : i32, i32
  }
  func.func @transform_4(%arg0: i32) -> (i32, i32) {
    %c0_i32 = arith.constant 0 : i32
    %c0_i32_0 = arith.constant 0 : i32
    %c0_i32_1 = arith.constant 0 : i32
    return %c0_i32, %c0_i32_0 : i32, i32
  }
  func.func @transform_5(%arg0: i32) -> (i32, i32) {
    %c0_i32 = arith.constant 0 : i32
    %c0_i32_0 = arith.constant 0 : i32
    %c0_i32_1 = arith.constant 0 : i32
    return %c0_i32, %c0_i32_0 : i32, i32
  }
  func.func @transform_6(%arg0: i32) -> (i32, i32) {
    %c0_i32 = arith.constant 0 : i32
    %c0_i32_0 = arith.constant 0 : i32
    %c0_i32_1 = arith.constant 0 : i32
    return %c0_i32, %c0_i32_0 : i32, i32
  }
  func.func @transform_7(%arg0: i32) -> (i32, i32) {
    %c0_i32 = arith.constant 0 : i32
    %c0_i32_0 = arith.constant 0 : i32
    return %arg0, %c0_i32 : i32, i32
  }
  func.func @transform_8(%arg0: i32) -> (i32, i32) {
    %c0_i32 = arith.constant 0 : i32
    %c0_i32_0 = arith.constant 0 : i32
    return %arg0, %c0_i32 : i32, i32
  }
}

module attributes {stable_mosaic.version = 14 : i64} {
  func.func @_ff_body(%arg0: i32, %arg1: memref<95xi32, #tpu.memory_space<smem>>, %arg2: memref<95xi32, #tpu.memory_space<smem>>, %arg3: memref<95xi32, #tpu.memory_space<smem>>, %arg4: memref<256x768xf32, #tpu.memory_space<vmem>>, %arg5: memref<256x1xi32, #tpu.memory_space<vmem>>, %arg6: memref<256x1xf32, #tpu.memory_space<vmem>>, %arg7: memref<1x768x1536xf32, #tpu.memory_space<vmem>>, %arg8: memref<1x1x1536xf32, #tpu.memory_space<vmem>>, %arg9: memref<1x1536x768xf32, #tpu.memory_space<vmem>>, %arg10: memref<1x1x768xf32, #tpu.memory_space<vmem>>, %arg11: memref<256x768xf32, #tpu.memory_space<vmem>>) attributes {dimension_semantics = [#tpu.dimension_semantics<arbitrary>], iteration_bounds = array<i64: 95>, scalar_prefetch = 3 : i64, scratch_operands = 0 : i64, tpu.core_type = #tpu.core_type<tc>, window_params = [{transform_indices = @transform_0, window_bounds = array<i64: 256, 768>}, {transform_indices = @transform_1, window_bounds = array<i64: 256, 1>}, {transform_indices = @transform_2, window_bounds = array<i64: 256, 1>}, {transform_indices = @transform_3, window_bounds = array<i64: 1, 768, 1536>}, {transform_indices = @transform_4, window_bounds = array<i64: 1, 1, 1536>}, {transform_indices = @transform_5, window_bounds = array<i64: 1, 1536, 768>}, {transform_indices = @transform_6, window_bounds = array<i64: 1, 1, 768>}, {transform_indices = @transform_7, window_bounds = array<i64: 256, 768>}]} {
    %get3A = arith.index_cast %arg0 : i32 to index
    %get3A_0 = memref.load %arg3[%get3A] : memref<95xi32, #tpu.memory_space<smem>>
    %get3A_1 = arith.constant 0 : index
    %get3A_2 = arith.constant 0 : index
    %get3A_3 = vector.load %arg4[%get3A_1, %get3A_2] : memref<256x768xf32, #tpu.memory_space<vmem>>, vector<256x768xf32>
    %get3A_4 = arith.constant 0 : index
    %get3A_5 = arith.constant 0 : index
    %get3A_6 = arith.constant 0 : index
    %get3A_7 = vector.load %arg7[%get3A_4, %get3A_5, %get3A_6] : memref<1x768x1536xf32, #tpu.memory_space<vmem>>, vector<1x768x1536xf32>
    %get3A_8 = vector.shape_cast %get3A_7 : vector<1x768x1536xf32> to vector<768x1536xf32>
    %dot_general3A = arith.constant dense<0.000000e+00> : vector<256x1536xf32>
    %dot_general3A_9 = tpu.matmul %get3A_3, %get3A_8, %dot_general3A {dimension_numbers = #tpu.dot_dimension_numbers<[1], [0], [0], [1], [0, 0, 1, 1], [], []>, transpose_lhs_hint = false} : vector<256x768xf32>, vector<768x1536xf32>, vector<256x1536xf32> -> vector<256x1536xf32>
    %get3A_10 = arith.constant 0 : index
    %get3A_11 = arith.constant 0 : index
    %get3A_12 = arith.constant 0 : index
    %get3A_13 = vector.load %arg8[%get3A_10, %get3A_11, %get3A_12] : memref<1x1x1536xf32, #tpu.memory_space<vmem>>, vector<1x1x1536xf32>
    %get3A_14 = vector.shape_cast %get3A_13 : vector<1x1x1536xf32> to vector<1x1536xf32>
    %add3A = vector.broadcast %get3A_14 : vector<1x1536xf32> to vector<256x1536xf32>
    %add3A_15 = arith.addf %dot_general3A_9, %add3A : vector<256x1536xf32>
    %max3A = arith.constant 0.000000e+00 : f32
    %max3A_16 = vector.broadcast %max3A : f32 to vector<256x1536xf32>
    %max3A_17 = arith.maximumf %add3A_15, %max3A_16 : vector<256x1536xf32>
    %get3A_18 = arith.constant 0 : index
    %get3A_19 = arith.constant 0 : index
    %get3A_20 = arith.constant 0 : index
    %get3A_21 = vector.load %arg9[%get3A_18, %get3A_19, %get3A_20] : memref<1x1536x768xf32, #tpu.memory_space<vmem>>, vector<1x1536x768xf32>
    %get3A_22 = vector.shape_cast %get3A_21 : vector<1x1536x768xf32> to vector<1536x768xf32>
    %dot_general3A_23 = arith.constant dense<0.000000e+00> : vector<256x768xf32>
    %dot_general3A_24 = tpu.matmul %max3A_17, %get3A_22, %dot_general3A_23 {dimension_numbers = #tpu.dot_dimension_numbers<[1], [0], [0], [1], [0, 0, 1, 1], [], []>, transpose_lhs_hint = false} : vector<256x1536xf32>, vector<1536x768xf32>, vector<256x768xf32> -> vector<256x768xf32>
    %get3A_25 = arith.constant 0 : index
    %get3A_26 = arith.constant 0 : index
    %get3A_27 = arith.constant 0 : index
    %get3A_28 = vector.load %arg10[%get3A_25, %get3A_26, %get3A_27] : memref<1x1x768xf32, #tpu.memory_space<vmem>>, vector<1x1x768xf32>
    %get3A_29 = vector.shape_cast %get3A_28 : vector<1x1x768xf32> to vector<1x768xf32>
    %add3A_30 = vector.broadcast %get3A_29 : vector<1x768xf32> to vector<256x768xf32>
    %add3A_31 = arith.addf %dot_general3A_24, %add3A_30 : vector<256x768xf32>
    %get3A_32 = arith.constant 0 : index
    %get3A_33 = arith.constant 0 : index
    %get3A_34 = vector.load %arg5[%get3A_32, %get3A_33] : memref<256x1xi32, #tpu.memory_space<vmem>>, vector<256x1xi32>
    %eq3A = vector.broadcast %get3A_0 : i32 to vector<256x1xi32>
    %eq3A_35 = arith.cmpi eq, %get3A_34, %eq3A : vector<256x1xi32>
    %get3A_36 = arith.constant 0 : index
    %get3A_37 = arith.constant 0 : index
    %get3A_38 = vector.load %arg6[%get3A_36, %get3A_37] : memref<256x1xf32, #tpu.memory_space<vmem>>, vector<256x1xf32>
    %jit3A = arith.constant 0.000000e+00 : f32
    %broadcast_in_dim3A = vector.broadcast %jit3A : f32 to vector<256x1xf32>
    %select_n3A = arith.select %eq3A_35, %get3A_38, %broadcast_in_dim3A : vector<256x1xi1>, vector<256x1xf32>
    %mul3A = vector.broadcast %select_n3A : vector<256x1xf32> to vector<256x768xf32>
    %mul3A_39 = arith.mulf %add3A_31, %mul3A : vector<256x768xf32>
    %eq3A_40 = arith.constant 0 : i32
    %eq3A_41 = arith.cmpi eq, %arg0, %eq3A_40 : i32
    %get3A_42 = arith.index_cast %arg0 : i32 to index
    %get3A_43 = memref.load %arg1[%get3A_42] : memref<95xi32, #tpu.memory_space<smem>>
    %sub3A = arith.constant 1 : i32
    %sub3A_44 = arith.subi %arg0, %sub3A : i32
    %max3A_45 = arith.constant 0 : i32
    %max3A_46 = arith.maxsi %sub3A_44, %max3A_45 : i32
    %get3A_47 = arith.index_cast %max3A_46 : i32 to index
    %get3A_48 = memref.load %arg1[%get3A_47] : memref<95xi32, #tpu.memory_space<smem>>
    %ne3A = arith.cmpi ne, %get3A_43, %get3A_48 : i32
    %or3A = arith.ori %eq3A_41, %ne3A : i1
    %convert_element_type3A = arith.extui %or3A : i1 to i32
    %cond3A = arith.constant 0 : i32
    %cond3A_49 = arith.cmpi ne, %convert_element_type3A, %cond3A : i32
    scf.if %cond3A_49 {
      %swap3A = arith.constant 0 : index
      %swap3A_54 = arith.constant 0 : index
      %swap3A_55 = vector.load %arg11[%swap3A, %swap3A_54] : memref<256x768xf32, #tpu.memory_space<vmem>>, vector<256x768xf32>
      tpu.vector_store %arg11[%swap3A, %swap3A_54], %mul3A_39 {strides = array<i32>} : memref<256x768xf32, #tpu.memory_space<vmem>>, vector<256x768xf32>,
    } else {
    }
    %not3A = arith.constant true
    %not3A_50 = arith.xori %or3A, %not3A : i1
    %convert_element_type3A_51 = arith.extui %not3A_50 : i1 to i32
    %cond3A_52 = arith.constant 0 : i32
    %cond3A_53 = arith.cmpi ne, %convert_element_type3A_51, %cond3A_52 : i32
    scf.if %cond3A_53 {
      %get3A_54 = arith.constant 0 : index
      %get3A_55 = arith.constant 0 : index
      %get3A_56 = vector.load %arg11[%get3A_54, %get3A_55] : memref<256x768xf32, #tpu.memory_space<vmem>>, vector<256x768xf32>
      %add3A_57 = arith.addf %get3A_56, %mul3A_39 : vector<256x768xf32>
      %swap3A = arith.constant 0 : index
      %swap3A_58 = arith.constant 0 : index
      %swap3A_59 = vector.load %arg11[%swap3A, %swap3A_58] : memref<256x768xf32, #tpu.memory_space<vmem>>, vector<256x768xf32>
      tpu.vector_store %arg11[%swap3A, %swap3A_58], %add3A_57 {strides = array<i32>} : memref<256x768xf32, #tpu.memory_space<vmem>>, vector<256x768xf32>,
    } else {
    }
    return
  }
  func.func @transform_0(%arg0: i32, %arg1: memref<95xi32, #tpu.memory_space<smem>>, %arg2: memref<95xi32, #tpu.memory_space<smem>>, %arg3: memref<95xi32, #tpu.memory_space<smem>>) -> (i32, i32) {
    %get3A = arith.index_cast %arg0 : i32 to index
    %get3A_0 = memref.load %arg1[%get3A] : memref<95xi32, #tpu.memory_space<smem>>
    %c0_i32 = arith.constant 0 : i32
    %c0_i32_1 = arith.constant 0 : i32
    return %get3A_0, %c0_i32 : i32, i32
  }
  func.func @transform_1(%arg0: i32, %arg1: memref<95xi32, #tpu.memory_space<smem>>, %arg2: memref<95xi32, #tpu.memory_space<smem>>, %arg3: memref<95xi32, #tpu.memory_space<smem>>) -> (i32, i32) {
    %get3A = arith.index_cast %arg0 : i32 to index
    %get3A_0 = memref.load %arg1[%get3A] : memref<95xi32, #tpu.memory_space<smem>>
    %c0_i32 = arith.constant 0 : i32
    %c0_i32_1 = arith.constant 0 : i32
    return %get3A_0, %c0_i32 : i32, i32
  }
  func.func @transform_2(%arg0: i32, %arg1: memref<95xi32, #tpu.memory_space<smem>>, %arg2: memref<95xi32, #tpu.memory_space<smem>>, %arg3: memref<95xi32, #tpu.memory_space<smem>>) -> (i32, i32) {
    %get3A = arith.index_cast %arg0 : i32 to index
    %get3A_0 = memref.load %arg1[%get3A] : memref<95xi32, #tpu.memory_space<smem>>
    %c0_i32 = arith.constant 0 : i32
    %c0_i32_1 = arith.constant 0 : i32
    return %get3A_0, %c0_i32 : i32, i32
  }
  func.func @transform_3(%arg0: i32, %arg1: memref<95xi32, #tpu.memory_space<smem>>, %arg2: memref<95xi32, #tpu.memory_space<smem>>, %arg3: memref<95xi32, #tpu.memory_space<smem>>) -> (i32, i32, i32) {
    %get3A = arith.index_cast %arg0 : i32 to index
    %get3A_0 = memref.load %arg2[%get3A] : memref<95xi32, #tpu.memory_space<smem>>
    %c0_i32 = arith.constant 0 : i32
    %c0_i32_1 = arith.constant 0 : i32
    %c0_i32_2 = arith.constant 0 : i32
    return %get3A_0, %c0_i32, %c0_i32_1 : i32, i32, i32
  }
  func.func @transform_4(%arg0: i32, %arg1: memref<95xi32, #tpu.memory_space<smem>>, %arg2: memref<95xi32, #tpu.memory_space<smem>>, %arg3: memref<95xi32, #tpu.memory_space<smem>>) -> (i32, i32, i32) {
    %get3A = arith.index_cast %arg0 : i32 to index
    %get3A_0 = memref.load %arg2[%get3A] : memref<95xi32, #tpu.memory_space<smem>>
    %c0_i32 = arith.constant 0 : i32
    %c0_i32_1 = arith.constant 0 : i32
    %c0_i32_2 = arith.constant 0 : i32
    return %get3A_0, %c0_i32, %c0_i32_1 : i32, i32, i32
  }
  func.func @transform_5(%arg0: i32, %arg1: memref<95xi32, #tpu.memory_space<smem>>, %arg2: memref<95xi32, #tpu.memory_space<smem>>, %arg3: memref<95xi32, #tpu.memory_space<smem>>) -> (i32, i32, i32) {
    %get3A = arith.index_cast %arg0 : i32 to index
    %get3A_0 = memref.load %arg2[%get3A] : memref<95xi32, #tpu.memory_space<smem>>
    %c0_i32 = arith.constant 0 : i32
    %c0_i32_1 = arith.constant 0 : i32
    %c0_i32_2 = arith.constant 0 : i32
    return %get3A_0, %c0_i32, %c0_i32_1 : i32, i32, i32
  }
  func.func @transform_6(%arg0: i32, %arg1: memref<95xi32, #tpu.memory_space<smem>>, %arg2: memref<95xi32, #tpu.memory_space<smem>>, %arg3: memref<95xi32, #tpu.memory_space<smem>>) -> (i32, i32, i32) {
    %get3A = arith.index_cast %arg0 : i32 to index
    %get3A_0 = memref.load %arg2[%get3A] : memref<95xi32, #tpu.memory_space<smem>>
    %c0_i32 = arith.constant 0 : i32
    %c0_i32_1 = arith.constant 0 : i32
    %c0_i32_2 = arith.constant 0 : i32
    return %get3A_0, %c0_i32, %c0_i32_1 : i32, i32, i32
  }
  func.func @transform_7(%arg0: i32, %arg1: memref<95xi32, #tpu.memory_space<smem>>, %arg2: memref<95xi32, #tpu.memory_space<smem>>, %arg3: memref<95xi32, #tpu.memory_space<smem>>) -> (i32, i32) {
    %get3A = arith.index_cast %arg0 : i32 to index
    %get3A_0 = memref.load %arg1[%get3A] : memref<95xi32, #tpu.memory_space<smem>>
    %c0_i32 = arith.constant 0 : i32
    %c0_i32_1 = arith.constant 0 : i32
    return %get3A_0, %c0_i32 : i32, i32
  }
}

module attributes {stable_mosaic.version = 14 : i64} {
  func.func @_combine_body(%arg0: i32, %arg1: memref<256x768xf32, #tpu.memory_space<vmem>>, %arg2: memref<256x768xf32, #tpu.memory_space<vmem>>, %arg3: memref<1024x768xf32, #tpu.memory_space<vmem>>, %arg4: memref<256x2xf32, #tpu.memory_space<vmem>>, %arg5: memref<256x2xi32, #tpu.memory_space<vmem>>, %arg6: memref<8x768xf32, #tpu.memory_space<vmem>>, %arg7: memref<8x768xf32, #tpu.memory_space<vmem>>, %arg8: memref<256x768xf32, #tpu.memory_space<vmem>>) attributes {dimension_semantics = [#tpu.dimension_semantics<arbitrary>], iteration_bounds = array<i64: 8>, scalar_prefetch = 0 : i64, scratch_operands = 0 : i64, tpu.core_type = #tpu.core_type<tc>, window_params = [{transform_indices = @transform_0, window_bounds = array<i64: 256, 768>}, {transform_indices = @transform_1, window_bounds = array<i64: 256, 768>}, {transform_indices = @transform_2, window_bounds = array<i64: 1024, 768>}, {transform_indices = @transform_3, window_bounds = array<i64: 256, 2>}, {transform_indices = @transform_4, window_bounds = array<i64: 256, 2>}, {pipeline_mode = #tpu.pipeline_mode<synchronous>, transform_indices = @transform_5, window_bounds = array<i64: 8, 768>}, {pipeline_mode = #tpu.pipeline_mode<synchronous>, transform_indices = @transform_6, window_bounds = array<i64: 8, 768>}, {transform_indices = @transform_7, window_bounds = array<i64: 256, 768>}]} {
    %get3A = arith.constant 0 : index
    %get3A_0 = arith.constant 0 : index
    %get3A_1 = vector.load %arg1[%get3A, %get3A_0] : memref<256x768xf32, #tpu.memory_space<vmem>>, vector<256x768xf32>
    %get3A_2 = arith.constant 0 : index
    %get3A_3 = arith.constant 0 : index
    %get3A_4 = vector.load %arg2[%get3A_2, %get3A_3] : memref<256x768xf32, #tpu.memory_space<vmem>>, vector<256x768xf32>
    %get3A_5 = arith.constant 0 : index
    %get3A_6 = arith.constant 0 : index
    %get3A_7 = vector.load %arg3[%get3A_5, %get3A_6] : memref<1024x768xf32, #tpu.memory_space<vmem>>, vector<1024x768xf32>
    %reshape3A = vector.shape_cast %get3A_7 : vector<1024x768xf32> to vector<256x2x2x768xf32>
    %get3A_8 = arith.constant 0 : index
    %get3A_9 = arith.constant 0 : index
    %get3A_10 = vector.load %arg4[%get3A_8, %get3A_9] : memref<256x2xf32, #tpu.memory_space<vmem>>, vector<256x2xf32>
    %get3A_11 = arith.constant 0 : index
    %get3A_12 = arith.constant 0 : index
    %get3A_13 = vector.load %arg5[%get3A_11, %get3A_12] : memref<256x2xi32, #tpu.memory_space<vmem>>, vector<256x2xi32>
    %iota3A = tpu.iota {dimensions = array<i32: 1>} : vector<256x8xi32>
    %slice3A = vector.extract_strided_slice %reshape3A {offsets = [0, 0, 0, 0], sizes = [256, 1, 1, 768], strides = [1, 1, 1, 1]} : vector<256x2x2x768xf32> to vector<256x1x1x768xf32>
    %squeeze3A = vector.shape_cast %slice3A : vector<256x1x1x768xf32> to vector<256x768xf32>
    %slice3A_14 = vector.extract_strided_slice %reshape3A {offsets = [0, 0, 1, 0], sizes = [256, 1, 1, 768], strides = [1, 1, 1, 1]} : vector<256x2x2x768xf32> to vector<256x1x1x768xf32>
    %squeeze3A_15 = vector.shape_cast %slice3A_14 : vector<256x1x1x768xf32> to vector<256x768xf32>
    %add3A = arith.addf %squeeze3A, %squeeze3A_15 : vector<256x768xf32>
    %add3A_16 = arith.addf %get3A_4, %add3A : vector<256x768xf32>
    %reduce_sum3A = arith.constant dense<0.000000e+00> : vector<256xf32>
    %reduce_sum3A_17 = vector.multi_reduction <add>, %add3A_16, %reduce_sum3A [1] : vector<256x768xf32> to vector<256xf32>
    %broadcast_in_dim3A = vector.shape_cast %reduce_sum3A_17 : vector<256xf32> to vector<256x1xf32>
    %div3A = arith.constant 7.680000e+02 : f32
    %div3A_18 = vector.broadcast %div3A : f32 to vector<256x1xf32>
    %div3A_19 = arith.divf %broadcast_in_dim3A, %div3A_18 : vector<256x1xf32>
    %sub3A = vector.broadcast %div3A_19 : vector<256x1xf32> to vector<256x768xf32>
    %sub3A_20 = arith.subf %add3A_16, %sub3A : vector<256x768xf32>
    %mul3A = arith.mulf %sub3A_20, %sub3A_20 : vector<256x768xf32>
    %reduce_sum3A_21 = arith.constant dense<0.000000e+00> : vector<256xf32>
    %reduce_sum3A_22 = vector.multi_reduction <add>, %mul3A, %reduce_sum3A_21 [1] : vector<256x768xf32> to vector<256xf32>
    %broadcast_in_dim3A_23 = vector.shape_cast %reduce_sum3A_22 : vector<256xf32> to vector<256x1xf32>
    %div3A_24 = arith.constant 7.680000e+02 : f32
    %div3A_25 = vector.broadcast %div3A_24 : f32 to vector<256x1xf32>
    %div3A_26 = arith.divf %broadcast_in_dim3A_23, %div3A_25 : vector<256x1xf32>
    %slice3A_27 = vector.extract_strided_slice %get3A_13 {offsets = [0, 0], sizes = [256, 1], strides = [1, 1]} : vector<256x2xi32> to vector<256x1xi32>
    %eq3A = vector.broadcast %slice3A_27 : vector<256x1xi32> to vector<256x8xi32>
    %eq3A_28 = arith.cmpi eq, %iota3A, %eq3A : vector<256x8xi32>
    %convert_element_type3A = arith.extui %eq3A_28 : vector<256x8xi1> to vector<256x8xi32>
    %convert_element_type3A_29 = arith.sitofp %convert_element_type3A : vector<256x8xi32> to vector<256x8xf32>
    %get3A_30 = arith.constant 0 : index
    %get3A_31 = arith.constant 0 : index
    %get3A_32 = vector.load %arg6[%get3A_30, %get3A_31] : memref<8x768xf32, #tpu.memory_space<vmem>>, vector<8x768xf32>
    %dot_general3A = arith.constant dense<0.000000e+00> : vector<256x768xf32>
    %dot_general3A_33 = tpu.matmul %convert_element_type3A_29, %get3A_32, %dot_general3A {dimension_numbers = #tpu.dot_dimension_numbers<[1], [0], [0], [1], [0, 0, 1, 1], [], []>, transpose_lhs_hint = false} : vector<256x8xf32>, vector<8x768xf32>, vector<256x768xf32> -> vector<256x768xf32>
    %get3A_34 = arith.constant 0 : index
    %get3A_35 = arith.constant 0 : index
    %get3A_36 = vector.load %arg7[%get3A_34, %get3A_35] : memref<8x768xf32, #tpu.memory_space<vmem>>, vector<8x768xf32>
    %dot_general3A_37 = arith.constant dense<0.000000e+00> : vector<256x768xf32>
    %dot_general3A_38 = tpu.matmul %convert_element_type3A_29, %get3A_36, %dot_general3A_37 {dimension_numbers = #tpu.dot_dimension_numbers<[1], [0], [0], [1], [0, 0, 1, 1], [], []>, transpose_lhs_hint = false} : vector<256x8xf32>, vector<8x768xf32>, vector<256x768xf32> -> vector<256x768xf32>
    %add3A_39 = arith.constant 9.99999974E-6 : f32
    %add3A_40 = vector.broadcast %add3A_39 : f32 to vector<256x1xf32>
    %add3A_41 = arith.addf %div3A_26, %add3A_40 : vector<256x1xf32>
    %rsqrt3A = math.rsqrt %add3A_41 : vector<256x1xf32>
    %mul3A_42 = vector.broadcast %rsqrt3A : vector<256x1xf32> to vector<256x768xf32>
    %mul3A_43 = arith.mulf %sub3A_20, %mul3A_42 : vector<256x768xf32>
    %mul3A_44 = arith.mulf %mul3A_43, %dot_general3A_33 : vector<256x768xf32>
    %add3A_45 = arith.addf %mul3A_44, %dot_general3A_38 : vector<256x768xf32>
    %slice3A_46 = vector.extract_strided_slice %get3A_10 {offsets = [0, 0], sizes = [256, 1], strides = [1, 1]} : vector<256x2xf32> to vector<256x1xf32>
    %mul3A_47 = vector.broadcast %slice3A_46 : vector<256x1xf32> to vector<256x768xf32>
    %mul3A_48 = arith.mulf %add3A_45, %mul3A_47 : vector<256x768xf32>
    %add3A_49 = arith.addf %get3A_1, %mul3A_48 : vector<256x768xf32>
    %slice3A_50 = vector.extract_strided_slice %reshape3A {offsets = [0, 1, 0, 0], sizes = [256, 1, 1, 768], strides = [1, 1, 1, 1]} : vector<256x2x2x768xf32> to vector<256x1x1x768xf32>
    %squeeze3A_51 = vector.shape_cast %slice3A_50 : vector<256x1x1x768xf32> to vector<256x768xf32>
    %slice3A_52 = vector.extract_strided_slice %reshape3A {offsets = [0, 1, 1, 0], sizes = [256, 1, 1, 768], strides = [1, 1, 1, 1]} : vector<256x2x2x768xf32> to vector<256x1x1x768xf32>
    %squeeze3A_53 = vector.shape_cast %slice3A_52 : vector<256x1x1x768xf32> to vector<256x768xf32>
    %add3A_54 = arith.addf %squeeze3A_51, %squeeze3A_53 : vector<256x768xf32>
    %add3A_55 = arith.addf %get3A_4, %add3A_54 : vector<256x768xf32>
    %reduce_sum3A_56 = arith.constant dense<0.000000e+00> : vector<256xf32>
    %reduce_sum3A_57 = vector.multi_reduction <add>, %add3A_55, %reduce_sum3A_56 [1] : vector<256x768xf32> to vector<256xf32>
    %broadcast_in_dim3A_58 = vector.shape_cast %reduce_sum3A_57 : vector<256xf32> to vector<256x1xf32>
    %div3A_59 = arith.constant 7.680000e+02 : f32
    %div3A_60 = vector.broadcast %div3A_59 : f32 to vector<256x1xf32>
    %div3A_61 = arith.divf %broadcast_in_dim3A_58, %div3A_60 : vector<256x1xf32>
    %sub3A_62 = vector.broadcast %div3A_61 : vector<256x1xf32> to vector<256x768xf32>
    %sub3A_63 = arith.subf %add3A_55, %sub3A_62 : vector<256x768xf32>
    %mul3A_64 = arith.mulf %sub3A_63, %sub3A_63 : vector<256x768xf32>
    %reduce_sum3A_65 = arith.constant dense<0.000000e+00> : vector<256xf32>
    %reduce_sum3A_66 = vector.multi_reduction <add>, %mul3A_64, %reduce_sum3A_65 [1] : vector<256x768xf32> to vector<256xf32>
    %broadcast_in_dim3A_67 = vector.shape_cast %reduce_sum3A_66 : vector<256xf32> to vector<256x1xf32>
    %div3A_68 = arith.constant 7.680000e+02 : f32
    %div3A_69 = vector.broadcast %div3A_68 : f32 to vector<256x1xf32>
    %div3A_70 = arith.divf %broadcast_in_dim3A_67, %div3A_69 : vector<256x1xf32>
    %slice3A_71 = vector.extract_strided_slice %get3A_13 {offsets = [0, 1], sizes = [256, 1], strides = [1, 1]} : vector<256x2xi32> to vector<256x1xi32>
    %eq3A_72 = vector.broadcast %slice3A_71 : vector<256x1xi32> to vector<256x8xi32>
    %eq3A_73 = arith.cmpi eq, %iota3A, %eq3A_72 : vector<256x8xi32>
    %convert_element_type3A_74 = arith.extui %eq3A_73 : vector<256x8xi1> to vector<256x8xi32>
    %convert_element_type3A_75 = arith.sitofp %convert_element_type3A_74 : vector<256x8xi32> to vector<256x8xf32>
    %get3A_76 = arith.constant 0 : index
    %get3A_77 = arith.constant 0 : index
    %get3A_78 = vector.load %arg6[%get3A_76, %get3A_77] : memref<8x768xf32, #tpu.memory_space<vmem>>, vector<8x768xf32>
    %dot_general3A_79 = arith.constant dense<0.000000e+00> : vector<256x768xf32>
    %dot_general3A_80 = tpu.matmul %convert_element_type3A_75, %get3A_78, %dot_general3A_79 {dimension_numbers = #tpu.dot_dimension_numbers<[1], [0], [0], [1], [0, 0, 1, 1], [], []>, transpose_lhs_hint = false} : vector<256x8xf32>, vector<8x768xf32>, vector<256x768xf32> -> vector<256x768xf32>
    %get3A_81 = arith.constant 0 : index
    %get3A_82 = arith.constant 0 : index
    %get3A_83 = vector.load %arg7[%get3A_81, %get3A_82] : memref<8x768xf32, #tpu.memory_space<vmem>>, vector<8x768xf32>
    %dot_general3A_84 = arith.constant dense<0.000000e+00> : vector<256x768xf32>
    %dot_general3A_85 = tpu.matmul %convert_element_type3A_75, %get3A_83, %dot_general3A_84 {dimension_numbers = #tpu.dot_dimension_numbers<[1], [0], [0], [1], [0, 0, 1, 1], [], []>, transpose_lhs_hint = false} : vector<256x8xf32>, vector<8x768xf32>, vector<256x768xf32> -> vector<256x768xf32>
    %add3A_86 = arith.constant 9.99999974E-6 : f32
    %add3A_87 = vector.broadcast %add3A_86 : f32 to vector<256x1xf32>
    %add3A_88 = arith.addf %div3A_70, %add3A_87 : vector<256x1xf32>
    %rsqrt3A_89 = math.rsqrt %add3A_88 : vector<256x1xf32>
    %mul3A_90 = vector.broadcast %rsqrt3A_89 : vector<256x1xf32> to vector<256x768xf32>
    %mul3A_91 = arith.mulf %sub3A_63, %mul3A_90 : vector<256x768xf32>
    %mul3A_92 = arith.mulf %mul3A_91, %dot_general3A_80 : vector<256x768xf32>
    %add3A_93 = arith.addf %mul3A_92, %dot_general3A_85 : vector<256x768xf32>
    %slice3A_94 = vector.extract_strided_slice %get3A_10 {offsets = [0, 1], sizes = [256, 1], strides = [1, 1]} : vector<256x2xf32> to vector<256x1xf32>
    %mul3A_95 = vector.broadcast %slice3A_94 : vector<256x1xf32> to vector<256x768xf32>
    %mul3A_96 = arith.mulf %add3A_93, %mul3A_95 : vector<256x768xf32>
    %add3A_97 = arith.addf %add3A_49, %mul3A_96 : vector<256x768xf32>
    %swap3A = arith.constant 0 : index
    %swap3A_98 = arith.constant 0 : index
    %swap3A_99 = vector.load %arg8[%swap3A, %swap3A_98] : memref<256x768xf32, #tpu.memory_space<vmem>>, vector<256x768xf32>
    tpu.vector_store %arg8[%swap3A, %swap3A_98], %add3A_97 {strides = array<i32>} : memref<256x768xf32, #tpu.memory_space<vmem>>, vector<256x768xf32>,
    return
  }
  func.func @transform_0(%arg0: i32) -> (i32, i32) {
    %c0_i32 = arith.constant 0 : i32
    %c0_i32_0 = arith.constant 0 : i32
    return %arg0, %c0_i32 : i32, i32
  }
  func.func @transform_1(%arg0: i32) -> (i32, i32) {
    %c0_i32 = arith.constant 0 : i32
    %c0_i32_0 = arith.constant 0 : i32
    return %arg0, %c0_i32 : i32, i32
  }
  func.func @transform_2(%arg0: i32) -> (i32, i32) {
    %c0_i32 = arith.constant 0 : i32
    %c0_i32_0 = arith.constant 0 : i32
    return %arg0, %c0_i32 : i32, i32
  }
  func.func @transform_3(%arg0: i32) -> (i32, i32) {
    %c0_i32 = arith.constant 0 : i32
    %c0_i32_0 = arith.constant 0 : i32
    return %arg0, %c0_i32 : i32, i32
  }
  func.func @transform_4(%arg0: i32) -> (i32, i32) {
    %c0_i32 = arith.constant 0 : i32
    %c0_i32_0 = arith.constant 0 : i32
    return %arg0, %c0_i32 : i32, i32
  }
  func.func @transform_5(%arg0: i32) -> (i32, i32) {
    %c0_i32 = arith.constant 0 : i32
    %c0_i32_0 = arith.constant 0 : i32
    %c0_i32_1 = arith.constant 0 : i32
    return %c0_i32, %c0_i32_0 : i32, i32
  }
  func.func @transform_6(%arg0: i32) -> (i32, i32) {
    %c0_i32 = arith.constant 0 : i32
    %c0_i32_0 = arith.constant 0 : i32
    %c0_i32_1 = arith.constant 0 : i32
    return %c0_i32, %c0_i32_0 : i32, i32
  }
  func.func @transform_7(%arg0: i32) -> (i32, i32) {
    %c0_i32 = arith.constant 0 : i32
    %c0_i32_0 = arith.constant 0 : i32
    return %arg0, %c0_i32 : i32, i32
  }
}

</mosaic_0001>

<sc_bundles>
// kernel: gather_offload_async_start.1
scs
__scs_entry_jumppad:
0x0: {  	(pc) =	sbr.rel $0x88, $3  }
0x1: {  	(tag) =	ssettag $0x0;
	lr =	simm.s32 $0x1  }
0x2: {  	[smem:$0x3F94] =	sst lr;
	_ =	strace $0xD0000000  }
0x3: {  	_ = 	snop  }
0x4: {  	_ = 	snop  }
0x5: {  	_ = 	snop  }
0x6: {  	_ = 	snop  }
0x7: {  	_ = 	snop  }
__scs_overlays_trampoline_lowered:
0x8: {  	[smem:$0x3FA3] =	sst s0  }
0x9: {  	[smem:$0x3FA4] =	sst s1  }
0xa: {  	[smem:$0x3FA5] =	sst s2  }
0xb: {  	[smem:$0x3FA6] =	sst s3  }
0xc: {  	[smem:$0x3FA7] =	sst s4  }
0xd: {  	[smem:$0x3FA8] =	sst s5  }
0xe: {  	[smem:$0x3FA9] =	sst s6  }
0xf: {  	[smem:$0x3FAA] =	sst s7  }
0x10: {  	[smem:$0x3FAB] =	sst s8  }
0x11: {  	[smem:$0x3FAC] =	sst s9;
	s0 =	simm.s32 @!p0 $0x0  }
0x12: {  	s1 =	sld [smem:$0x3F92];
	s0 =	simm.s32 @p0 $0x1  }
0x13: {  	[smem:$0x3FAD] =	sst s0;
	s0 =	simm.s32 @!p1 $0x0  }
0x14: {  	s2 =	sld [smem:$0x3F91];
	s0 =	simm.s32 @p1 $0x1  }
0x15: {  	[smem:$0x3FAE] =	sst s0;
	s0 =	simm.s32 @!p2 $0x0  }
0x16: {  	s3 =	sld [smem:$0x3FDB];
	s0 =	simm.s32 @p2 $0x1  }
0x17: {  	s4 =	simm.s32 $0x1BF5;
	[smem:$0x3FB0] =	sst s0  }
0x18: {  	s0 =	sld [smem:$0x3F93];
	_ =	swait.ge [sflag:s4], $0x0  }
0x19: {  	s7 =	sld [smem:$0x3F94]  }
0x1a: {  	s8 =	sadd.s32 $0xFFFFE003, lr  }
0x1b: {  	s9 =	sadd.s32 $0xFFFFFEF7, lr;
	s5 =	simm.s32 $0xFFFFFFFF;
	p2 =	slt.u32 s8, $0xFFFFF086  }
0x1c: {  	p1 =	slt.u32 s9, $0xF7A;
	s5 =	simm.s32 @!p2 $0x0  }
0x1d: {  	s5 =	simm.s32 @p1 $0x1;
	p0 =	seq.s32 s7, s2  }
0x1e: {  	s7 =	smul.u32 @!p0 $0xF7A, s2;
	p2 =	seq.s32 @!p0 s5, $0x0  }
0x1f: {  	s9 =	smul.u32 $0xF7A, s1;
	s8 =	simm.s32 @!p0 $0x1BF5;
	p2 =	por !p2, p0  }
0x20: {  	[sflag:s8] =	ssyncset.s32 @!p0 $0xFFFFF086;
	s6 =	sadd.s32 @!p0 s3, s7;
	s7 =	simm.s32 @!p0 $0x108  }
0x21: {  	s3 =	sadd.s32 s3, s9;
	s6 =	sadd.s32 @!p0 $0x88, s6;
	s7 =	simm.s32 @p2 $0x1082  }
0x22: {  	[simem:s7], [sflag:s8] =	dma.local @!p0 [hbm:s6], $0xF7A  }
0x23: {  	s9 =	sor.u32 $0xD0000000, s2;
	s6 =	simm.s32 $0x108;
	_ =	swait.ge @!p0 [sflag:s8], $0x0  }
0x24: {  	s3 =	sadd.s32 $0x88, s3;
	s6 =	simm.s32 @!p1 $0x1082;
	[sflag:s4] =	ssyncset.s32 $0xFFFFF086  }
0x25: {  	[simem:s6], [sflag:s4] =	dma.local [hbm:s3], $0xF7A  }
0x26: {  	[smem:$0x3F94] =	sst s1;
	(tag) =	ssettag s2;
	_ =	strace s9  }
0x27: {  	s1 =	sld [smem:$0x3FA4]  }
0x28: {  	s2 =	sld [smem:$0x3FA5]  }
0x29: {  	s4 =	sld [smem:$0x3FA7]  }
0x2a: {  	p0 =	seq.s32 s5, $0x0;
	s5 =	sld [smem:$0x3FA8]  }
0x2b: {  	s6 =	sld [smem:$0x3FA9]  }
0x2c: {  	s7 =	sld [smem:$0x3FAA]  }
0x2d: {  	s3 =	simm.s32 $0x108;
	s8 =	sld [smem:$0x3FAB]  }
0x2e: {  	s3 =	simm.s32 @!p0 $0x1082;
	s9 =	sld [smem:$0x3FAC]  }
0x2f: {  	lr =	sadd.s32 s0, s3;
	s0 =	sld [smem:$0x3FA3]  }
0x30: {  	s3 =	sld [smem:$0x3FA6]  }
0x31: {  	[smem:$0x3FAF] =	sst s10  }
0x32: {  	s10 =	sld [smem:$0x3FAD];
	_ =	sdelay $0x3  }
0x33: {  	p0 =	seq.s32 s10, $0x1;
	s10 =	sld [smem:$0x3FAF];
	_ =	sdelay $0x3  }
0x34: {  	[smem:$0x3FAF] =	sst s10  }
0x35: {  	s10 =	sld [smem:$0x3FAE];
	_ =	sdelay $0x3  }
0x36: {  	p1 =	seq.s32 s10, $0x1;
	s10 =	sld [smem:$0x3FAF];
	_ =	sdelay $0x3  }
0x37: {  	[smem:$0x3FAF] =	sst s10  }
0x38: {  	s10 =	sld [smem:$0x3FB0]  }
0x39: {  	_ = 	snop;
	(pc) =	sbr.ind lr, $3  }
0x3a: {  	_ = 	snop  }
0x3b: {  	_ = 	snop  }
0x3c: {  	p2 =	seq.s32 s10, $0x1;
	s10 =	sld [smem:$0x3FAF]  }
0x3d: {  	_ =	shalt  }
0x3e: {  	_ =	shalt  }
0x3f: {  	_ =	shalt  }
0x40: {  	_ =	shalt  }
0x41: {  	_ =	shalt  }
0x42: {  	_ =	shalt  }
0x43: {  	_ =	shalt  }
0x44: {  	_ =	shalt  }
0x45: {  	_ =	shalt  }
0x46: {  	_ =	shalt  }
0x47: {  	_ =	shalt  }
0x48: {  	_ =	shalt  }
0x49: {  	_ =	shalt  }
0x4a: {  	_ =	shalt  }
0x4b: {  	_ =	shalt  }
0x4c: {  	_ =	shalt  }
0x4d: {  	_ =	shalt  }
0x4e: {  	_ =	shalt  }
0x4f: {  	_ =	shalt  }
0x50: {  	_ =	shalt  }
0x51: {  	_ =	shalt  }
0x52: {  	_ =	shalt  }
0x53: {  	_ =	shalt  }
0x54: {  	_ =	shalt  }
0x55: {  	_ =	shalt  }
0x56: {  	_ =	shalt  }
0x57: {  	_ =	shalt  }
0x58: {  	_ =	shalt  }
0x59: {  	_ =	shalt  }
0x5a: {  	_ =	shalt  }
0x5b: {  	_ =	shalt  }
0x5c: {  	_ =	shalt  }
0x5d: {  	_ =	shalt  }
0x5e: {  	_ =	shalt  }
0x5f: {  	_ =	shalt  }
0x60: {  	_ =	shalt  }
0x61: {  	_ =	shalt  }
0x62: {  	_ =	shalt  }
0x63: {  	_ =	shalt  }
0x64: {  	_ =	shalt  }
0x65: {  	_ =	shalt  }
0x66: {  	_ =	shalt  }
0x67: {  	_ =	shalt  }
0x68: {  	_ =	shalt  }
0x69: {  	_ =	shalt  }
0x6a: {  	_ =	shalt  }
0x6b: {  	_ =	shalt  }
0x6c: {  	_ =	shalt  }
0x6d: {  	_ =	shalt  }
0x6e: {  	_ =	shalt  }
0x6f: {  	_ =	shalt  }
0x70: {  	_ =	shalt  }
0x71: {  	_ =	shalt  }
0x72: {  	_ =	shalt  }
0x73: {  	_ =	shalt  }
0x74: {  	_ =	shalt  }
0x75: {  	_ =	shalt  }
0x76: {  	_ =	shalt  }
0x77: {  	_ =	shalt  }
0x78: {  	_ =	shalt  }
0x79: {  	_ =	shalt  }
0x7a: {  	_ =	shalt  }
0x7b: {  	_ =	shalt  }
0x7c: {  	_ =	shalt  }
0x7d: {  	_ =	shalt  }
0x7e: {  	_ =	shalt  }
0x7f: {  	_ =	shalt  }
0x80: {  	_ =	shalt  }
0x81: {  	_ =	shalt  }
0x82: {  	_ =	shalt  }
0x83: {  	_ =	shalt  }
0x84: {  	_ =	shalt  }
0x85: {  	_ =	shalt  }
0x86: {  	_ =	shalt  }
0x87: {  	_ =	shalt  }
.Lfunc_end0:
.L_simem_size_0:
called_computation.2_lowered:
.L_overlay_start_0:
0x88: {  	s2 =	sld [smem:$0x3FD9]  }
0x89: {  	s3 =	sld [smem:$0x3FFE];
	_ =	sdelay $0x1  }
0x8a: {  	s1 =	srdreg.scid  }
0x8b: {  	s0 =	sand.u32 $0x1, s1  }
0x8c: {  	s17 =	sshll.u32 s0, $0xA;
	s2 =	sadd.s32 s3, s2  }
0x8d: {  	s2 =	sadd.s32 s2, s17  }
0x8e: {  	[smem:$0x3FBB] =	sst s2  }
0x8f: {  	_ = 	snop  }
0x90: {  	(tm) =	ssettm $0x1  }
0x91: {  	s18 =	sld [smem:$0x3FFB];
	_ =	sdelay $0x3  }
0x92: {  	_ =	strace s18  }
0x93: {  	s2 =	sld [smem:$0x3FFC];
	_ =	sdelay $0x3  }
0x94: {  	_ =	strace s2  }
0x95: {  	s2 =	sld [smem:$0x3FFD];
	_ =	sdelay $0x3  }
0x96: {  	_ =	strace s2  }
0x97: {  	_ =	strace $0x8FFFFFFF  }
0x98: {  	s19 =	sld [smem:$0x3FDB];
	_ =	sdelay $0x1  }
0x99: {  	s20 =	simm.s32 $_scs_section_size  }
0x9a: {  	s4 =	simm.s32 $_size__tile_overlayer_lowered;
	s5 =	simm.s32 $_tile_overlayer_lowered  }
0x9b: {  	s6 =	simm.s32 $0x1BFF;
	s21 =	sshll.u32 s5, $0x1;
	s3 =	sadd.s32 s20, s19  }
0x9c: {  	s22 =	simm.s32 $0x0;
	s4 =	sshll.u32 s4, $0x1;
	s5 =	sadd.s32 s21, s3  }
0x9d: {  	[timem:s22], [sflag:s6] =	dma.local [hbm:s5], s4  }
0x9e: {  	_ =	swait.ge [sflag:s6], s4  }
0x9f: {  	s4 =	ssub.s32 $0x0, s4;
	[sflag:s6] =	ssyncset.done $0x0  }
0xa0: {  	[sflag:s6] =	ssyncadd.s32 s4;
	_ =	sdelay $0x1  }
0xa1: {  	s23 =	simm.s32 $0x1B8B  }
0xa2: {  	_ =	swait.ge [sflag:s23], $0x1  }
0xa3: {  	[sflag:s23] =	ssyncset.done $0x0  }
0xa4: {  	[sflag:s23] =	ssyncadd.s32 $0xFFFFFFFF  }
0xa5: {  	s4 =	sld [smem:$0x0]  }
0xa6: {  	s5 =	sand.u32 $0xFFFFFFFE, s1  }
0xa7: {  	p0 =	sne.s32 s1, s5  }
0xa8: {  	s5 =	sshll.u32 @p0 s5, $0xE  }
0xa9: {  	s5 =	sadd.s32 @p0 $0x11B8D, s5;
	s6 =	sshll.u32 @p0 s4, $0x11  }
0xaa: {  	s5 =	sor.u32 @p0 s6, s5  }
0xab: {  	[sflag:s5] =	ssyncadd.remote.s32 @p0 $0x1;
	_ =	sdelay $0x1  }
0xac: {  	s5 =	simm.s32 @p0 $0x1B8D  }
0xad: {  	_ =	swait.eq @p0 [sflag:s5], $0x1  }
0xae: {  	[sflag:s5] =	ssyncadd.s32 @p0 $0xFFFFFFFF  }
0xaf: {  	s6 =	sshll.u32 @!p0 s1, $0xE  }
0xb0: {  	s6 =	sor.u32 @!p0 $0x4000, s6;
	s5 =	simm.s32 @!p0 $0x1B8D  }
0xb1: {  	s4 =	sshll.u32 @!p0 s4, $0x11;
	s6 =	sadd.s32 @!p0 $0x11B8D, s6;
	_ =	swait.eq @!p0 [sflag:s5], $0x1  }
0xb2: {  	s4 =	sor.u32 @!p0 s4, s6;
	[sflag:s5] =	ssyncadd.s32 @!p0 $0xFFFFFFFF  }
0xb3: {  	s25 =	simm.s32 $0x1B8E;
	s24 =	sld [smem:$0x3FFE];
	[sflag:s4] =	ssyncadd.remote.s32 @!p0 $0x1  }
0xb4: {  	s26 =	simm.s32 $execute0_lowered;
	[smem:$0x3FD2] =	sst s25  }
0xb5: {  	s5 =	sshll.u32 s26, $0x1;
	_ =	strace $0x80000049;
	[dreg:$0x1] =	wrdreg $0xFFFFFFFF  }
0xb6: {  	s28 =	simm.s32 $_size_execute0_lowered;
	s3 =	sadd.s32 s3, s5;
	[dreg:$0x0] =	wrdreg $0x0  }
0xb7: {  	s5 =	sshll.u32 s28, $0x1;
	[dreg:$0x2] =	wrdreg s3  }
0xb8: {  	[dreg:$0x3] =	wrdreg s5  }
0xb9: {  	[dreg:$0x4] =	wrdreg $0xC0  }
0xba: {  	_ =	task [dreg:s22], $0x5FFFF  }
0xbb: {  	[dreg:$0x1] =	wrdreg $0xFFFFFFFF  }
0xbc: {  	[dreg:$0x0] =	wrdreg $0x60  }
0xbd: {  	[dreg:$0x2] =	wrdreg s24  }
0xbe: {  	[dreg:$0x3] =	wrdreg $0xB  }
0xbf: {  	_ =	task.clear_ibuf [dreg:s22], $0x4FFFF;
	_ =	strace $0x90000049  }
0xc0: {  	s29 =	simm.s32 $0xB;
	_ =	strace $0x8000004B  }
0xc1: {  	_ =	swait.ge [sflag:s29], $0x1  }
0xc2: {  	[sflag:s29] =	ssyncadd.s32 $0xFFFFFFFF  }
0xc3: {  	_ =	strace $0x9000004B  }
0xc4: {  	_ =	sfence  }
0xc5: {  	s30 =	sld [smem:$0x0];
	_ =	sdelay $0x2  }
0xc6: {  	s31 =	sshll.u32 s1, $0xD;
	s1 =	sshrl.u32 s1, $0x2  }
0xc7: {  	s4 =	sand.u32 $0x4000, s31;
	s1 =	sadd.s32 s1, s30  }
0xc8: {  	s0 =	sor.u32 s4, s0;
	s1 =	sshll.u32 s1, $0x11  }
0xc9: {  	s0 =	sor.u32 s1, s0  }
0xca: {  	s0 =	sadd.s32 $0x8F2B, s0  }
0xcb: {  	[sflag:s0] =	ssyncadd.remote.s32 $0x1  }
0xcc: {  	_ =	sfence.sel $0xFFFF  }
0xcd: {  	[dreg:$0x0] =	wrdreg $0xFFFFFFFF;
	(pc) =	sbr.abs _section_cstart, $3  }
0xce: {  	[dreg:$0x1] =	wrdreg $0xFFFFFFFF  }
0xcf: {  	_ =	task.clear_ibuf [dreg:s22], $0x2FFFF;
	_ =	strace $0x9FFFFFFF  }
0xd0: {  	(tm) =	ssettm $0x7FFFFFFF  }
0xd1: {  	_ =	shalt  }
tec
execute0_lowered:
.L_overlay_start_1:
0x0: {  	(tag) =	ssettag $0x1  }
0x1: {  	s0 =	srdreg.scid;
	s5 =	rddreg [dreg:$0x0]  }
0x2: {  	s1 =	stileid.u32;
	s6 =	simm.s32 $0x1;
	s9 =	simm.s32 $0x1  }
0x3: {  	s10 =	simm.s32 $0x3;
	s13 =	simm.s32 $0x0;
	s2 =	sshll.u32 s0, $0x7  }
0x4: {  	s12 =	simm.s32 $0x0;
	s3 =	sshll.u32 s1, $0x8;
	s2 =	sand.u32 $0x80, s2  }
0x5: {  	s0 =	rddreg [dreg:$0x1];
	_ =	strace $0x8000004A;
	s2 =	sor.u32 s3, s2  }
0x6: {  	s4 =	sadd.s32 $0x8E00, s5;
	[sflag:s6] =	ssyncpa.u1 $0x0;
	s8 =	ssub.s32 $0x2000, s2  }
.Ltmp0:
0x7: {  	s3 =	sadd.s32 $0x9200, s5;
	s7 =	sand.u32 $0xF80, s8;
	(pc) =	sbr.rel .LBB2_1-.Ltmp0, $4  }
0x8: {  	s5 =	sadd.s32 $0x9C00, s5;
	s11 =	smov.u32 s2;
	p0 =	sne.s32 s7, $0x0  }
0x9: {  	s8 =	sshrl.u32 s8, $0xC;
	s7 =	simm.s32 $0x2;
	s9 =	simm.s32 @!p0 $0x0  }
0xa: {  	[sflag:s7] =	ssyncpa.u1 $0x0;
	p0 =	por $0x0, $0x0;
	s8 =	sadd.s32 s9, s8  }
0xb: {  	vm0 =	vmmov $0xffff;
	[sflag:s10] =	ssyncpa.u1 $0x0;
	s10 =	simm.s32 $0x0;
	s9 =	sadd.s32 $0x1, s8  }
.LBB2_4:
0xc: {  	v2 =	vnsel vm1, $0x0, v2  }
0xd: {  	vm1 =	vgt.s32 v0, $0x0;
	v2 =	vmin.u32 v2, $0x1FFF  }
0xe: {  	v0 =	vnsel vm1, $0x0, v0  }
0xf: {  	v0 =	vmin.u32 v0, $0x1FFF  }
0x10: {  	[tilespmem:s15], [sflag:$0x1] =	stream.indirect_vreg.gather [hbm4b:s3+s10], $0x1, v1, vm0, $0x4038;
	[tilespmem:$0x200] =	vst v63  }
0x11: {  	(ifvalue) =	ssetifvalue $0x7FFFFFFF  }
0x12: {  	[tilespmem:s16], [sflag:$0x1] =	stream.indirect_vreg.gather [hbm4b:s3+s10], $0x1, v2, vm0, $0x4038;
	[tilespmem:$0x200] =	vst v63  }
0x13: {  	s29 =	sadd.s32 $0x10, s16;
	(ifvalue) =	ssetifvalue $0x7FFFFFFF  }
0x14: {  	[tilespmem:s29], [sflag:$0x1] =	stream.indirect_vreg.gather [hbm4b:s3+s10], $0x1, v0, vm0, $0x4038;
	[tilespmem:$0x200] =	vst v63  }
0x15: {  	_ =	swait.ge [sflag:s6], $0x80  }
0x16: {  	s30 =	sshrl.u32 s13, $0x3;
	[sflag:s6] =	ssyncset.done $0x0  }
0x17: {  	s31 =	sand.u32 $0x7, s13;
	s15 =	sadd.s32 s5, s30;
	[sflag:s6] =	ssyncadd.s32 $0xFFFFFF80  }
0x18: {  	[hbm4b:s15+s31] =	stream.linear.scatter [tilespmem:s14], [sflag:$0x3], $0x80, $0x38;
	[tilespmem:$0x200] =	vst v63  }
.LBB2_5:
0x19: {  	s15 =	sadd.s32 $0x1000, s11  }
0x1a: {  	p2 =	sgt.s32 s15, $0x1FFF  }
0x1b: {  	s15 =	smov.u32 @p2 s2;
	p2 =	sne.s32 s12, s9  }
.Ltmp1:
0x1c: {  	p1 =	slt.u32 s12, $0x2;
	(pc) =	sbr.rel @!p2 .LBB2_6-.Ltmp1, $4  }
0x1d: {  	s14 =	simm.s32 @!p1 $0x3  }
0x1e: {  	s16 =	sadd.s32 $0x1, s12;
	_ =	swait.ge @!p1 [sflag:s14], $0x80  }
0x1f: {  	s13 =	smov.u32 s11;
	p0 =	por !p0, !p0;
	[sflag:s14] =	ssyncset.done @!p1 $0x0  }
0x20: {  	s12 =	smov.u32 s16;
	s11 =	smov.u32 s15;
	[sflag:s14] =	ssyncadd.s32 @!p1 $0xFFFFFF80  }
.LBB2_1:
0x21: {  	p1 =	sge.u32 s12, s8  }
0x22: {  	s14 =	sxor.u32 @!p1 $0xFFFFFFFF, s12  }
0x23: {  	s31 =	sadd.s32 $0xFFFFFFFF, s12;
	s15 =	sshrl.u32 @!p1 s11, $0x3;
	s14 =	sshll.u32 @!p1 s14, $0x7  }
0x24: {  	s16 =	sand.u32 @!p1 $0x7, s11;
	s15 =	sadd.s32 @!p1 s4, s15;
	s14 =	sand.u32 @!p1 $0x80, s14  }
0x25: {  	[tilespmem:s14], [sflag:$0x2] =	stream.linear.gather @!p1 [hbm4b:s15+s16], $0x80, $0x38;
	[tilespmem:$0x200] =	vst v63  }
0x26: {  	p1 =	sge.u32 s31, s8  }
.Ltmp2:
0x27: {  	_ = 	snop;
	(pc) =	sbr.rel @p1 .LBB2_5-.Ltmp2, $1  }
0x28: {  	_ =	sdelay $0x3  }
0x29: {  	s14 =	simm.s32 $0x1  }
0x2a: {  	_ =	swait.ge [sflag:s7], $0x80;
	s14 =	simm.s32 @!p0 $0x0  }
0x2b: {  	[sflag:s7] =	ssyncset.done $0x0;
	s14 =	sshll.u32 s14, $0x7  }
0x2c: {  	[sflag:s7] =	ssyncadd.s32 $0xFFFFFF80;
	(ifvalue) =	ssetifvalue $0x7FFFFFFF;
	v0 =	vld.msk [tilespmem:s14+$0x0 ss:$0x1], $0xffff;
	_ =	sdelay $0x4  }
0x2d: {  	s15 =	sadd.s32 $0x10, s14;
	vm1 =	vgt.s32 v0, $0x0  }
0x2e: {  	v2 =	vld.msk [tilespmem:s15+$0x0 ss:$0x1], $0xffff;
	v1 =	vnsel vm1, $0x0, v0  }
0x2f: {  	v1 =	vmin.u32 v1, $0x1FFF;
	_ =	sdelay $0x1  }
0x30: {  	s16 =	sshll.u32 s12, $0x7;
	s18 =	simm.s32 $0x20  }
0x31: {  	s16 =	sand.u32 $0x80, s16;
	s17 =	sadd.s32 $0x10, s15;
	s15 =	sor.u32 $0x100, s14  }
0x32: {  	s14 =	sor.u32 $0x100, s16;
	s16 =	sadd.s32 $0x10, s15;
	v0 =	vld.msk [tilespmem:s17+$0x0 ss:$0x1], $0xffff;
	vm1 =	vgt.s32 v2, $0x0;
	(ifvalue) =	ssetifvalue $0x7FFFFFFF  }
.LBB2_3:
0x33: {  	[tilespmem:s15], [sflag:$0x1] =	stream.indirect_vreg.gather [hbm4b:s3+s10], $0x1, v1, vm0, $0x4038;
	[tilespmem:$0x200] =	vst v63  }
0x34: {  	s18 =	sadd.s32 $0x10, s18  }
0x35: {  	v2 =	vnsel vm1, $0x0, v2;
	p1 =	slt.u32 s18, $0x70  }
.Ltmp3:
0x36: {  	s15 =	smov.u32 s16;
	v1 =	vmin.u32 v2, $0x1FFF;
	(pc) =	sbr.rel @p1 .LBB2_3-.Ltmp3, $3  }
0x37: {  	_ =	sdelay $0x1  }
0x38: {  	s17 =	sadd.s32 $0x10, s17  }
0x39: {  	vm1 =	vgt.s32 v0, $0x0;
	s16 =	sadd.s32 $0x10, s16;
	v2 =	vmov v0;
	(ifvalue) =	ssetifvalue $0x7FFFFFFF;
	v0 =	vld.msk [tilespmem:s17+$0x0 ss:$0x1], $0xffff  }
.Ltmp4:
0x3a: {  	_ = 	snop;
	(pc) =	sbr.rel .LBB2_4-.Ltmp4, $1  }
0x3b: {  	_ =	sdelay $0x3  }
.LBB2_6:
0x3c: {  	_ =	sfence.sel $0x180000  }
0x3d: {  	s2 =	simm.s32 $0x2;
	[bflag:$0x0] =	sbarrier.arrive $0xFFFF  }
0x3e: {  	s30 =	simm.s32 $0x3;
	[sflag:s2] =	ssyncpa.u1 $0x1  }
0x3f: {  	s31 =	simm.s32 $0x1;
	[sflag:s30] =	ssyncpa.u1 $0x1  }
0x40: {  	[sflag:s31] =	ssyncpa.u1 $0x1  }
0x41: {  	p0 =	sne.s32 s1, $0x0;
	_ =	strace $0x9000004A  }
0x42: {  	s0 =	sadd.s32 @!p0 $0x100000, s0;
	[bflag:$0x2] =	sbarrier.arrive $0xFFFF  }
0x43: {  	[sflag:s0] =	ssyncadd.tile.s32 @!p0 $0x1;
	_ =	shalt  }
.Lfunc_end2:
_tile_overlayer_lowered:
.L_overlay_start_2:
0x44: {  	(tag) =	ssettag $0x2  }
0x45: {  	s0 =	rddreg [dreg:$0x0];
	s2 =	stileid.u32  }
0x46: {  	s1 =	rddreg [dreg:$0x1];
	p0 =	sne.s32 s2, $0x0  }
0x47: {  	s3 =	rddreg [dreg:$0x2];
	[bflag:$0x3] =	sbarrier.arrive $0xFFFF;
	s2 =	simm.s32 @!p0 $0x1C01  }
0x48: {  	[timem:s3], [sflag:s2] =	dma.local @!p0 [hbm:s0], s1  }
0x49: {  	s0 =	simm.s32 @!p0 $0x1  }
0x4a: {  	_ =	swait.ge @!p0 [sflag:s0], s1  }
0x4b: {  	s1 =	ssub.s32 @!p0 $0x0, s1;
	[sflag:s0] =	ssyncset.done @!p0 $0x0  }
0x4c: {  	[sflag:s0] =	ssyncadd.s32 @!p0 s1  }
0x4d: {  	[bflag:$0x3] =	sbarrier.arrive $0xFFFF  }
0x4e: {  	_ =	shalt  }

// kernel: gather_offload_async_start
scs
__scs_entry_jumppad:
0x0: {  	(pc) =	sbr.rel $0x88, $3  }
0x1: {  	(tag) =	ssettag $0x0;
	lr =	simm.s32 $0x1  }
0x2: {  	[smem:$0x3F94] =	sst lr;
	_ =	strace $0xD0000000  }
0x3: {  	_ = 	snop  }
0x4: {  	_ = 	snop  }
0x5: {  	_ = 	snop  }
0x6: {  	_ = 	snop  }
0x7: {  	_ = 	snop  }
__scs_overlays_trampoline_lowered:
0x8: {  	[smem:$0x3FA3] =	sst s0  }
0x9: {  	[smem:$0x3FA4] =	sst s1  }
0xa: {  	[smem:$0x3FA5] =	sst s2  }
0xb: {  	[smem:$0x3FA6] =	sst s3  }
0xc: {  	[smem:$0x3FA7] =	sst s4  }
0xd: {  	[smem:$0x3FA8] =	sst s5  }
0xe: {  	[smem:$0x3FA9] =	sst s6  }
0xf: {  	[smem:$0x3FAA] =	sst s7  }
0x10: {  	[smem:$0x3FAB] =	sst s8  }
0x11: {  	[smem:$0x3FAC] =	sst s9;
	s0 =	simm.s32 @!p0 $0x0  }
0x12: {  	s1 =	sld [smem:$0x3F92];
	s0 =	simm.s32 @p0 $0x1  }
0x13: {  	[smem:$0x3FAD] =	sst s0;
	s0 =	simm.s32 @!p1 $0x0  }
0x14: {  	s2 =	sld [smem:$0x3F91];
	s0 =	simm.s32 @p1 $0x1  }
0x15: {  	[smem:$0x3FAE] =	sst s0;
	s0 =	simm.s32 @!p2 $0x0  }
0x16: {  	s3 =	sld [smem:$0x3FDB];
	s0 =	simm.s32 @p2 $0x1  }
0x17: {  	s4 =	simm.s32 $0x1BF5;
	[smem:$0x3FB0] =	sst s0  }
0x18: {  	s0 =	sld [smem:$0x3F93];
	_ =	swait.ge [sflag:s4], $0x0  }
0x19: {  	s7 =	sld [smem:$0x3F94]  }
0x1a: {  	s8 =	sadd.s32 $0xFFFFE003, lr  }
0x1b: {  	s9 =	sadd.s32 $0xFFFFFEF7, lr;
	s5 =	simm.s32 $0xFFFFFFFF;
	p2 =	slt.u32 s8, $0xFFFFF086  }
0x1c: {  	p1 =	slt.u32 s9, $0xF7A;
	s5 =	simm.s32 @!p2 $0x0  }
0x1d: {  	s5 =	simm.s32 @p1 $0x1;
	p0 =	seq.s32 s7, s2  }
0x1e: {  	s7 =	smul.u32 @!p0 $0xF7A, s2;
	p2 =	seq.s32 @!p0 s5, $0x0  }
0x1f: {  	s9 =	smul.u32 $0xF7A, s1;
	s8 =	simm.s32 @!p0 $0x1BF5;
	p2 =	por !p2, p0  }
0x20: {  	[sflag:s8] =	ssyncset.s32 @!p0 $0xFFFFF086;
	s6 =	sadd.s32 @!p0 s3, s7;
	s7 =	simm.s32 @!p0 $0x108  }
0x21: {  	s3 =	sadd.s32 s3, s9;
	s6 =	sadd.s32 @!p0 $0x88, s6;
	s7 =	simm.s32 @p2 $0x1082  }
0x22: {  	[simem:s7], [sflag:s8] =	dma.local @!p0 [hbm:s6], $0xF7A  }
0x23: {  	s9 =	sor.u32 $0xD0000000, s2;
	s6 =	simm.s32 $0x108;
	_ =	swait.ge @!p0 [sflag:s8], $0x0  }
0x24: {  	s3 =	sadd.s32 $0x88, s3;
	s6 =	simm.s32 @!p1 $0x1082;
	[sflag:s4] =	ssyncset.s32 $0xFFFFF086  }
0x25: {  	[simem:s6], [sflag:s4] =	dma.local [hbm:s3], $0xF7A  }
0x26: {  	[smem:$0x3F94] =	sst s1;
	(tag) =	ssettag s2;
	_ =	strace s9  }
0x27: {  	s1 =	sld [smem:$0x3FA4]  }
0x28: {  	s2 =	sld [smem:$0x3FA5]  }
0x29: {  	s4 =	sld [smem:$0x3FA7]  }
0x2a: {  	p0 =	seq.s32 s5, $0x0;
	s5 =	sld [smem:$0x3FA8]  }
0x2b: {  	s6 =	sld [smem:$0x3FA9]  }
0x2c: {  	s7 =	sld [smem:$0x3FAA]  }
0x2d: {  	s3 =	simm.s32 $0x108;
	s8 =	sld [smem:$0x3FAB]  }
0x2e: {  	s3 =	simm.s32 @!p0 $0x1082;
	s9 =	sld [smem:$0x3FAC]  }
0x2f: {  	lr =	sadd.s32 s0, s3;
	s0 =	sld [smem:$0x3FA3]  }
0x30: {  	s3 =	sld [smem:$0x3FA6]  }
0x31: {  	[smem:$0x3FAF] =	sst s10  }
0x32: {  	s10 =	sld [smem:$0x3FAD];
	_ =	sdelay $0x3  }
0x33: {  	p0 =	seq.s32 s10, $0x1;
	s10 =	sld [smem:$0x3FAF];
	_ =	sdelay $0x3  }
0x34: {  	[smem:$0x3FAF] =	sst s10  }
0x35: {  	s10 =	sld [smem:$0x3FAE];
	_ =	sdelay $0x3  }
0x36: {  	p1 =	seq.s32 s10, $0x1;
	s10 =	sld [smem:$0x3FAF];
	_ =	sdelay $0x3  }
0x37: {  	[smem:$0x3FAF] =	sst s10  }
0x38: {  	s10 =	sld [smem:$0x3FB0]  }
0x39: {  	_ = 	snop;
	(pc) =	sbr.ind lr, $3  }
0x3a: {  	_ = 	snop  }
0x3b: {  	_ = 	snop  }
0x3c: {  	p2 =	seq.s32 s10, $0x1;
	s10 =	sld [smem:$0x3FAF]  }
0x3d: {  	_ =	shalt  }
0x3e: {  	_ =	shalt  }
0x3f: {  	_ =	shalt  }
0x40: {  	_ =	shalt  }
0x41: {  	_ =	shalt  }
0x42: {  	_ =	shalt  }
0x43: {  	_ =	shalt  }
0x44: {  	_ =	shalt  }
0x45: {  	_ =	shalt  }
0x46: {  	_ =	shalt  }
0x47: {  	_ =	shalt  }
0x48: {  	_ =	shalt  }
0x49: {  	_ =	shalt  }
0x4a: {  	_ =	shalt  }
0x4b: {  	_ =	shalt  }
0x4c: {  	_ =	shalt  }
0x4d: {  	_ =	shalt  }
0x4e: {  	_ =	shalt  }
0x4f: {  	_ =	shalt  }
0x50: {  	_ =	shalt  }
0x51: {  	_ =	shalt  }
0x52: {  	_ =	shalt  }
0x53: {  	_ =	shalt  }
0x54: {  	_ =	shalt  }
0x55: {  	_ =	shalt  }
0x56: {  	_ =	shalt  }
0x57: {  	_ =	shalt  }
0x58: {  	_ =	shalt  }
0x59: {  	_ =	shalt  }
0x5a: {  	_ =	shalt  }
0x5b: {  	_ =	shalt  }
0x5c: {  	_ =	shalt  }
0x5d: {  	_ =	shalt  }
0x5e: {  	_ =	shalt  }
0x5f: {  	_ =	shalt  }
0x60: {  	_ =	shalt  }
0x61: {  	_ =	shalt  }
0x62: {  	_ =	shalt  }
0x63: {  	_ =	shalt  }
0x64: {  	_ =	shalt  }
0x65: {  	_ =	shalt  }
0x66: {  	_ =	shalt  }
0x67: {  	_ =	shalt  }
0x68: {  	_ =	shalt  }
0x69: {  	_ =	shalt  }
0x6a: {  	_ =	shalt  }
0x6b: {  	_ =	shalt  }
0x6c: {  	_ =	shalt  }
0x6d: {  	_ =	shalt  }
0x6e: {  	_ =	shalt  }
0x6f: {  	_ =	shalt  }
0x70: {  	_ =	shalt  }
0x71: {  	_ =	shalt  }
0x72: {  	_ =	shalt  }
0x73: {  	_ =	shalt  }
0x74: {  	_ =	shalt  }
0x75: {  	_ =	shalt  }
0x76: {  	_ =	shalt  }
0x77: {  	_ =	shalt  }
0x78: {  	_ =	shalt  }
0x79: {  	_ =	shalt  }
0x7a: {  	_ =	shalt  }
0x7b: {  	_ =	shalt  }
0x7c: {  	_ =	shalt  }
0x7d: {  	_ =	shalt  }
0x7e: {  	_ =	shalt  }
0x7f: {  	_ =	shalt  }
0x80: {  	_ =	shalt  }
0x81: {  	_ =	shalt  }
0x82: {  	_ =	shalt  }
0x83: {  	_ =	shalt  }
0x84: {  	_ =	shalt  }
0x85: {  	_ =	shalt  }
0x86: {  	_ =	shalt  }
0x87: {  	_ =	shalt  }
.Lfunc_end0:
.L_simem_size_0:
called_computation.1_lowered:
.L_overlay_start_0:
0x88: {  	s2 =	sld [smem:$0x3FD9]  }
0x89: {  	s3 =	sld [smem:$0x3FFE];
	_ =	sdelay $0x1  }
0x8a: {  	s1 =	srdreg.scid  }
0x8b: {  	s0 =	sand.u32 $0x1, s1  }
0x8c: {  	s17 =	sshll.u32 s0, $0xA;
	s2 =	sadd.s32 s3, s2  }
0x8d: {  	s2 =	sadd.s32 s2, s17  }
0x8e: {  	[smem:$0x3FBB] =	sst s2  }
0x8f: {  	_ = 	snop  }
0x90: {  	(tm) =	ssettm $0x1  }
0x91: {  	s18 =	sld [smem:$0x3FFB];
	_ =	sdelay $0x3  }
0x92: {  	_ =	strace s18  }
0x93: {  	s2 =	sld [smem:$0x3FFC];
	_ =	sdelay $0x3  }
0x94: {  	_ =	strace s2  }
0x95: {  	s2 =	sld [smem:$0x3FFD];
	_ =	sdelay $0x3  }
0x96: {  	_ =	strace s2  }
0x97: {  	_ =	strace $0x8FFFFFFF  }
0x98: {  	s19 =	sld [smem:$0x3FDB];
	_ =	sdelay $0x1  }
0x99: {  	s20 =	simm.s32 $_scs_section_size  }
0x9a: {  	s4 =	simm.s32 $_size__tile_overlayer_lowered;
	s5 =	simm.s32 $_tile_overlayer_lowered  }
0x9b: {  	s6 =	simm.s32 $0x1BFF;
	s21 =	sshll.u32 s5, $0x1;
	s3 =	sadd.s32 s20, s19  }
0x9c: {  	s22 =	simm.s32 $0x0;
	s4 =	sshll.u32 s4, $0x1;
	s5 =	sadd.s32 s21, s3  }
0x9d: {  	[timem:s22], [sflag:s6] =	dma.local [hbm:s5], s4  }
0x9e: {  	_ =	swait.ge [sflag:s6], s4  }
0x9f: {  	s4 =	ssub.s32 $0x0, s4;
	[sflag:s6] =	ssyncset.done $0x0  }
0xa0: {  	[sflag:s6] =	ssyncadd.s32 s4;
	_ =	sdelay $0x1  }
0xa1: {  	s23 =	simm.s32 $0x1B8B  }
0xa2: {  	_ =	swait.ge [sflag:s23], $0x1  }
0xa3: {  	[sflag:s23] =	ssyncset.done $0x0  }
0xa4: {  	[sflag:s23] =	ssyncadd.s32 $0xFFFFFFFF  }
0xa5: {  	s4 =	sld [smem:$0x0]  }
0xa6: {  	s5 =	sand.u32 $0xFFFFFFFE, s1  }
0xa7: {  	p0 =	sne.s32 s1, s5  }
0xa8: {  	s5 =	sshll.u32 @p0 s5, $0xE  }
0xa9: {  	s5 =	sadd.s32 @p0 $0x11B8D, s5;
	s6 =	sshll.u32 @p0 s4, $0x11  }
0xaa: {  	s5 =	sor.u32 @p0 s6, s5  }
0xab: {  	[sflag:s5] =	ssyncadd.remote.s32 @p0 $0x1;
	_ =	sdelay $0x1  }
0xac: {  	s5 =	simm.s32 @p0 $0x1B8D  }
0xad: {  	_ =	swait.eq @p0 [sflag:s5], $0x1  }
0xae: {  	[sflag:s5] =	ssyncadd.s32 @p0 $0xFFFFFFFF  }
0xaf: {  	s6 =	sshll.u32 @!p0 s1, $0xE  }
0xb0: {  	s6 =	sor.u32 @!p0 $0x4000, s6;
	s5 =	simm.s32 @!p0 $0x1B8D  }
0xb1: {  	s4 =	sshll.u32 @!p0 s4, $0x11;
	s6 =	sadd.s32 @!p0 $0x11B8D, s6;
	_ =	swait.eq @!p0 [sflag:s5], $0x1  }
0xb2: {  	s4 =	sor.u32 @!p0 s4, s6;
	[sflag:s5] =	ssyncadd.s32 @!p0 $0xFFFFFFFF  }
0xb3: {  	s25 =	simm.s32 $0x1B8E;
	s24 =	sld [smem:$0x3FFE];
	[sflag:s4] =	ssyncadd.remote.s32 @!p0 $0x1  }
0xb4: {  	s26 =	simm.s32 $execute0_lowered;
	[smem:$0x3FD2] =	sst s25  }
0xb5: {  	s5 =	sshll.u32 s26, $0x1;
	_ =	strace $0x8000004C;
	[dreg:$0x1] =	wrdreg $0xFFFFFFFF  }
0xb6: {  	s28 =	simm.s32 $_size_execute0_lowered;
	s3 =	sadd.s32 s3, s5;
	[dreg:$0x0] =	wrdreg $0x0  }
0xb7: {  	s5 =	sshll.u32 s28, $0x1;
	[dreg:$0x2] =	wrdreg s3  }
0xb8: {  	[dreg:$0x3] =	wrdreg s5  }
0xb9: {  	[dreg:$0x4] =	wrdreg $0xC0  }
0xba: {  	_ =	task [dreg:s22], $0x5FFFF  }
0xbb: {  	[dreg:$0x1] =	wrdreg $0xFFFFFFFF  }
0xbc: {  	[dreg:$0x0] =	wrdreg $0x60  }
0xbd: {  	[dreg:$0x2] =	wrdreg s24  }
0xbe: {  	[dreg:$0x3] =	wrdreg $0xA  }
0xbf: {  	_ =	task.clear_ibuf [dreg:s22], $0x4FFFF;
	_ =	strace $0x9000004C  }
0xc0: {  	s29 =	simm.s32 $0xA;
	_ =	strace $0x8000004E  }
0xc1: {  	_ =	swait.ge [sflag:s29], $0x1  }
0xc2: {  	[sflag:s29] =	ssyncadd.s32 $0xFFFFFFFF  }
0xc3: {  	_ =	strace $0x9000004E  }
0xc4: {  	_ =	sfence  }
0xc5: {  	s30 =	sld [smem:$0x0];
	_ =	sdelay $0x2  }
0xc6: {  	s31 =	sshll.u32 s1, $0xD;
	s1 =	sshrl.u32 s1, $0x2  }
0xc7: {  	s4 =	sand.u32 $0x4000, s31;
	s1 =	sadd.s32 s1, s30  }
0xc8: {  	s0 =	sor.u32 s4, s0;
	s1 =	sshll.u32 s1, $0x11  }
0xc9: {  	s0 =	sor.u32 s1, s0  }
0xca: {  	s0 =	sadd.s32 $0x8F2B, s0  }
0xcb: {  	[sflag:s0] =	ssyncadd.remote.s32 $0x1  }
0xcc: {  	_ =	sfence.sel $0xFFFF  }
0xcd: {  	[dreg:$0x0] =	wrdreg $0xFFFFFFFF;
	(pc) =	sbr.abs _section_cstart, $3  }
0xce: {  	[dreg:$0x1] =	wrdreg $0xFFFFFFFF  }
0xcf: {  	_ =	task.clear_ibuf [dreg:s22], $0x2FFFF;
	_ =	strace $0x9FFFFFFF  }
0xd0: {  	(tm) =	ssettm $0x7FFFFFFF  }
0xd1: {  	_ =	shalt  }
tec
execute0_lowered:
.L_overlay_start_1:
0x0: {  	(tag) =	ssettag $0x1  }
0x1: {  	s0 =	srdreg.scid;
	s5 =	rddreg [dreg:$0x0]  }
0x2: {  	s1 =	stileid.u32;
	s6 =	simm.s32 $0x1;
	s9 =	simm.s32 $0x1  }
0x3: {  	s10 =	simm.s32 $0x3;
	s13 =	simm.s32 $0x0;
	s2 =	sshll.u32 s0, $0x7  }
0x4: {  	s12 =	simm.s32 $0x0;
	s3 =	sshll.u32 s1, $0x8;
	s2 =	sand.u32 $0x80, s2  }
0x5: {  	s0 =	rddreg [dreg:$0x1];
	_ =	strace $0x8000004D;
	s2 =	sor.u32 s3, s2  }
0x6: {  	s4 =	sadd.s32 $0x8E00, s5;
	[sflag:s6] =	ssyncpa.u1 $0x0;
	s8 =	ssub.s32 $0x2000, s2  }
.Ltmp0:
0x7: {  	s3 =	sadd.s32 $0x8600, s5;
	s7 =	sand.u32 $0xF80, s8;
	(pc) =	sbr.rel .LBB2_1-.Ltmp0, $4  }
0x8: {  	s5 =	sadd.s32 $0xA800, s5;
	s11 =	smov.u32 s2;
	p0 =	sne.s32 s7, $0x0  }
0x9: {  	s8 =	sshrl.u32 s8, $0xC;
	s7 =	simm.s32 $0x2;
	s9 =	simm.s32 @!p0 $0x0  }
0xa: {  	[sflag:s7] =	ssyncpa.u1 $0x0;
	p0 =	por $0x0, $0x0;
	s8 =	sadd.s32 s9, s8  }
0xb: {  	vm0 =	vmmov $0xffff;
	[sflag:s10] =	ssyncpa.u1 $0x0;
	s10 =	simm.s32 $0x0;
	s9 =	sadd.s32 $0x1, s8  }
.LBB2_4:
0xc: {  	v2 =	vnsel vm1, $0x0, v2  }
0xd: {  	vm1 =	vgt.s32 v0, $0x0;
	v2 =	vmin.u32 v2, $0x1FFF  }
0xe: {  	v0 =	vnsel vm1, $0x0, v0  }
0xf: {  	v0 =	vmin.u32 v0, $0x1FFF  }
0x10: {  	[tilespmem:s15], [sflag:$0x1] =	stream.indirect_vreg.gather [hbm4b:s3+s10], $0x1, v1, vm0, $0x4038;
	[tilespmem:$0x200] =	vst v63  }
0x11: {  	(ifvalue) =	ssetifvalue $0x7FFFFFFF  }
0x12: {  	[tilespmem:s16], [sflag:$0x1] =	stream.indirect_vreg.gather [hbm4b:s3+s10], $0x1, v2, vm0, $0x4038;
	[tilespmem:$0x200] =	vst v63  }
0x13: {  	s29 =	sadd.s32 $0x10, s16;
	(ifvalue) =	ssetifvalue $0x7FFFFFFF  }
0x14: {  	[tilespmem:s29], [sflag:$0x1] =	stream.indirect_vreg.gather [hbm4b:s3+s10], $0x1, v0, vm0, $0x4038;
	[tilespmem:$0x200] =	vst v63  }
0x15: {  	_ =	swait.ge [sflag:s6], $0x80  }
0x16: {  	s30 =	sshrl.u32 s13, $0x3;
	[sflag:s6] =	ssyncset.done $0x0  }
0x17: {  	s31 =	sand.u32 $0x7, s13;
	s15 =	sadd.s32 s5, s30;
	[sflag:s6] =	ssyncadd.s32 $0xFFFFFF80  }
0x18: {  	[hbm4b:s15+s31] =	stream.linear.scatter [tilespmem:s14], [sflag:$0x3], $0x80, $0x38;
	[tilespmem:$0x200] =	vst v63  }
.LBB2_5:
0x19: {  	s15 =	sadd.s32 $0x1000, s11  }
0x1a: {  	p2 =	sgt.s32 s15, $0x1FFF  }
0x1b: {  	s15 =	smov.u32 @p2 s2;
	p2 =	sne.s32 s12, s9  }
.Ltmp1:
0x1c: {  	p1 =	slt.u32 s12, $0x2;
	(pc) =	sbr.rel @!p2 .LBB2_6-.Ltmp1, $4  }
0x1d: {  	s14 =	simm.s32 @!p1 $0x3  }
0x1e: {  	s16 =	sadd.s32 $0x1, s12;
	_ =	swait.ge @!p1 [sflag:s14], $0x80  }
0x1f: {  	s13 =	smov.u32 s11;
	p0 =	por !p0, !p0;
	[sflag:s14] =	ssyncset.done @!p1 $0x0  }
0x20: {  	s12 =	smov.u32 s16;
	s11 =	smov.u32 s15;
	[sflag:s14] =	ssyncadd.s32 @!p1 $0xFFFFFF80  }
.LBB2_1:
0x21: {  	p1 =	sge.u32 s12, s8  }
0x22: {  	s14 =	sxor.u32 @!p1 $0xFFFFFFFF, s12  }
0x23: {  	s31 =	sadd.s32 $0xFFFFFFFF, s12;
	s15 =	sshrl.u32 @!p1 s11, $0x3;
	s14 =	sshll.u32 @!p1 s14, $0x7  }
0x24: {  	s16 =	sand.u32 @!p1 $0x7, s11;
	s15 =	sadd.s32 @!p1 s4, s15;
	s14 =	sand.u32 @!p1 $0x80, s14  }
0x25: {  	[tilespmem:s14], [sflag:$0x2] =	stream.linear.gather @!p1 [hbm4b:s15+s16], $0x80, $0x38;
	[tilespmem:$0x200] =	vst v63  }
0x26: {  	p1 =	sge.u32 s31, s8  }
.Ltmp2:
0x27: {  	_ = 	snop;
	(pc) =	sbr.rel @p1 .LBB2_5-.Ltmp2, $1  }
0x28: {  	_ =	sdelay $0x3  }
0x29: {  	s14 =	simm.s32 $0x1  }
0x2a: {  	_ =	swait.ge [sflag:s7], $0x80;
	s14 =	simm.s32 @!p0 $0x0  }
0x2b: {  	[sflag:s7] =	ssyncset.done $0x0;
	s14 =	sshll.u32 s14, $0x7  }
0x2c: {  	[sflag:s7] =	ssyncadd.s32 $0xFFFFFF80;
	(ifvalue) =	ssetifvalue $0x7FFFFFFF;
	v0 =	vld.msk [tilespmem:s14+$0x0 ss:$0x1], $0xffff;
	_ =	sdelay $0x4  }
0x2d: {  	s15 =	sadd.s32 $0x10, s14;
	vm1 =	vgt.s32 v0, $0x0  }
0x2e: {  	v2 =	vld.msk [tilespmem:s15+$0x0 ss:$0x1], $0xffff;
	v1 =	vnsel vm1, $0x0, v0  }
0x2f: {  	v1 =	vmin.u32 v1, $0x1FFF;
	_ =	sdelay $0x1  }
0x30: {  	s16 =	sshll.u32 s12, $0x7;
	s18 =	simm.s32 $0x20  }
0x31: {  	s16 =	sand.u32 $0x80, s16;
	s17 =	sadd.s32 $0x10, s15;
	s15 =	sor.u32 $0x100, s14  }
0x32: {  	s14 =	sor.u32 $0x100, s16;
	s16 =	sadd.s32 $0x10, s15;
	v0 =	vld.msk [tilespmem:s17+$0x0 ss:$0x1], $0xffff;
	vm1 =	vgt.s32 v2, $0x0;
	(ifvalue) =	ssetifvalue $0x7FFFFFFF  }
.LBB2_3:
0x33: {  	[tilespmem:s15], [sflag:$0x1] =	stream.indirect_vreg.gather [hbm4b:s3+s10], $0x1, v1, vm0, $0x4038;
	[tilespmem:$0x200] =	vst v63  }
0x34: {  	s18 =	sadd.s32 $0x10, s18  }
0x35: {  	v2 =	vnsel vm1, $0x0, v2;
	p1 =	slt.u32 s18, $0x70  }
.Ltmp3:
0x36: {  	s15 =	smov.u32 s16;
	v1 =	vmin.u32 v2, $0x1FFF;
	(pc) =	sbr.rel @p1 .LBB2_3-.Ltmp3, $3  }
0x37: {  	_ =	sdelay $0x1  }
0x38: {  	s17 =	sadd.s32 $0x10, s17  }
0x39: {  	vm1 =	vgt.s32 v0, $0x0;
	s16 =	sadd.s32 $0x10, s16;
	v2 =	vmov v0;
	(ifvalue) =	ssetifvalue $0x7FFFFFFF;
	v0 =	vld.msk [tilespmem:s17+$0x0 ss:$0x1], $0xffff  }
.Ltmp4:
0x3a: {  	_ = 	snop;
	(pc) =	sbr.rel .LBB2_4-.Ltmp4, $1  }
0x3b: {  	_ =	sdelay $0x3  }
.LBB2_6:
0x3c: {  	_ =	sfence.sel $0x180000  }
0x3d: {  	s2 =	simm.s32 $0x2;
	[bflag:$0x0] =	sbarrier.arrive $0xFFFF  }
0x3e: {  	s30 =	simm.s32 $0x3;
	[sflag:s2] =	ssyncpa.u1 $0x1  }
0x3f: {  	s31 =	simm.s32 $0x1;
	[sflag:s30] =	ssyncpa.u1 $0x1  }
0x40: {  	[sflag:s31] =	ssyncpa.u1 $0x1  }
0x41: {  	p0 =	sne.s32 s1, $0x0;
	_ =	strace $0x9000004D  }
0x42: {  	s0 =	sadd.s32 @!p0 $0x100000, s0;
	[bflag:$0x2] =	sbarrier.arrive $0xFFFF  }
0x43: {  	[sflag:s0] =	ssyncadd.tile.s32 @!p0 $0x1;
	_ =	shalt  }
.Lfunc_end2:
_tile_overlayer_lowered:
.L_overlay_start_2:
0x44: {  	(tag) =	ssettag $0x2  }
0x45: {  	s0 =	rddreg [dreg:$0x0];
	s2 =	stileid.u32  }
0x46: {  	s1 =	rddreg [dreg:$0x1];
	p0 =	sne.s32 s2, $0x0  }
0x47: {  	s3 =	rddreg [dreg:$0x2];
	[bflag:$0x3] =	sbarrier.arrive $0xFFFF;
	s2 =	simm.s32 @!p0 $0x1C01  }
0x48: {  	[timem:s3], [sflag:s2] =	dma.local @!p0 [hbm:s0], s1  }
0x49: {  	s0 =	simm.s32 @!p0 $0x1  }
0x4a: {  	_ =	swait.ge @!p0 [sflag:s0], s1  }
0x4b: {  	s1 =	ssub.s32 @!p0 $0x0, s1;
	[sflag:s0] =	ssyncset.done @!p0 $0x0  }
0x4c: {  	[sflag:s0] =	ssyncadd.s32 @!p0 s1  }
0x4d: {  	[bflag:$0x3] =	sbarrier.arrive $0xFFFF  }
0x4e: {  	_ =	shalt  }

// kernel: kernel.10.cloned.1.call-start
scs
__scs_entry_jumppad:
0x0: {  	(pc) =	sbr.rel $0x88, $3  }
0x1: {  	(tag) =	ssettag $0x0;
	lr =	simm.s32 $0x1  }
0x2: {  	[smem:$0x3F94] =	sst lr;
	_ =	strace $0xD0000000  }
0x3: {  	_ = 	snop  }
0x4: {  	_ = 	snop  }
0x5: {  	_ = 	snop  }
0x6: {  	_ = 	snop  }
0x7: {  	_ = 	snop  }
__scs_overlays_trampoline_lowered:
0x8: {  	[smem:$0x3FA3] =	sst s0  }
0x9: {  	[smem:$0x3FA4] =	sst s1  }
0xa: {  	[smem:$0x3FA5] =	sst s2  }
0xb: {  	[smem:$0x3FA6] =	sst s3  }
0xc: {  	[smem:$0x3FA7] =	sst s4  }
0xd: {  	[smem:$0x3FA8] =	sst s5  }
0xe: {  	[smem:$0x3FA9] =	sst s6  }
0xf: {  	[smem:$0x3FAA] =	sst s7  }
0x10: {  	[smem:$0x3FAB] =	sst s8  }
0x11: {  	[smem:$0x3FAC] =	sst s9;
	s0 =	simm.s32 @!p0 $0x0  }
0x12: {  	s1 =	sld [smem:$0x3F92];
	s0 =	simm.s32 @p0 $0x1  }
0x13: {  	[smem:$0x3FAD] =	sst s0;
	s0 =	simm.s32 @!p1 $0x0  }
0x14: {  	s2 =	sld [smem:$0x3F91];
	s0 =	simm.s32 @p1 $0x1  }
0x15: {  	[smem:$0x3FAE] =	sst s0;
	s0 =	simm.s32 @!p2 $0x0  }
0x16: {  	s3 =	sld [smem:$0x3FDB];
	s0 =	simm.s32 @p2 $0x1  }
0x17: {  	s4 =	simm.s32 $0x1BF5;
	[smem:$0x3FB0] =	sst s0  }
0x18: {  	s0 =	sld [smem:$0x3F93];
	_ =	swait.ge [sflag:s4], $0x0  }
0x19: {  	s7 =	sld [smem:$0x3F94]  }
0x1a: {  	s8 =	sadd.s32 $0xFFFFE003, lr  }
0x1b: {  	s9 =	sadd.s32 $0xFFFFFEF7, lr;
	s5 =	simm.s32 $0xFFFFFFFF;
	p2 =	slt.u32 s8, $0xFFFFF086  }
0x1c: {  	p1 =	slt.u32 s9, $0xF7A;
	s5 =	simm.s32 @!p2 $0x0  }
0x1d: {  	s5 =	simm.s32 @p1 $0x1;
	p0 =	seq.s32 s7, s2  }
0x1e: {  	s7 =	smul.u32 @!p0 $0xF7A, s2;
	p2 =	seq.s32 @!p0 s5, $0x0  }
0x1f: {  	s9 =	smul.u32 $0xF7A, s1;
	s8 =	simm.s32 @!p0 $0x1BF5;
	p2 =	por !p2, p0  }
0x20: {  	[sflag:s8] =	ssyncset.s32 @!p0 $0xFFFFF086;
	s6 =	sadd.s32 @!p0 s3, s7;
	s7 =	simm.s32 @!p0 $0x108  }
0x21: {  	s3 =	sadd.s32 s3, s9;
	s6 =	sadd.s32 @!p0 $0x88, s6;
	s7 =	simm.s32 @p2 $0x1082  }
0x22: {  	[simem:s7], [sflag:s8] =	dma.local @!p0 [hbm:s6], $0xF7A  }
0x23: {  	s9 =	sor.u32 $0xD0000000, s2;
	s6 =	simm.s32 $0x108;
	_ =	swait.ge @!p0 [sflag:s8], $0x0  }
0x24: {  	s3 =	sadd.s32 $0x88, s3;
	s6 =	simm.s32 @!p1 $0x1082;
	[sflag:s4] =	ssyncset.s32 $0xFFFFF086  }
0x25: {  	[simem:s6], [sflag:s4] =	dma.local [hbm:s3], $0xF7A  }
0x26: {  	[smem:$0x3F94] =	sst s1;
	(tag) =	ssettag s2;
	_ =	strace s9  }
0x27: {  	s1 =	sld [smem:$0x3FA4]  }
0x28: {  	s2 =	sld [smem:$0x3FA5]  }
0x29: {  	s4 =	sld [smem:$0x3FA7]  }
0x2a: {  	p0 =	seq.s32 s5, $0x0;
	s5 =	sld [smem:$0x3FA8]  }
0x2b: {  	s6 =	sld [smem:$0x3FA9]  }
0x2c: {  	s7 =	sld [smem:$0x3FAA]  }
0x2d: {  	s3 =	simm.s32 $0x108;
	s8 =	sld [smem:$0x3FAB]  }
0x2e: {  	s3 =	simm.s32 @!p0 $0x1082;
	s9 =	sld [smem:$0x3FAC]  }
0x2f: {  	lr =	sadd.s32 s0, s3;
	s0 =	sld [smem:$0x3FA3]  }
0x30: {  	s3 =	sld [smem:$0x3FA6]  }
0x31: {  	[smem:$0x3FAF] =	sst s10  }
0x32: {  	s10 =	sld [smem:$0x3FAD];
	_ =	sdelay $0x3  }
0x33: {  	p0 =	seq.s32 s10, $0x1;
	s10 =	sld [smem:$0x3FAF];
	_ =	sdelay $0x3  }
0x34: {  	[smem:$0x3FAF] =	sst s10  }
0x35: {  	s10 =	sld [smem:$0x3FAE];
	_ =	sdelay $0x3  }
0x36: {  	p1 =	seq.s32 s10, $0x1;
	s10 =	sld [smem:$0x3FAF];
	_ =	sdelay $0x3  }
0x37: {  	[smem:$0x3FAF] =	sst s10  }
0x38: {  	s10 =	sld [smem:$0x3FB0]  }
0x39: {  	_ = 	snop;
	(pc) =	sbr.ind lr, $3  }
0x3a: {  	_ = 	snop  }
0x3b: {  	_ = 	snop  }
0x3c: {  	p2 =	seq.s32 s10, $0x1;
	s10 =	sld [smem:$0x3FAF]  }
0x3d: {  	_ =	shalt  }
0x3e: {  	_ =	shalt  }
0x3f: {  	_ =	shalt  }
0x40: {  	_ =	shalt  }
0x41: {  	_ =	shalt  }
0x42: {  	_ =	shalt  }
0x43: {  	_ =	shalt  }
0x44: {  	_ =	shalt  }
0x45: {  	_ =	shalt  }
0x46: {  	_ =	shalt  }
0x47: {  	_ =	shalt  }
0x48: {  	_ =	shalt  }
0x49: {  	_ =	shalt  }
0x4a: {  	_ =	shalt  }
0x4b: {  	_ =	shalt  }
0x4c: {  	_ =	shalt  }
0x4d: {  	_ =	shalt  }
0x4e: {  	_ =	shalt  }
0x4f: {  	_ =	shalt  }
0x50: {  	_ =	shalt  }
0x51: {  	_ =	shalt  }
0x52: {  	_ =	shalt  }
0x53: {  	_ =	shalt  }
0x54: {  	_ =	shalt  }
0x55: {  	_ =	shalt  }
0x56: {  	_ =	shalt  }
0x57: {  	_ =	shalt  }
0x58: {  	_ =	shalt  }
0x59: {  	_ =	shalt  }
0x5a: {  	_ =	shalt  }
0x5b: {  	_ =	shalt  }
0x5c: {  	_ =	shalt  }
0x5d: {  	_ =	shalt  }
0x5e: {  	_ =	shalt  }
0x5f: {  	_ =	shalt  }
0x60: {  	_ =	shalt  }
0x61: {  	_ =	shalt  }
0x62: {  	_ =	shalt  }
0x63: {  	_ =	shalt  }
0x64: {  	_ =	shalt  }
0x65: {  	_ =	shalt  }
0x66: {  	_ =	shalt  }
0x67: {  	_ =	shalt  }
0x68: {  	_ =	shalt  }
0x69: {  	_ =	shalt  }
0x6a: {  	_ =	shalt  }
0x6b: {  	_ =	shalt  }
0x6c: {  	_ =	shalt  }
0x6d: {  	_ =	shalt  }
0x6e: {  	_ =	shalt  }
0x6f: {  	_ =	shalt  }
0x70: {  	_ =	shalt  }
0x71: {  	_ =	shalt  }
0x72: {  	_ =	shalt  }
0x73: {  	_ =	shalt  }
0x74: {  	_ =	shalt  }
0x75: {  	_ =	shalt  }
0x76: {  	_ =	shalt  }
0x77: {  	_ =	shalt  }
0x78: {  	_ =	shalt  }
0x79: {  	_ =	shalt  }
0x7a: {  	_ =	shalt  }
0x7b: {  	_ =	shalt  }
0x7c: {  	_ =	shalt  }
0x7d: {  	_ =	shalt  }
0x7e: {  	_ =	shalt  }
0x7f: {  	_ =	shalt  }
0x80: {  	_ =	shalt  }
0x81: {  	_ =	shalt  }
0x82: {  	_ =	shalt  }
0x83: {  	_ =	shalt  }
0x84: {  	_ =	shalt  }
0x85: {  	_ =	shalt  }
0x86: {  	_ =	shalt  }
0x87: {  	_ =	shalt  }
.Lfunc_end0:
.L_simem_size_0:
called_computation.4_lowered:
.L_overlay_start_0:
0x88: {  	s2 =	sld [smem:$0x3FD9]  }
0x89: {  	s3 =	sld [smem:$0x3FFE];
	_ =	sdelay $0x1  }
0x8a: {  	s1 =	srdreg.scid  }
0x8b: {  	s0 =	sand.u32 $0x1, s1  }
0x8c: {  	s16 =	sshll.u32 s0, $0xA;
	s2 =	sadd.s32 s3, s2  }
0x8d: {  	s2 =	sadd.s32 s2, s16  }
0x8e: {  	[smem:$0x3FBB] =	sst s2  }
0x8f: {  	_ = 	snop  }
0x90: {  	(tm) =	ssettm $0x1  }
0x91: {  	s17 =	sld [smem:$0x3FFB];
	_ =	sdelay $0x3  }
0x92: {  	_ =	strace s17  }
0x93: {  	s2 =	sld [smem:$0x3FFC];
	_ =	sdelay $0x3  }
0x94: {  	_ =	strace s2  }
0x95: {  	s2 =	sld [smem:$0x3FFD];
	_ =	sdelay $0x3  }
0x96: {  	_ =	strace s2  }
0x97: {  	_ =	strace $0x8FFFFFFF  }
0x98: {  	s18 =	sld [smem:$0x3FDB];
	_ =	sdelay $0x1  }
0x99: {  	s19 =	simm.s32 $_scs_section_size  }
0x9a: {  	s4 =	simm.s32 $_size__tile_overlayer_lowered;
	s5 =	simm.s32 $_tile_overlayer_lowered  }
0x9b: {  	s22 =	simm.s32 $0x1BFF;
	s21 =	sshll.u32 s5, $0x1;
	s2 =	sadd.s32 s19, s18  }
0x9c: {  	s6 =	simm.s32 $0x0;
	s20 =	sshll.u32 s4, $0x1;
	s4 =	sadd.s32 s21, s2  }
0x9d: {  	[timem:s6], [sflag:s22] =	dma.local [hbm:s4], s20  }
0x9e: {  	_ =	swait.ge [sflag:s22], s20  }
0x9f: {  	s3 =	ssub.s32 $0x0, s20;
	[sflag:s22] =	ssyncset.done $0x0  }
0xa0: {  	[sflag:s22] =	ssyncadd.s32 s3;
	_ =	sdelay $0x1  }
0xa1: {  	s23 =	simm.s32 $0x1B8B  }
0xa2: {  	_ =	swait.ge [sflag:s23], $0x1  }
0xa3: {  	[sflag:s23] =	ssyncset.done $0x0  }
0xa4: {  	s25 =	simm.s32 $0x1B8E;
	s24 =	sld [smem:$0x3FFE];
	[sflag:s23] =	ssyncadd.s32 $0xFFFFFFFF  }
0xa5: {  	s26 =	simm.s32 $execute0_lowered;
	[smem:$0x3FD2] =	sst s25  }
0xa6: {  	s4 =	sshll.u32 s26, $0x1;
	_ =	strace $0x80000052;
	[dreg:$0x1] =	wrdreg $0xFFFFFFFF  }
0xa7: {  	s28 =	simm.s32 $_size_execute0_lowered;
	s2 =	sadd.s32 s2, s4;
	[dreg:$0x0] =	wrdreg $0x0  }
0xa8: {  	s4 =	sshll.u32 s28, $0x1;
	[dreg:$0x2] =	wrdreg s2  }
0xa9: {  	[dreg:$0x3] =	wrdreg s4  }
0xaa: {  	[dreg:$0x4] =	wrdreg $0xC0  }
0xab: {  	_ =	task [dreg:s6], $0x5FFFF  }
0xac: {  	[dreg:$0x1] =	wrdreg $0xFFFFFFFF  }
0xad: {  	[dreg:$0x0] =	wrdreg $0x60  }
0xae: {  	[dreg:$0x2] =	wrdreg s24  }
0xaf: {  	[dreg:$0x3] =	wrdreg $0x9  }
0xb0: {  	_ =	task.clear_ibuf [dreg:s6], $0x4FFFF;
	_ =	strace $0x90000052  }
0xb1: {  	s29 =	simm.s32 $0x9;
	_ =	strace $0x80000054  }
0xb2: {  	_ =	swait.ge [sflag:s29], $0x1  }
0xb3: {  	[sflag:s29] =	ssyncadd.s32 $0xFFFFFFFF  }
0xb4: {  	_ =	strace $0x90000054  }
0xb5: {  	_ =	sfence  }
0xb6: {  	s30 =	sld [smem:$0x0];
	_ =	sdelay $0x2  }
0xb7: {  	s31 =	sshll.u32 s1, $0xD;
	s1 =	sshrl.u32 s1, $0x2  }
0xb8: {  	s3 =	sand.u32 $0x4000, s31;
	s1 =	sadd.s32 s1, s30  }
0xb9: {  	s0 =	sor.u32 s3, s0;
	s1 =	sshll.u32 s1, $0x11  }
0xba: {  	s0 =	sor.u32 s1, s0  }
0xbb: {  	s0 =	sadd.s32 $0x8F2B, s0  }
0xbc: {  	[sflag:s0] =	ssyncadd.remote.s32 $0x1  }
0xbd: {  	_ =	sfence.sel $0xFFFF  }
0xbe: {  	[dreg:$0x0] =	wrdreg $0xFFFFFFFF;
	(pc) =	sbr.abs _section_cstart, $3  }
0xbf: {  	[dreg:$0x1] =	wrdreg $0xFFFFFFFF  }
0xc0: {  	_ =	task.clear_ibuf [dreg:s6], $0x2FFFF;
	_ =	strace $0x9FFFFFFF  }
0xc1: {  	(tm) =	ssettm $0x7FFFFFFF  }
tec
execute0_lowered:
.L_overlay_start_1:
0x0: {  	(tag) =	ssettag $0x1  }
0x1: {  	s0 =	rddreg [dreg:$0x0];
	s2 =	simm.s32 $0x0;
	s1 =	srdreg.scid  }
0x2: {  	s7 =	stileid.u32;
	s13 =	simm.s32 $0xA00;
	s14 =	simm.s32 $0x1200  }
0x3: {  	s15 =	simm.s32 $0x1A00;
	s16 =	simm.s32 $0x2200;
	s17 =	simm.s32 $0x2A00  }
0x4: {  	s18 =	simm.s32 $0x3200;
	s19 =	simm.s32 $0x3A00;
	s20 =	simm.s32 $0x4200  }
0x5: {  	s21 =	simm.s32 $0x4A00;
	s22 =	simm.s32 $0x5200;
	s28 =	simm.s32 $0x7A00  }
0x6: {  	s29 =	simm.s32 $0x8200;
	s30 =	simm.s32 $0x8A00;
	s31 =	simm.s32 $0x9200  }
0x7: {  	s10 =	simm.s32 $0xBA00;
	s11 =	simm.s32 $0xC200;
	[smem:$0x7FF] =	sst s2  }
0x8: {  	s1 =	sand.u32 $0x1, s1;
	s3 =	sshll.u32 s7, $0x1;
	s7 =	sshll.u32 s7, $0x7  }
0x9: {  	s8 =	sadd.s32 $0x8600, s0;
	_ =	strace $0x80000053;
	s4 =	sshll.u32 s1, $0x6  }
0xa: {  	s5 =	sor.u32 s1, s3;
	s3 =	sadd.s32 $0xCB600, s0;
	s4 =	sadd.s32 s4, s0  }
0xb: {  	s1 =	ssub.s32 $0x2, s1;
	s6 =	smul.u32 $0x6000, s5;
	s4 =	sadd.s32 s7, s4  }
0xc: {  	s5 =	smul.u32 $0x30000, s5;
	s9 =	sshrl.u32 s1, $0x1;
	s4 =	sadd.s32 $0xCAE00, s4  }
0xd: {  	s1 =	ssub.s32 s1, s9;
	s6 =	sadd.s32 s8, s6;
	[dreg:$0x2] =	wrdreg s4  }
0xe: {  	s9 =	simm.s32 $0xAA00;
	s5 =	sshrl.u32 s5, $0x3;
	[dreg:$0x6] =	wrdreg s6  }
0xf: {  	s23 =	sadd.s32 $0x1800, s6;
	s24 =	sadd.s32 s8, s5;
	s5 =	sadd.s32 $0xCB700, s0  }
0x10: {  	s6 =	sadd.s32 $0xCB800, s0;
	s4 =	smax.u32 s1, $0x1;
	s8 =	simm.s32 $0x3  }
0x11: {  	v2 =	vlaneseq.u32;
	[dreg:$0x3] =	wrdreg s23;
	s25 =	sadd.s32 $0x3000, s24;
	s26 =	sadd.s32 $0x4800, s24  }
0x12: {  	vm0 =	vmmov $0xffff;
	v1 =	vshrl.u32 v2, $0x3;
	s23 =	simm.s32 $0x5A00;
	s24 =	simm.s32 $0x6200;
	[dreg:$0x4] =	wrdreg s25  }
0x13: {  	v0 =	vand.u32 $0x7, v2;
	v2 =	vor.u32 $0x8, v2;
	v1 =	vmul.u32 $0x8, v1;
	[dreg:$0x5] =	wrdreg s26;
	s25 =	simm.s32 $0x6A00;
	s26 =	simm.s32 $0x7200  }
.LBB2_1:
0x14: {  	s12 =	rddreg [dreg:$0x2]  }
0x15: {  	[tilespmem:s2], [sflag:$0x3] =	stream.linear.gather [hbm4b:s12+s2], $0x200, $0x38;
	[tilespmem:$0x18200] =	vst v63  }
0x16: {  	_ =	swait.ge [sflag:s8], $0x200  }
0x17: {  	[sflag:s8] =	ssyncset.done $0x0  }
0x18: {  	[sflag:s8] =	ssyncadd.s32 $0xFFFFFE00  }
0x19: {  	v3 =	vld [tilespmem:$0x0];
	_ =	sdelay $0x4  }
0x1a: {  	v4 =	vshrl.u32 v3, $0x3  }
0x1b: {  	v4 =	vmul.u32 $0x30, v4  }
0x1c: {  	v3 =	vand.u32 $0x7, v3  }
0x1d: {  	v3 =	vor.u32 v3, v4  }
0x1e: {  	v4 =	vperm.xlane v3, v0;
	_ =	sdelay $0x1  }
0x1f: {  	v4 =	vadd.s32 v1, v4;
	_ =	sdelay $0x3  }
0x20: {  	s0 =	simm.s32 $0x200;
	v3 =	vperm.xlane v3, v2  }
0x21: {  	[tilespmem:s0], [sflag:$0x1] =	stream.indirect_vreg.gather [hbm4b:s3+s2], $0x80, v4, vm0, $0xb8;
	[tilespmem:$0x18200] =	vst v63  }
0x22: {  	v3 =	vadd.s32 v1, v3  }
0x23: {  	[tilespmem:s13], [sflag:$0x1] =	stream.indirect_vreg.gather [hbm4b:s5+s2], $0x80, v4, vm0, $0xb8;
	[tilespmem:$0x18200] =	vst v63  }
0x24: {  	_ = 	snop  }
0x25: {  	[tilespmem:s14], [sflag:$0x1] =	stream.indirect_vreg.gather [hbm4b:s6+s2], $0x80, v4, vm0, $0xb8;
	[tilespmem:$0x18200] =	vst v63  }
0x26: {  	_ = 	snop  }
0x27: {  	[tilespmem:s15], [sflag:$0x1] =	stream.indirect_vreg.gather [hbm4b:s3+s2], $0x80, v3, vm0, $0xb8;
	[tilespmem:$0x18200] =	vst v63  }
0x28: {  	_ = 	snop  }
0x29: {  	[tilespmem:s16], [sflag:$0x1] =	stream.indirect_vreg.gather [hbm4b:s5+s2], $0x80, v3, vm0, $0xb8;
	[tilespmem:$0x18200] =	vst v63  }
0x2a: {  	_ = 	snop  }
0x2b: {  	[tilespmem:s17], [sflag:$0x1] =	stream.indirect_vreg.gather [hbm4b:s6+s2], $0x80, v3, vm0, $0xb8;
	[tilespmem:$0x18200] =	vst v63  }
0x2c: {  	v3 =	vld [tilespmem:$0x10];
	_ =	sdelay $0x4  }
0x2d: {  	v49 =	vshrl.u32 v3, $0x3  }
0x2e: {  	v4 =	vmul.u32 $0x30, v49  }
0x2f: {  	v3 =	vand.u32 $0x7, v3  }
0x30: {  	v3 =	vor.u32 v3, v4  }
0x31: {  	v4 =	vperm.xlane v3, v0;
	_ =	sdelay $0x1  }
0x32: {  	v4 =	vadd.s32 v1, v4;
	_ =	sdelay $0x3  }
0x33: {  	v3 =	vperm.xlane v3, v2  }
0x34: {  	[tilespmem:s18], [sflag:$0x1] =	stream.indirect_vreg.gather [hbm4b:s3+s2], $0x80, v4, vm0, $0xb8;
	[tilespmem:$0x18200] =	vst v63  }
0x35: {  	v3 =	vadd.s32 v1, v3  }
0x36: {  	[tilespmem:s19], [sflag:$0x1] =	stream.indirect_vreg.gather [hbm4b:s5+s2], $0x80, v4, vm0, $0xb8;
	[tilespmem:$0x18200] =	vst v63  }
0x37: {  	_ = 	snop  }
0x38: {  	[tilespmem:s20], [sflag:$0x1] =	stream.indirect_vreg.gather [hbm4b:s6+s2], $0x80, v4, vm0, $0xb8;
	[tilespmem:$0x18200] =	vst v63  }
0x39: {  	_ = 	snop  }
0x3a: {  	[tilespmem:s21], [sflag:$0x1] =	stream.indirect_vreg.gather [hbm4b:s3+s2], $0x80, v3, vm0, $0xb8;
	[tilespmem:$0x18200] =	vst v63  }
0x3b: {  	_ = 	snop  }
0x3c: {  	[tilespmem:s22], [sflag:$0x1] =	stream.indirect_vreg.gather [hbm4b:s5+s2], $0x80, v3, vm0, $0xb8;
	[tilespmem:$0x18200] =	vst v63  }
0x3d: {  	_ = 	snop  }
0x3e: {  	[tilespmem:s23], [sflag:$0x1] =	stream.indirect_vreg.gather [hbm4b:s6+s2], $0x80, v3, vm0, $0xb8;
	[tilespmem:$0x18200] =	vst v63  }
0x3f: {  	v3 =	vld [tilespmem:$0x20];
	_ =	sdelay $0x4  }
0x40: {  	v50 =	vshrl.u32 v3, $0x3  }
0x41: {  	v4 =	vmul.u32 $0x30, v50  }
0x42: {  	v3 =	vand.u32 $0x7, v3  }
0x43: {  	v3 =	vor.u32 v3, v4  }
0x44: {  	v4 =	vperm.xlane v3, v0;
	_ =	sdelay $0x1  }
0x45: {  	v4 =	vadd.s32 v1, v4;
	_ =	sdelay $0x3  }
0x46: {  	v3 =	vperm.xlane v3, v2  }
0x47: {  	[tilespmem:s24], [sflag:$0x1] =	stream.indirect_vreg.gather [hbm4b:s3+s2], $0x80, v4, vm0, $0xb8;
	[tilespmem:$0x18200] =	vst v63  }
0x48: {  	v3 =	vadd.s32 v1, v3  }
0x49: {  	[tilespmem:s25], [sflag:$0x1] =	stream.indirect_vreg.gather [hbm4b:s5+s2], $0x80, v4, vm0, $0xb8;
	[tilespmem:$0x18200] =	vst v63  }
0x4a: {  	_ = 	snop  }
0x4b: {  	[tilespmem:s26], [sflag:$0x1] =	stream.indirect_vreg.gather [hbm4b:s6+s2], $0x80, v4, vm0, $0xb8;
	[tilespmem:$0x18200] =	vst v63  }
0x4c: {  	_ = 	snop  }
0x4d: {  	[tilespmem:s28], [sflag:$0x1] =	stream.indirect_vreg.gather [hbm4b:s3+s2], $0x80, v3, vm0, $0xb8;
	[tilespmem:$0x18200] =	vst v63  }
0x4e: {  	_ = 	snop  }
0x4f: {  	[tilespmem:s29], [sflag:$0x1] =	stream.indirect_vreg.gather [hbm4b:s5+s2], $0x80, v3, vm0, $0xb8;
	[tilespmem:$0x18200] =	vst v63  }
0x50: {  	_ = 	snop  }
0x51: {  	[tilespmem:s30], [sflag:$0x1] =	stream.indirect_vreg.gather [hbm4b:s6+s2], $0x80, v3, vm0, $0xb8;
	[tilespmem:$0x18200] =	vst v63  }
0x52: {  	v3 =	vld [tilespmem:$0x30];
	_ =	sdelay $0x4  }
0x53: {  	v51 =	vshrl.u32 v3, $0x3  }
0x54: {  	v4 =	vmul.u32 $0x30, v51  }
0x55: {  	v3 =	vand.u32 $0x7, v3  }
0x56: {  	v3 =	vor.u32 v3, v4  }
0x57: {  	v4 =	vperm.xlane v3, v0;
	_ =	sdelay $0x1  }
0x58: {  	v4 =	vadd.s32 v1, v4;
	_ =	sdelay $0x3  }
0x59: {  	v3 =	vperm.xlane v3, v2  }
0x5a: {  	[tilespmem:s31], [sflag:$0x1] =	stream.indirect_vreg.gather [hbm4b:s3+s2], $0x80, v4, vm0, $0xb8;
	[tilespmem:$0x18200] =	vst v63  }
0x5b: {  	s7 =	simm.s32 $0x9A00;
	v3 =	vadd.s32 v1, v3  }
0x5c: {  	[tilespmem:s7], [sflag:$0x1] =	stream.indirect_vreg.gather [hbm4b:s5+s2], $0x80, v4, vm0, $0xb8;
	[tilespmem:$0x18200] =	vst v63  }
0x5d: {  	s1 =	simm.s32 $0xA200  }
0x5e: {  	[tilespmem:s1], [sflag:$0x1] =	stream.indirect_vreg.gather [hbm4b:s6+s2], $0x80, v4, vm0, $0xb8;
	[tilespmem:$0x18200] =	vst v63  }
0x5f: {  	_ = 	snop  }
0x60: {  	[tilespmem:s9], [sflag:$0x1] =	stream.indirect_vreg.gather [hbm4b:s3+s2], $0x80, v3, vm0, $0xb8;
	[tilespmem:$0x18200] =	vst v63  }
0x61: {  	s12 =	simm.s32 $0xB200  }
0x62: {  	[tilespmem:s12], [sflag:$0x1] =	stream.indirect_vreg.gather [hbm4b:s5+s2], $0x80, v3, vm0, $0xb8;
	[tilespmem:$0x18200] =	vst v63  }
0x63: {  	_ = 	snop  }
0x64: {  	[tilespmem:s10], [sflag:$0x1] =	stream.indirect_vreg.gather [hbm4b:s6+s2], $0x80, v3, vm0, $0xb8;
	[tilespmem:$0x18200] =	vst v63  }
0x65: {  	v3 =	vld [tilespmem:$0x80];
	_ =	sdelay $0x4  }
0x66: {  	v52 =	vshrl.u32 v3, $0x3  }
0x67: {  	v4 =	vmul.u32 $0x30, v52  }
0x68: {  	v3 =	vand.u32 $0x7, v3  }
0x69: {  	v3 =	vor.u32 v3, v4  }
0x6a: {  	v4 =	vperm.xlane v3, v0;
	_ =	sdelay $0x1  }
0x6b: {  	v4 =	vadd.s32 v1, v4;
	_ =	sdelay $0x3  }
0x6c: {  	v3 =	vperm.xlane v3, v2  }
0x6d: {  	[tilespmem:s11], [sflag:$0x2] =	stream.indirect_vreg.gather [hbm4b:s3+s2], $0x80, v4, vm0, $0xb8;
	[tilespmem:$0x18200] =	vst v63  }
0x6e: {  	s7 =	simm.s32 $0xCA00;
	v3 =	vadd.s32 v1, v3  }
0x6f: {  	[tilespmem:s7], [sflag:$0x2] =	stream.indirect_vreg.gather [hbm4b:s5+s2], $0x80, v4, vm0, $0xb8;
	[tilespmem:$0x18200] =	vst v63  }
0x70: {  	s12 =	simm.s32 $0xD200  }
0x71: {  	[tilespmem:s12], [sflag:$0x2] =	stream.indirect_vreg.gather [hbm4b:s6+s2], $0x80, v4, vm0, $0xb8;
	[tilespmem:$0x18200] =	vst v63  }
0x72: {  	s7 =	simm.s32 $0xDA00  }
0x73: {  	[tilespmem:s7], [sflag:$0x2] =	stream.indirect_vreg.gather [hbm4b:s3+s2], $0x80, v3, vm0, $0xb8;
	[tilespmem:$0x18200] =	vst v63  }
0x74: {  	s12 =	simm.s32 $0xE200  }
0x75: {  	[tilespmem:s12], [sflag:$0x2] =	stream.indirect_vreg.gather [hbm4b:s5+s2], $0x80, v3, vm0, $0xb8;
	[tilespmem:$0x18200] =	vst v63  }
0x76: {  	s7 =	simm.s32 $0xEA00  }
0x77: {  	[tilespmem:s7], [sflag:$0x2] =	stream.indirect_vreg.gather [hbm4b:s6+s2], $0x80, v3, vm0, $0xb8;
	[tilespmem:$0x18200] =	vst v63  }
0x78: {  	v3 =	vld [tilespmem:$0x90];
	_ =	sdelay $0x4  }
0x79: {  	v53 =	vshrl.u32 v3, $0x3  }
0x7a: {  	v4 =	vmul.u32 $0x30, v53  }
0x7b: {  	v3 =	vand.u32 $0x7, v3  }
0x7c: {  	v3 =	vor.u32 v3, v4  }
0x7d: {  	v4 =	vperm.xlane v3, v0;
	_ =	sdelay $0x1  }
0x7e: {  	v4 =	vadd.s32 v1, v4;
	_ =	sdelay $0x3  }
0x7f: {  	s12 =	simm.s32 $0xF200;
	v3 =	vperm.xlane v3, v2  }
0x80: {  	[tilespmem:s12], [sflag:$0x2] =	stream.indirect_vreg.gather [hbm4b:s3+s2], $0x80, v4, vm0, $0xb8;
	[tilespmem:$0x18200] =	vst v63  }
0x81: {  	s7 =	simm.s32 $0xFA00;
	v3 =	vadd.s32 v1, v3  }
0x82: {  	[tilespmem:s7], [sflag:$0x2] =	stream.indirect_vreg.gather [hbm4b:s5+s2], $0x80, v4, vm0, $0xb8;
	[tilespmem:$0x18200] =	vst v63  }
0x83: {  	s12 =	simm.s32 $0x10200  }
0x84: {  	[tilespmem:s12], [sflag:$0x2] =	stream.indirect_vreg.gather [hbm4b:s6+s2], $0x80, v4, vm0, $0xb8;
	[tilespmem:$0x18200] =	vst v63  }
0x85: {  	s7 =	simm.s32 $0x10A00  }
0x86: {  	[tilespmem:s7], [sflag:$0x2] =	stream.indirect_vreg.gather [hbm4b:s3+s2], $0x80, v3, vm0, $0xb8;
	[tilespmem:$0x18200] =	vst v63  }
0x87: {  	s12 =	simm.s32 $0x11200  }
0x88: {  	[tilespmem:s12], [sflag:$0x2] =	stream.indirect_vreg.gather [hbm4b:s5+s2], $0x80, v3, vm0, $0xb8;
	[tilespmem:$0x18200] =	vst v63  }
0x89: {  	s7 =	simm.s32 $0x11A00  }
0x8a: {  	[tilespmem:s7], [sflag:$0x2] =	stream.indirect_vreg.gather [hbm4b:s6+s2], $0x80, v3, vm0, $0xb8;
	[tilespmem:$0x18200] =	vst v63  }
0x8b: {  	v3 =	vld [tilespmem:$0xA0];
	_ =	sdelay $0x4  }
0x8c: {  	v54 =	vshrl.u32 v3, $0x3  }
0x8d: {  	v4 =	vmul.u32 $0x30, v54  }
0x8e: {  	v3 =	vand.u32 $0x7, v3  }
0x8f: {  	v3 =	vor.u32 v3, v4  }
0x90: {  	v4 =	vperm.xlane v3, v0;
	_ =	sdelay $0x1  }
0x91: {  	v4 =	vadd.s32 v1, v4;
	_ =	sdelay $0x3  }
0x92: {  	s12 =	simm.s32 $0x12200;
	v3 =	vperm.xlane v3, v2  }
0x93: {  	[tilespmem:s12], [sflag:$0x2] =	stream.indirect_vreg.gather [hbm4b:s3+s2], $0x80, v4, vm0, $0xb8;
	[tilespmem:$0x18200] =	vst v63  }
0x94: {  	s7 =	simm.s32 $0x12A00;
	v3 =	vadd.s32 v1, v3  }
0x95: {  	[tilespmem:s7], [sflag:$0x2] =	stream.indirect_vreg.gather [hbm4b:s5+s2], $0x80, v4, vm0, $0xb8;
	[tilespmem:$0x18200] =	vst v63  }
0x96: {  	s12 =	simm.s32 $0x13200  }
0x97: {  	[tilespmem:s12], [sflag:$0x2] =	stream.indirect_vreg.gather [hbm4b:s6+s2], $0x80, v4, vm0, $0xb8;
	[tilespmem:$0x18200] =	vst v63  }
0x98: {  	s7 =	simm.s32 $0x13A00  }
0x99: {  	[tilespmem:s7], [sflag:$0x2] =	stream.indirect_vreg.gather [hbm4b:s3+s2], $0x80, v3, vm0, $0xb8;
	[tilespmem:$0x18200] =	vst v63  }
0x9a: {  	s12 =	simm.s32 $0x14200  }
0x9b: {  	[tilespmem:s12], [sflag:$0x2] =	stream.indirect_vreg.gather [hbm4b:s5+s2], $0x80, v3, vm0, $0xb8;
	[tilespmem:$0x18200] =	vst v63  }
0x9c: {  	s7 =	simm.s32 $0x14A00  }
0x9d: {  	[tilespmem:s7], [sflag:$0x2] =	stream.indirect_vreg.gather [hbm4b:s6+s2], $0x80, v3, vm0, $0xb8;
	[tilespmem:$0x18200] =	vst v63  }
0x9e: {  	v3 =	vld [tilespmem:$0xB0];
	_ =	sdelay $0x4  }
0x9f: {  	v55 =	vshrl.u32 v3, $0x3  }
0xa0: {  	v4 =	vmul.u32 $0x30, v55  }
0xa1: {  	v3 =	vand.u32 $0x7, v3  }
0xa2: {  	v3 =	vor.u32 v3, v4  }
0xa3: {  	v4 =	vperm.xlane v3, v0;
	_ =	sdelay $0x1  }
0xa4: {  	v4 =	vadd.s32 v1, v4;
	_ =	sdelay $0x3  }
0xa5: {  	s12 =	simm.s32 $0x15200;
	v3 =	vperm.xlane v3, v2  }
0xa6: {  	[tilespmem:s12], [sflag:$0x2] =	stream.indirect_vreg.gather [hbm4b:s3+s2], $0x80, v4, vm0, $0xb8;
	[tilespmem:$0x18200] =	vst v63  }
0xa7: {  	s7 =	simm.s32 $0x15A00;
	v3 =	vadd.s32 v1, v3  }
0xa8: {  	[tilespmem:s7], [sflag:$0x2] =	stream.indirect_vreg.gather [hbm4b:s5+s2], $0x80, v4, vm0, $0xb8;
	[tilespmem:$0x18200] =	vst v63  }
0xa9: {  	s12 =	simm.s32 $0x16200  }
0xaa: {  	[tilespmem:s12], [sflag:$0x2] =	stream.indirect_vreg.gather [hbm4b:s6+s2], $0x80, v4, vm0, $0xb8;
	[tilespmem:$0x18200] =	vst v63  }
0xab: {  	s7 =	simm.s32 $0x16A00  }
0xac: {  	[tilespmem:s7], [sflag:$0x2] =	stream.indirect_vreg.gather [hbm4b:s3+s2], $0x80, v3, vm0, $0xb8;
	[tilespmem:$0x18200] =	vst v63  }
0xad: {  	s12 =	simm.s32 $0x17200  }
0xae: {  	[tilespmem:s12], [sflag:$0x2] =	stream.indirect_vreg.gather [hbm4b:s5+s2], $0x80, v3, vm0, $0xb8;
	[tilespmem:$0x18200] =	vst v63  }
0xaf: {  	s0 =	simm.s32 $0x1;
	s7 =	simm.s32 $0x17A00  }
0xb0: {  	[tilespmem:s7], [sflag:$0x2] =	stream.indirect_vreg.gather [hbm4b:s6+s2], $0x80, v3, vm0, $0xb8;
	[tilespmem:$0x18200] =	vst v63  }
0xb1: {  	_ =	swait.ge [sflag:s0], $0xC000  }
0xb2: {  	[sflag:s0] =	ssyncset.done $0x0  }
0xb3: {  	s7 =	simm.s32 $0x200;
	s12 =	rddreg [dreg:$0x6];
	[sflag:s0] =	ssyncadd.s32 $0xFFFF4000  }
0xb4: {  	[hbm4b:s12+s2] =	stream.linear.scatter [tilespmem:s7], [sflag:$0x3], $0xC000, $0x38;
	[tilespmem:$0x18200] =	vst v63  }
0xb5: {  	_ =	swait.ge [sflag:s8], $0xC000  }
0xb6: {  	[sflag:s8] =	ssyncset.done $0x0  }
0xb7: {  	[sflag:s8] =	ssyncadd.s32 $0xFFFF4000  }
0xb8: {  	v3 =	vld [tilespmem:$0x100];
	_ =	sdelay $0x4  }
0xb9: {  	v56 =	vshrl.u32 v3, $0x3  }
0xba: {  	v4 =	vmul.u32 $0x30, v56  }
0xbb: {  	v3 =	vand.u32 $0x7, v3  }
0xbc: {  	v3 =	vor.u32 v3, v4  }
0xbd: {  	v4 =	vperm.xlane v3, v0;
	_ =	sdelay $0x1  }
0xbe: {  	v4 =	vadd.s32 v1, v4;
	_ =	sdelay $0x3  }
0xbf: {  	v3 =	vperm.xlane v3, v2  }
0xc0: {  	[tilespmem:s7], [sflag:$0x1] =	stream.indirect_vreg.gather [hbm4b:s3+s2], $0x80, v4, vm0, $0xb8;
	[tilespmem:$0x18200] =	vst v63  }
0xc1: {  	v3 =	vadd.s32 v1, v3  }
0xc2: {  	[tilespmem:s13], [sflag:$0x1] =	stream.indirect_vreg.gather [hbm4b:s5+s2], $0x80, v4, vm0, $0xb8;
	[tilespmem:$0x18200] =	vst v63  }
0xc3: {  	_ = 	snop  }
0xc4: {  	[tilespmem:s14], [sflag:$0x1] =	stream.indirect_vreg.gather [hbm4b:s6+s2], $0x80, v4, vm0, $0xb8;
	[tilespmem:$0x18200] =	vst v63  }
0xc5: {  	_ = 	snop  }
0xc6: {  	[tilespmem:s15], [sflag:$0x1] =	stream.indirect_vreg.gather [hbm4b:s3+s2], $0x80, v3, vm0, $0xb8;
	[tilespmem:$0x18200] =	vst v63  }
0xc7: {  	_ = 	snop  }
0xc8: {  	[tilespmem:s16], [sflag:$0x1] =	stream.indirect_vreg.gather [hbm4b:s5+s2], $0x80, v3, vm0, $0xb8;
	[tilespmem:$0x18200] =	vst v63  }
0xc9: {  	_ = 	snop  }
0xca: {  	[tilespmem:s17], [sflag:$0x1] =	stream.indirect_vreg.gather [hbm4b:s6+s2], $0x80, v3, vm0, $0xb8;
	[tilespmem:$0x18200] =	vst v63  }
0xcb: {  	v3 =	vld [tilespmem:$0x110];
	_ =	sdelay $0x4  }
0xcc: {  	v57 =	vshrl.u32 v3, $0x3  }
0xcd: {  	v4 =	vmul.u32 $0x30, v57  }
0xce: {  	v3 =	vand.u32 $0x7, v3  }
0xcf: {  	v3 =	vor.u32 v3, v4  }
0xd0: {  	v4 =	vperm.xlane v3, v0;
	_ =	sdelay $0x1  }
0xd1: {  	v4 =	vadd.s32 v1, v4;
	_ =	sdelay $0x3  }
0xd2: {  	v3 =	vperm.xlane v3, v2  }
0xd3: {  	[tilespmem:s18], [sflag:$0x1] =	stream.indirect_vreg.gather [hbm4b:s3+s2], $0x80, v4, vm0, $0xb8;
	[tilespmem:$0x18200] =	vst v63  }
0xd4: {  	v3 =	vadd.s32 v1, v3  }
0xd5: {  	[tilespmem:s19], [sflag:$0x1] =	stream.indirect_vreg.gather [hbm4b:s5+s2], $0x80, v4, vm0, $0xb8;
	[tilespmem:$0x18200] =	vst v63  }
0xd6: {  	_ = 	snop  }
0xd7: {  	[tilespmem:s20], [sflag:$0x1] =	stream.indirect_vreg.gather [hbm4b:s6+s2], $0x80, v4, vm0, $0xb8;
	[tilespmem:$0x18200] =	vst v63  }
0xd8: {  	_ = 	snop  }
0xd9: {  	[tilespmem:s21], [sflag:$0x1] =	stream.indirect_vreg.gather [hbm4b:s3+s2], $0x80, v3, vm0, $0xb8;
	[tilespmem:$0x18200] =	vst v63  }
0xda: {  	_ = 	snop  }
0xdb: {  	[tilespmem:s22], [sflag:$0x1] =	stream.indirect_vreg.gather [hbm4b:s5+s2], $0x80, v3, vm0, $0xb8;
	[tilespmem:$0x18200] =	vst v63  }
0xdc: {  	_ = 	snop  }
0xdd: {  	[tilespmem:s23], [sflag:$0x1] =	stream.indirect_vreg.gather [hbm4b:s6+s2], $0x80, v3, vm0, $0xb8;
	[tilespmem:$0x18200] =	vst v63  }
0xde: {  	v3 =	vld [tilespmem:$0x120];
	_ =	sdelay $0x4  }
0xdf: {  	v58 =	vshrl.u32 v3, $0x3  }
0xe0: {  	v4 =	vmul.u32 $0x30, v58  }
0xe1: {  	v3 =	vand.u32 $0x7, v3  }
0xe2: {  	v3 =	vor.u32 v3, v4  }
0xe3: {  	v4 =	vperm.xlane v3, v0;
	_ =	sdelay $0x1  }
0xe4: {  	v4 =	vadd.s32 v1, v4;
	_ =	sdelay $0x3  }
0xe5: {  	v3 =	vperm.xlane v3, v2  }
0xe6: {  	[tilespmem:s24], [sflag:$0x1] =	stream.indirect_vreg.gather [hbm4b:s3+s2], $0x80, v4, vm0, $0xb8;
	[tilespmem:$0x18200] =	vst v63  }
0xe7: {  	v3 =	vadd.s32 v1, v3  }
0xe8: {  	[tilespmem:s25], [sflag:$0x1] =	stream.indirect_vreg.gather [hbm4b:s5+s2], $0x80, v4, vm0, $0xb8;
	[tilespmem:$0x18200] =	vst v63  }
0xe9: {  	_ = 	snop  }
0xea: {  	[tilespmem:s26], [sflag:$0x1] =	stream.indirect_vreg.gather [hbm4b:s6+s2], $0x80, v4, vm0, $0xb8;
	[tilespmem:$0x18200] =	vst v63  }
0xeb: {  	_ = 	snop  }
0xec: {  	[tilespmem:s28], [sflag:$0x1] =	stream.indirect_vreg.gather [hbm4b:s3+s2], $0x80, v3, vm0, $0xb8;
	[tilespmem:$0x18200] =	vst v63  }
0xed: {  	_ = 	snop  }
0xee: {  	[tilespmem:s29], [sflag:$0x1] =	stream.indirect_vreg.gather [hbm4b:s5+s2], $0x80, v3, vm0, $0xb8;
	[tilespmem:$0x18200] =	vst v63  }
0xef: {  	_ = 	snop  }
0xf0: {  	[tilespmem:s30], [sflag:$0x1] =	stream.indirect_vreg.gather [hbm4b:s6+s2], $0x80, v3, vm0, $0xb8;
	[tilespmem:$0x18200] =	vst v63  }
0xf1: {  	v3 =	vld [tilespmem:$0x130];
	_ =	sdelay $0x4  }
0xf2: {  	v59 =	vshrl.u32 v3, $0x3  }
0xf3: {  	v4 =	vmul.u32 $0x30, v59  }
0xf4: {  	v3 =	vand.u32 $0x7, v3  }
0xf5: {  	v3 =	vor.u32 v3, v4  }
0xf6: {  	v4 =	vperm.xlane v3, v0;
	_ =	sdelay $0x1  }
0xf7: {  	v4 =	vadd.s32 v1, v4;
	_ =	sdelay $0x3  }
0xf8: {  	v3 =	vperm.xlane v3, v2  }
0xf9: {  	[tilespmem:s31], [sflag:$0x1] =	stream.indirect_vreg.gather [hbm4b:s3+s2], $0x80, v4, vm0, $0xb8;
	[tilespmem:$0x18200] =	vst v63  }
0xfa: {  	s12 =	simm.s32 $0x9A00;
	v3 =	vadd.s32 v1, v3  }
0xfb: {  	[tilespmem:s12], [sflag:$0x1] =	stream.indirect_vreg.gather [hbm4b:s5+s2], $0x80, v4, vm0, $0xb8;
	[tilespmem:$0x18200] =	vst v63  }
0xfc: {  	_ = 	snop  }
0xfd: {  	[tilespmem:s1], [sflag:$0x1] =	stream.indirect_vreg.gather [hbm4b:s6+s2], $0x80, v4, vm0, $0xb8;
	[tilespmem:$0x18200] =	vst v63  }
0xfe: {  	_ = 	snop  }
0xff: {  	[tilespmem:s9], [sflag:$0x1] =	stream.indirect_vreg.gather [hbm4b:s3+s2], $0x80, v3, vm0, $0xb8;
	[tilespmem:$0x18200] =	vst v63  }
0x100: {  	s12 =	simm.s32 $0xB200  }
0x101: {  	[tilespmem:s12], [sflag:$0x1] =	stream.indirect_vreg.gather [hbm4b:s5+s2], $0x80, v3, vm0, $0xb8;
	[tilespmem:$0x18200] =	vst v63  }
0x102: {  	s1 =	simm.s32 $0x2  }
0x103: {  	[tilespmem:s10], [sflag:$0x1] =	stream.indirect_vreg.gather [hbm4b:s6+s2], $0x80, v3, vm0, $0xb8;
	[tilespmem:$0x18200] =	vst v63  }
0x104: {  	_ =	swait.ge [sflag:s1], $0xC000  }
0x105: {  	[sflag:s1] =	ssyncset.done $0x0  }
0x106: {  	s7 =	rddreg [dreg:$0x3];
	[sflag:s1] =	ssyncadd.s32 $0xFFFF4000  }
0x107: {  	[hbm4b:s7+s2] =	stream.linear.scatter [tilespmem:s11], [sflag:$0x3], $0xC000, $0x38;
	[tilespmem:$0x18200] =	vst v63  }
0x108: {  	_ =	swait.ge [sflag:s8], $0xC000  }
0x109: {  	[sflag:s8] =	ssyncset.done $0x0  }
0x10a: {  	[sflag:s8] =	ssyncadd.s32 $0xFFFF4000  }
0x10b: {  	v3 =	vld [tilespmem:$0x180];
	_ =	sdelay $0x4  }
0x10c: {  	v60 =	vshrl.u32 v3, $0x3  }
0x10d: {  	v4 =	vmul.u32 $0x30, v60  }
0x10e: {  	v3 =	vand.u32 $0x7, v3  }
0x10f: {  	v3 =	vor.u32 v3, v4  }
0x110: {  	v4 =	vperm.xlane v3, v0;
	_ =	sdelay $0x1  }
0x111: {  	v4 =	vadd.s32 v1, v4;
	_ =	sdelay $0x3  }
0x112: {  	v3 =	vperm.xlane v3, v2  }
0x113: {  	[tilespmem:s11], [sflag:$0x2] =	stream.indirect_vreg.gather [hbm4b:s3+s2], $0x80, v4, vm0, $0xb8;
	[tilespmem:$0x18200] =	vst v63  }
0x114: {  	s12 =	simm.s32 $0xCA00;
	v3 =	vadd.s32 v1, v3  }
0x115: {  	[tilespmem:s12], [sflag:$0x2] =	stream.indirect_vreg.gather [hbm4b:s5+s2], $0x80, v4, vm0, $0xb8;
	[tilespmem:$0x18200] =	vst v63  }
0x116: {  	s12 =	simm.s32 $0xD200  }
0x117: {  	[tilespmem:s12], [sflag:$0x2] =	stream.indirect_vreg.gather [hbm4b:s6+s2], $0x80, v4, vm0, $0xb8;
	[tilespmem:$0x18200] =	vst v63  }
0x118: {  	s12 =	simm.s32 $0xDA00  }
0x119: {  	[tilespmem:s12], [sflag:$0x2] =	stream.indirect_vreg.gather [hbm4b:s3+s2], $0x80, v3, vm0, $0xb8;
	[tilespmem:$0x18200] =	vst v63  }
0x11a: {  	s12 =	simm.s32 $0xE200  }
0x11b: {  	[tilespmem:s12], [sflag:$0x2] =	stream.indirect_vreg.gather [hbm4b:s5+s2], $0x80, v3, vm0, $0xb8;
	[tilespmem:$0x18200] =	vst v63  }
0x11c: {  	s12 =	simm.s32 $0xEA00  }
0x11d: {  	[tilespmem:s12], [sflag:$0x2] =	stream.indirect_vreg.gather [hbm4b:s6+s2], $0x80, v3, vm0, $0xb8;
	[tilespmem:$0x18200] =	vst v63  }
0x11e: {  	v3 =	vld [tilespmem:$0x190];
	_ =	sdelay $0x4  }
0x11f: {  	v61 =	vshrl.u32 v3, $0x3  }
0x120: {  	v4 =	vmul.u32 $0x30, v61  }
0x121: {  	v3 =	vand.u32 $0x7, v3  }
0x122: {  	v3 =	vor.u32 v3, v4  }
0x123: {  	v4 =	vperm.xlane v3, v0;
	_ =	sdelay $0x1  }
0x124: {  	v4 =	vadd.s32 v1, v4;
	_ =	sdelay $0x3  }
0x125: {  	s12 =	simm.s32 $0xF200;
	v3 =	vperm.xlane v3, v2  }
0x126: {  	[tilespmem:s12], [sflag:$0x2] =	stream.indirect_vreg.gather [hbm4b:s3+s2], $0x80, v4, vm0, $0xb8;
	[tilespmem:$0x18200] =	vst v63  }
0x127: {  	v3 =	vadd.s32 v1, v3;
	s12 =	simm.s32 $0xFA00  }
0x128: {  	[tilespmem:s12], [sflag:$0x2] =	stream.indirect_vreg.gather [hbm4b:s5+s2], $0x80, v4, vm0, $0xb8;
	[tilespmem:$0x18200] =	vst v63  }
0x129: {  	s12 =	simm.s32 $0x10200  }
0x12a: {  	[tilespmem:s12], [sflag:$0x2] =	stream.indirect_vreg.gather [hbm4b:s6+s2], $0x80, v4, vm0, $0xb8;
	[tilespmem:$0x18200] =	vst v63  }
0x12b: {  	s12 =	simm.s32 $0x10A00  }
0x12c: {  	[tilespmem:s12], [sflag:$0x2] =	stream.indirect_vreg.gather [hbm4b:s3+s2], $0x80, v3, vm0, $0xb8;
	[tilespmem:$0x18200] =	vst v63  }
0x12d: {  	s12 =	simm.s32 $0x11200  }
0x12e: {  	[tilespmem:s12], [sflag:$0x2] =	stream.indirect_vreg.gather [hbm4b:s5+s2], $0x80, v3, vm0, $0xb8;
	[tilespmem:$0x18200] =	vst v63  }
0x12f: {  	s12 =	simm.s32 $0x11A00  }
0x130: {  	[tilespmem:s12], [sflag:$0x2] =	stream.indirect_vreg.gather [hbm4b:s6+s2], $0x80, v3, vm0, $0xb8;
	[tilespmem:$0x18200] =	vst v63  }
0x131: {  	v3 =	vld [tilespmem:$0x1A0];
	_ =	sdelay $0x4  }
0x132: {  	v62 =	vshrl.u32 v3, $0x3  }
0x133: {  	v4 =	vmul.u32 $0x30, v62  }
0x134: {  	v3 =	vand.u32 $0x7, v3  }
0x135: {  	v3 =	vor.u32 v3, v4  }
0x136: {  	v4 =	vperm.xlane v3, v0;
	_ =	sdelay $0x1  }
0x137: {  	v4 =	vadd.s32 v1, v4;
	_ =	sdelay $0x3  }
0x138: {  	s12 =	simm.s32 $0x12200;
	v3 =	vperm.xlane v3, v2  }
0x139: {  	[tilespmem:s12], [sflag:$0x2] =	stream.indirect_vreg.gather [hbm4b:s3+s2], $0x80, v4, vm0, $0xb8;
	[tilespmem:$0x18200] =	vst v63  }
0x13a: {  	v3 =	vadd.s32 v1, v3;
	s12 =	simm.s32 $0x12A00  }
0x13b: {  	[tilespmem:s12], [sflag:$0x2] =	stream.indirect_vreg.gather [hbm4b:s5+s2], $0x80, v4, vm0, $0xb8;
	[tilespmem:$0x18200] =	vst v63  }
0x13c: {  	s12 =	simm.s32 $0x13200  }
0x13d: {  	[tilespmem:s12], [sflag:$0x2] =	stream.indirect_vreg.gather [hbm4b:s6+s2], $0x80, v4, vm0, $0xb8;
	[tilespmem:$0x18200] =	vst v63  }
0x13e: {  	s12 =	simm.s32 $0x13A00  }
0x13f: {  	[tilespmem:s12], [sflag:$0x2] =	stream.indirect_vreg.gather [hbm4b:s3+s2], $0x80, v3, vm0, $0xb8;
	[tilespmem:$0x18200] =	vst v63  }
0x140: {  	s12 =	simm.s32 $0x14200  }
0x141: {  	[tilespmem:s12], [sflag:$0x2] =	stream.indirect_vreg.gather [hbm4b:s5+s2], $0x80, v3, vm0, $0xb8;
	[tilespmem:$0x18200] =	vst v63  }
0x142: {  	s12 =	simm.s32 $0x14A00  }
0x143: {  	[tilespmem:s12], [sflag:$0x2] =	stream.indirect_vreg.gather [hbm4b:s6+s2], $0x80, v3, vm0, $0xb8;
	[tilespmem:$0x18200] =	vst v63  }
0x144: {  	v3 =	vld [tilespmem:$0x1B0];
	_ =	sdelay $0x4  }
0x145: {  	v63 =	vshrl.u32 v3, $0x3  }
0x146: {  	v4 =	vmul.u32 $0x30, v63  }
0x147: {  	v3 =	vand.u32 $0x7, v3  }
0x148: {  	v3 =	vor.u32 v3, v4  }
0x149: {  	v4 =	vperm.xlane v3, v0;
	_ =	sdelay $0x1  }
0x14a: {  	v4 =	vadd.s32 v1, v4;
	_ =	sdelay $0x3  }
0x14b: {  	s12 =	simm.s32 $0x15200;
	v3 =	vperm.xlane v3, v2  }
0x14c: {  	[tilespmem:s12], [sflag:$0x2] =	stream.indirect_vreg.gather [hbm4b:s3+s2], $0x80, v4, vm0, $0xb8;
	[tilespmem:$0x18200] =	vst v63  }
0x14d: {  	v3 =	vadd.s32 v1, v3;
	s12 =	simm.s32 $0x15A00  }
0x14e: {  	[tilespmem:s12], [sflag:$0x2] =	stream.indirect_vreg.gather [hbm4b:s5+s2], $0x80, v4, vm0, $0xb8;
	[tilespmem:$0x18200] =	vst v63  }
0x14f: {  	s12 =	simm.s32 $0x16200  }
0x150: {  	[tilespmem:s12], [sflag:$0x2] =	stream.indirect_vreg.gather [hbm4b:s6+s2], $0x80, v4, vm0, $0xb8;
	[tilespmem:$0x18200] =	vst v63  }
0x151: {  	s12 =	simm.s32 $0x16A00  }
0x152: {  	[tilespmem:s12], [sflag:$0x2] =	stream.indirect_vreg.gather [hbm4b:s3+s2], $0x80, v3, vm0, $0xb8;
	[tilespmem:$0x18200] =	vst v63  }
0x153: {  	s12 =	simm.s32 $0x17200  }
0x154: {  	[tilespmem:s12], [sflag:$0x2] =	stream.indirect_vreg.gather [hbm4b:s5+s2], $0x80, v3, vm0, $0xb8;
	[tilespmem:$0x18200] =	vst v63  }
0x155: {  	s12 =	simm.s32 $0x17A00  }
0x156: {  	[tilespmem:s12], [sflag:$0x2] =	stream.indirect_vreg.gather [hbm4b:s6+s2], $0x80, v3, vm0, $0xb8;
	[tilespmem:$0x18200] =	vst v63  }
0x157: {  	_ =	swait.ge [sflag:s0], $0xC000  }
0x158: {  	[sflag:s0] =	ssyncset.done $0x0  }
0x159: {  	s7 =	simm.s32 $0x200;
	s12 =	rddreg [dreg:$0x4];
	[sflag:s0] =	ssyncadd.s32 $0xFFFF4000  }
0x15a: {  	[hbm4b:s12+s2] =	stream.linear.scatter [tilespmem:s7], [sflag:$0x3], $0xC000, $0x38;
	[tilespmem:$0x18200] =	vst v63  }
0x15b: {  	_ =	swait.ge [sflag:s8], $0xC000  }
0x15c: {  	[sflag:s8] =	ssyncset.done $0x0  }
0x15d: {  	[sflag:s8] =	ssyncadd.s32 $0xFFFF4000  }
0x15e: {  	_ =	swait.ge [sflag:s1], $0xC000  }
0x15f: {  	p0 =	sne.s32 s4, $0x1;
	[sflag:s1] =	ssyncset.done $0x0  }
.Ltmp0:
0x160: {  	s7 =	rddreg [dreg:$0x5];
	[sflag:s1] =	ssyncadd.s32 $0xFFFF4000;
	(pc) =	sbr.rel @p0 .LBB2_1-.Ltmp0, $4  }
0x161: {  	[hbm4b:s7+s2] =	stream.linear.scatter [tilespmem:s11], [sflag:$0x3], $0xC000, $0x38;
	[tilespmem:$0x18200] =	vst v63  }
0x162: {  	_ =	swait.ge [sflag:s8], $0xC000  }
0x163: {  	[sflag:s8] =	ssyncset.done $0x0  }
0x164: {  	s4 =	sadd.s32 $0xFFFFFFFF, s4;
	[sflag:s8] =	ssyncadd.s32 $0xFFFF4000  }
0x165: {  	_ =	sfence.sel $0x180000  }
0x166: {  	[bflag:$0x0] =	sbarrier.arrive $0xFFFF  }
0x167: {  	_ =	strace $0x90000053  }
0x168: {  	s0 =	stileid.u32;
	[bflag:$0x2] =	sbarrier.arrive $0xFFFF  }
0x169: {  	p0 =	sne.s32 s0, $0x0;
	s0 =	rddreg [dreg:$0x1]  }
0x16a: {  	s0 =	sadd.s32 @!p0 $0x100000, s0  }
0x16b: {  	[sflag:s0] =	ssyncadd.tile.s32 @!p0 $0x1;
	_ =	shalt  }
.Lfunc_end2:
_tile_overlayer_lowered:
.L_overlay_start_2:
0x16c: {  	(tag) =	ssettag $0x2  }
0x16d: {  	s0 =	rddreg [dreg:$0x0];
	s2 =	stileid.u32  }
0x16e: {  	s1 =	rddreg [dreg:$0x1];
	p0 =	sne.s32 s2, $0x0  }
0x16f: {  	s3 =	rddreg [dreg:$0x2];
	[bflag:$0x3] =	sbarrier.arrive $0xFFFF;
	s2 =	simm.s32 @!p0 $0x1C03  }
0x170: {  	[timem:s3], [sflag:s2] =	dma.local @!p0 [hbm:s0], s1  }
0x171: {  	s0 =	simm.s32 @!p0 $0x3  }
0x172: {  	_ =	swait.ge @!p0 [sflag:s0], s1  }
0x173: {  	s1 =	ssub.s32 @!p0 $0x0, s1;
	[sflag:s0] =	ssyncset.done @!p0 $0x0  }
0x174: {  	[sflag:s0] =	ssyncadd.s32 @!p0 s1  }
0x175: {  	[bflag:$0x3] =	sbarrier.arrive $0xFFFF  }
0x176: {  	_ =	shalt  }

// kernel: kernel.7.cloned.1.call-start
scs
__scs_entry_jumppad:
0x0: {  	(pc) =	sbr.rel $0x88, $3  }
0x1: {  	(tag) =	ssettag $0x0;
	lr =	simm.s32 $0x1  }
0x2: {  	[smem:$0x3F94] =	sst lr;
	_ =	strace $0xD0000000  }
0x3: {  	_ = 	snop  }
0x4: {  	_ = 	snop  }
0x5: {  	_ = 	snop  }
0x6: {  	_ = 	snop  }
0x7: {  	_ = 	snop  }
__scs_overlays_trampoline_lowered:
0x8: {  	[smem:$0x3FA3] =	sst s0  }
0x9: {  	[smem:$0x3FA4] =	sst s1  }
0xa: {  	[smem:$0x3FA5] =	sst s2  }
0xb: {  	[smem:$0x3FA6] =	sst s3  }
0xc: {  	[smem:$0x3FA7] =	sst s4  }
0xd: {  	[smem:$0x3FA8] =	sst s5  }
0xe: {  	[smem:$0x3FA9] =	sst s6  }
0xf: {  	[smem:$0x3FAA] =	sst s7  }
0x10: {  	[smem:$0x3FAB] =	sst s8  }
0x11: {  	[smem:$0x3FAC] =	sst s9;
	s0 =	simm.s32 @!p0 $0x0  }
0x12: {  	s1 =	sld [smem:$0x3F92];
	s0 =	simm.s32 @p0 $0x1  }
0x13: {  	[smem:$0x3FAD] =	sst s0;
	s0 =	simm.s32 @!p1 $0x0  }
0x14: {  	s2 =	sld [smem:$0x3F91];
	s0 =	simm.s32 @p1 $0x1  }
0x15: {  	[smem:$0x3FAE] =	sst s0;
	s0 =	simm.s32 @!p2 $0x0  }
0x16: {  	s3 =	sld [smem:$0x3FDB];
	s0 =	simm.s32 @p2 $0x1  }
0x17: {  	s4 =	simm.s32 $0x1BF5;
	[smem:$0x3FB0] =	sst s0  }
0x18: {  	s0 =	sld [smem:$0x3F93];
	_ =	swait.ge [sflag:s4], $0x0  }
0x19: {  	s7 =	sld [smem:$0x3F94]  }
0x1a: {  	s8 =	sadd.s32 $0xFFFFE003, lr  }
0x1b: {  	s9 =	sadd.s32 $0xFFFFFEF7, lr;
	s5 =	simm.s32 $0xFFFFFFFF;
	p2 =	slt.u32 s8, $0xFFFFF086  }
0x1c: {  	p1 =	slt.u32 s9, $0xF7A;
	s5 =	simm.s32 @!p2 $0x0  }
0x1d: {  	s5 =	simm.s32 @p1 $0x1;
	p0 =	seq.s32 s7, s2  }
0x1e: {  	s7 =	smul.u32 @!p0 $0xF7A, s2;
	p2 =	seq.s32 @!p0 s5, $0x0  }
0x1f: {  	s9 =	smul.u32 $0xF7A, s1;
	s8 =	simm.s32 @!p0 $0x1BF5;
	p2 =	por !p2, p0  }
0x20: {  	[sflag:s8] =	ssyncset.s32 @!p0 $0xFFFFF086;
	s6 =	sadd.s32 @!p0 s3, s7;
	s7 =	simm.s32 @!p0 $0x108  }
0x21: {  	s3 =	sadd.s32 s3, s9;
	s6 =	sadd.s32 @!p0 $0x88, s6;
	s7 =	simm.s32 @p2 $0x1082  }
0x22: {  	[simem:s7], [sflag:s8] =	dma.local @!p0 [hbm:s6], $0xF7A  }
0x23: {  	s9 =	sor.u32 $0xD0000000, s2;
	s6 =	simm.s32 $0x108;
	_ =	swait.ge @!p0 [sflag:s8], $0x0  }
0x24: {  	s3 =	sadd.s32 $0x88, s3;
	s6 =	simm.s32 @!p1 $0x1082;
	[sflag:s4] =	ssyncset.s32 $0xFFFFF086  }
0x25: {  	[simem:s6], [sflag:s4] =	dma.local [hbm:s3], $0xF7A  }
0x26: {  	[smem:$0x3F94] =	sst s1;
	(tag) =	ssettag s2;
	_ =	strace s9  }
0x27: {  	s1 =	sld [smem:$0x3FA4]  }
0x28: {  	s2 =	sld [smem:$0x3FA5]  }
0x29: {  	s4 =	sld [smem:$0x3FA7]  }
0x2a: {  	p0 =	seq.s32 s5, $0x0;
	s5 =	sld [smem:$0x3FA8]  }
0x2b: {  	s6 =	sld [smem:$0x3FA9]  }
0x2c: {  	s7 =	sld [smem:$0x3FAA]  }
0x2d: {  	s3 =	simm.s32 $0x108;
	s8 =	sld [smem:$0x3FAB]  }
0x2e: {  	s3 =	simm.s32 @!p0 $0x1082;
	s9 =	sld [smem:$0x3FAC]  }
0x2f: {  	lr =	sadd.s32 s0, s3;
	s0 =	sld [smem:$0x3FA3]  }
0x30: {  	s3 =	sld [smem:$0x3FA6]  }
0x31: {  	[smem:$0x3FAF] =	sst s10  }
0x32: {  	s10 =	sld [smem:$0x3FAD];
	_ =	sdelay $0x3  }
0x33: {  	p0 =	seq.s32 s10, $0x1;
	s10 =	sld [smem:$0x3FAF];
	_ =	sdelay $0x3  }
0x34: {  	[smem:$0x3FAF] =	sst s10  }
0x35: {  	s10 =	sld [smem:$0x3FAE];
	_ =	sdelay $0x3  }
0x36: {  	p1 =	seq.s32 s10, $0x1;
	s10 =	sld [smem:$0x3FAF];
	_ =	sdelay $0x3  }
0x37: {  	[smem:$0x3FAF] =	sst s10  }
0x38: {  	s10 =	sld [smem:$0x3FB0]  }
0x39: {  	_ = 	snop;
	(pc) =	sbr.ind lr, $3  }
0x3a: {  	_ = 	snop  }
0x3b: {  	_ = 	snop  }
0x3c: {  	p2 =	seq.s32 s10, $0x1;
	s10 =	sld [smem:$0x3FAF]  }
0x3d: {  	_ =	shalt  }
0x3e: {  	_ =	shalt  }
0x3f: {  	_ =	shalt  }
0x40: {  	_ =	shalt  }
0x41: {  	_ =	shalt  }
0x42: {  	_ =	shalt  }
0x43: {  	_ =	shalt  }
0x44: {  	_ =	shalt  }
0x45: {  	_ =	shalt  }
0x46: {  	_ =	shalt  }
0x47: {  	_ =	shalt  }
0x48: {  	_ =	shalt  }
0x49: {  	_ =	shalt  }
0x4a: {  	_ =	shalt  }
0x4b: {  	_ =	shalt  }
0x4c: {  	_ =	shalt  }
0x4d: {  	_ =	shalt  }
0x4e: {  	_ =	shalt  }
0x4f: {  	_ =	shalt  }
0x50: {  	_ =	shalt  }
0x51: {  	_ =	shalt  }
0x52: {  	_ =	shalt  }
0x53: {  	_ =	shalt  }
0x54: {  	_ =	shalt  }
0x55: {  	_ =	shalt  }
0x56: {  	_ =	shalt  }
0x57: {  	_ =	shalt  }
0x58: {  	_ =	shalt  }
0x59: {  	_ =	shalt  }
0x5a: {  	_ =	shalt  }
0x5b: {  	_ =	shalt  }
0x5c: {  	_ =	shalt  }
0x5d: {  	_ =	shalt  }
0x5e: {  	_ =	shalt  }
0x5f: {  	_ =	shalt  }
0x60: {  	_ =	shalt  }
0x61: {  	_ =	shalt  }
0x62: {  	_ =	shalt  }
0x63: {  	_ =	shalt  }
0x64: {  	_ =	shalt  }
0x65: {  	_ =	shalt  }
0x66: {  	_ =	shalt  }
0x67: {  	_ =	shalt  }
0x68: {  	_ =	shalt  }
0x69: {  	_ =	shalt  }
0x6a: {  	_ =	shalt  }
0x6b: {  	_ =	shalt  }
0x6c: {  	_ =	shalt  }
0x6d: {  	_ =	shalt  }
0x6e: {  	_ =	shalt  }
0x6f: {  	_ =	shalt  }
0x70: {  	_ =	shalt  }
0x71: {  	_ =	shalt  }
0x72: {  	_ =	shalt  }
0x73: {  	_ =	shalt  }
0x74: {  	_ =	shalt  }
0x75: {  	_ =	shalt  }
0x76: {  	_ =	shalt  }
0x77: {  	_ =	shalt  }
0x78: {  	_ =	shalt  }
0x79: {  	_ =	shalt  }
0x7a: {  	_ =	shalt  }
0x7b: {  	_ =	shalt  }
0x7c: {  	_ =	shalt  }
0x7d: {  	_ =	shalt  }
0x7e: {  	_ =	shalt  }
0x7f: {  	_ =	shalt  }
0x80: {  	_ =	shalt  }
0x81: {  	_ =	shalt  }
0x82: {  	_ =	shalt  }
0x83: {  	_ =	shalt  }
0x84: {  	_ =	shalt  }
0x85: {  	_ =	shalt  }
0x86: {  	_ =	shalt  }
0x87: {  	_ =	shalt  }
.Lfunc_end0:
.L_simem_size_0:
called_computation.3_lowered:
.L_overlay_start_0:
0x88: {  	s2 =	sld [smem:$0x3FD9]  }
0x89: {  	s3 =	sld [smem:$0x3FFE];
	_ =	sdelay $0x1  }
0x8a: {  	s1 =	srdreg.scid  }
0x8b: {  	s0 =	sand.u32 $0x1, s1  }
0x8c: {  	s17 =	sshll.u32 s0, $0xA;
	s2 =	sadd.s32 s3, s2  }
0x8d: {  	s2 =	sadd.s32 s2, s17  }
0x8e: {  	[smem:$0x3FBB] =	sst s2  }
0x8f: {  	_ = 	snop  }
0x90: {  	s18 =	sld [smem:$0x3FD0];
	(tm) =	ssettm $0x1  }
0x91: {  	s19 =	sld [smem:$0x3FFB];
	_ =	sdelay $0x3  }
0x92: {  	_ =	strace s19  }
0x93: {  	s2 =	sld [smem:$0x3FFC];
	_ =	sdelay $0x3  }
0x94: {  	_ =	strace s2  }
0x95: {  	s2 =	sld [smem:$0x3FFD];
	_ =	sdelay $0x3  }
0x96: {  	_ =	strace s2  }
0x97: {  	_ =	strace $0x8FFFFFFF  }
0x98: {  	s20 =	sld [smem:$0x3FDB];
	_ =	sdelay $0x1  }
0x99: {  	s4 =	simm.s32 $_scs_section_size  }
0x9a: {  	s5 =	simm.s32 $_size__tile_overlayer_lowered;
	s6 =	simm.s32 $_tile_overlayer_lowered  }
0x9b: {  	s7 =	simm.s32 $0x1BFF;
	s21 =	sshll.u32 s6, $0x1;
	s4 =	sadd.s32 s4, s20  }
0x9c: {  	s22 =	simm.s32 $0x0;
	s5 =	sshll.u32 s5, $0x1;
	s6 =	sadd.s32 s21, s4  }
0x9d: {  	[timem:s22], [sflag:s7] =	dma.local [hbm:s6], s5  }
0x9e: {  	_ =	swait.ge [sflag:s7], s5  }
0x9f: {  	s5 =	ssub.s32 $0x0, s5;
	[sflag:s7] =	ssyncset.done $0x0  }
0xa0: {  	[sflag:s7] =	ssyncadd.s32 s5;
	_ =	sdelay $0x1  }
0xa1: {  	s23 =	simm.s32 $0x1B8B  }
0xa2: {  	_ =	swait.ge [sflag:s23], $0x1  }
0xa3: {  	[sflag:s23] =	ssyncset.done $0x0  }
0xa4: {  	[sflag:s23] =	ssyncadd.s32 $0xFFFFFFFF  }
0xa5: {  	s5 =	sld [smem:$0x0]  }
0xa6: {  	s6 =	sand.u32 $0xFFFFFFFE, s1  }
0xa7: {  	p0 =	sne.s32 s1, s6  }
0xa8: {  	s6 =	sshll.u32 @p0 s6, $0xE  }
0xa9: {  	s6 =	sadd.s32 @p0 $0x11B8D, s6;
	s7 =	sshll.u32 @p0 s5, $0x11  }
0xaa: {  	s6 =	sor.u32 @p0 s7, s6  }
0xab: {  	[sflag:s6] =	ssyncadd.remote.s32 @p0 $0x1;
	_ =	sdelay $0x1  }
0xac: {  	s6 =	simm.s32 @p0 $0x1B8D  }
0xad: {  	_ =	swait.eq @p0 [sflag:s6], $0x1  }
0xae: {  	[sflag:s6] =	ssyncadd.s32 @p0 $0xFFFFFFFF  }
0xaf: {  	s7 =	sshll.u32 @!p0 s1, $0xE  }
0xb0: {  	s7 =	sor.u32 @!p0 $0x4000, s7;
	s6 =	simm.s32 @!p0 $0x1B8D  }
0xb1: {  	s5 =	sshll.u32 @!p0 s5, $0x11;
	s7 =	sadd.s32 @!p0 $0x11B8D, s7;
	_ =	swait.eq @!p0 [sflag:s6], $0x1  }
0xb2: {  	s5 =	sor.u32 @!p0 s5, s7;
	[sflag:s6] =	ssyncadd.s32 @!p0 $0xFFFFFFFF  }
0xb3: {  	s25 =	simm.s32 $0x1B8E;
	s24 =	sld [smem:$0x3FFE];
	[sflag:s5] =	ssyncadd.remote.s32 @!p0 $0x1  }
0xb4: {  	s26 =	simm.s32 $execute0_lowered;
	[smem:$0x3FD2] =	sst s25  }
0xb5: {  	s6 =	sshll.u32 s26, $0x1;
	_ =	strace $0x8000004F;
	[dreg:$0x1] =	wrdreg $0xFFFFFFFF  }
0xb6: {  	s28 =	simm.s32 $_size_execute0_lowered;
	s4 =	sadd.s32 s4, s6;
	[dreg:$0x0] =	wrdreg $0x0  }
0xb7: {  	s6 =	sshll.u32 s28, $0x1;
	[dreg:$0x2] =	wrdreg s4  }
0xb8: {  	[dreg:$0x3] =	wrdreg s6  }
0xb9: {  	[dreg:$0x4] =	wrdreg $0xC0  }
0xba: {  	_ =	task [dreg:s22], $0x5FFFF  }
0xbb: {  	[dreg:$0x1] =	wrdreg $0xFFFFFFFF  }
0xbc: {  	[dreg:$0x0] =	wrdreg $0x60  }
0xbd: {  	[dreg:$0x2] =	wrdreg s18  }
0xbe: {  	[dreg:$0x3] =	wrdreg s24  }
0xbf: {  	[dreg:$0x4] =	wrdreg $0xC  }
0xc0: {  	_ =	task.clear_ibuf [dreg:s22], $0x5FFFF;
	_ =	strace $0x9000004F  }
0xc1: {  	s29 =	simm.s32 $0xC;
	_ =	strace $0x80000051  }
0xc2: {  	_ =	swait.ge [sflag:s29], $0x1  }
0xc3: {  	[sflag:s29] =	ssyncadd.s32 $0xFFFFFFFF  }
0xc4: {  	_ =	strace $0x90000051  }
0xc5: {  	_ =	sfence  }
0xc6: {  	s30 =	sld [smem:$0x0];
	_ =	sdelay $0x2  }
0xc7: {  	s31 =	sshll.u32 s1, $0xD;
	s1 =	sshrl.u32 s1, $0x2  }
0xc8: {  	s4 =	sand.u32 $0x4000, s31;
	s1 =	sadd.s32 s1, s30  }
0xc9: {  	s0 =	sor.u32 s4, s0;
	s1 =	sshll.u32 s1, $0x11  }
0xca: {  	s0 =	sor.u32 s1, s0  }
0xcb: {  	s0 =	sadd.s32 $0x8F2B, s0  }
0xcc: {  	[sflag:s0] =	ssyncadd.remote.s32 $0x1  }
0xcd: {  	_ =	sfence.sel $0xFFFF  }
0xce: {  	[dreg:$0x0] =	wrdreg $0xFFFFFFFF;
	(pc) =	sbr.abs _section_cstart, $3  }
0xcf: {  	[dreg:$0x1] =	wrdreg $0xFFFFFFFF  }
0xd0: {  	_ =	task.clear_ibuf [dreg:s22], $0x2FFFF;
	_ =	strace $0x9FFFFFFF  }
0xd1: {  	(tm) =	ssettm $0x7FFFFFFF  }
tec
execute0_lowered:
.L_overlay_start_1:
0x0: {  	(tag) =	ssettag $0x1  }
0x1: {  	s2 =	rddreg [dreg:$0x0]  }
0x2: {  	s0 =	rddreg [dreg:$0x1];
	s1 =	srdreg.scid  }
0x3: {  	s7 =	stileid.u32;
	s3 =	simm.s32 $0x0;
	s13 =	simm.s32 $0xA00  }
0x4: {  	s14 =	simm.s32 $0x1200;
	s15 =	simm.s32 $0x1A00;
	s16 =	simm.s32 $0x2200  }
0x5: {  	s17 =	simm.s32 $0x2A00;
	s18 =	simm.s32 $0x3200;
	s19 =	simm.s32 $0x3A00  }
0x6: {  	s20 =	simm.s32 $0x4200;
	s21 =	simm.s32 $0x4A00;
	s22 =	simm.s32 $0x5200  }
0x7: {  	s23 =	simm.s32 $0x5A00;
	s24 =	simm.s32 $0x6200;
	s25 =	simm.s32 $0x6A00  }
0x8: {  	s28 =	simm.s32 $0x7A00;
	s29 =	simm.s32 $0x8200;
	s30 =	simm.s32 $0x8A00  }
0x9: {  	s31 =	simm.s32 $0x9200;
	s9 =	simm.s32 $0xAA00;
	s10 =	simm.s32 $0xBA00  }
0xa: {  	s11 =	simm.s32 $0xC200;
	s1 =	sand.u32 $0x1, s1;
	s4 =	sshll.u32 s7, $0x1  }
0xb: {  	[smem:$0x7FF] =	sst s3;
	s7 =	sshll.u32 s7, $0x7;
	s4 =	sor.u32 s1, s4  }
0xc: {  	s5 =	sshll.u32 s1, $0x6;
	_ =	strace $0x80000050;
	s6 =	smul.u32 $0x6000, s4  }
0xd: {  	s1 =	ssub.s32 $0x2, s1;
	s5 =	sadd.s32 s5, s0;
	s4 =	smul.u32 $0x30000, s4  }
0xe: {  	s0 =	sadd.s32 $0xAC00, s0;
	s8 =	sshrl.u32 s1, $0x1;
	s5 =	sadd.s32 s7, s5  }
0xf: {  	s1 =	ssub.s32 s1, s8;
	s8 =	simm.s32 $0x3;
	s5 =	sadd.s32 $0xA000, s5  }
0x10: {  	s6 =	sadd.s32 s0, s6;
	s4 =	sshrl.u32 s4, $0x3;
	[dreg:$0x3] =	wrdreg s5  }
0x11: {  	[dreg:$0x7] =	wrdreg s6;
	s26 =	sadd.s32 $0x1800, s6;
	s0 =	sadd.s32 s0, s4  }
0x12: {  	v2 =	vlaneseq.u32;
	s5 =	sadd.s32 $0x100, s2;
	[dreg:$0x4] =	wrdreg s26;
	s4 =	sadd.s32 $0x3000, s0  }
0x13: {  	vm0 =	vmmov $0xffff;
	v1 =	vshrl.u32 v2, $0x3;
	s6 =	sadd.s32 $0x200, s2;
	s0 =	sadd.s32 $0x4800, s0;
	[dreg:$0x5] =	wrdreg s4  }
0x14: {  	v0 =	vand.u32 $0x7, v2;
	v2 =	vor.u32 $0x8, v2;
	v1 =	vmul.u32 $0x8, v1;
	s26 =	simm.s32 $0x7200;
	[dreg:$0x6] =	wrdreg s0;
	s4 =	smax.u32 s1, $0x1  }
.LBB2_1:
0x15: {  	s12 =	rddreg [dreg:$0x3]  }
0x16: {  	[tilespmem:s3], [sflag:$0x3] =	stream.linear.gather [hbm4b:s12+s3], $0x200, $0x38;
	[tilespmem:$0x18200] =	vst v63  }
0x17: {  	_ =	swait.ge [sflag:s8], $0x200  }
0x18: {  	[sflag:s8] =	ssyncset.done $0x0  }
0x19: {  	[sflag:s8] =	ssyncadd.s32 $0xFFFFFE00  }
0x1a: {  	v3 =	vld [tilespmem:$0x0];
	_ =	sdelay $0x4  }
0x1b: {  	v4 =	vshrl.u32 v3, $0x3  }
0x1c: {  	v4 =	vmul.u32 $0x30, v4  }
0x1d: {  	v3 =	vand.u32 $0x7, v3  }
0x1e: {  	v3 =	vor.u32 v3, v4  }
0x1f: {  	v4 =	vperm.xlane v3, v0;
	_ =	sdelay $0x1  }
0x20: {  	v4 =	vadd.s32 v1, v4;
	_ =	sdelay $0x3  }
0x21: {  	s0 =	simm.s32 $0x200;
	v3 =	vperm.xlane v3, v2  }
0x22: {  	[tilespmem:s0], [sflag:$0x1] =	stream.indirect_vreg.gather [hbm4b:s2+s3], $0x80, v4, vm0, $0xb8;
	[tilespmem:$0x18200] =	vst v63  }
0x23: {  	v3 =	vadd.s32 v1, v3  }
0x24: {  	[tilespmem:s13], [sflag:$0x1] =	stream.indirect_vreg.gather [hbm4b:s5+s3], $0x80, v4, vm0, $0xb8;
	[tilespmem:$0x18200] =	vst v63  }
0x25: {  	_ = 	snop  }
0x26: {  	[tilespmem:s14], [sflag:$0x1] =	stream.indirect_vreg.gather [hbm4b:s6+s3], $0x80, v4, vm0, $0xb8;
	[tilespmem:$0x18200] =	vst v63  }
0x27: {  	_ = 	snop  }
0x28: {  	[tilespmem:s15], [sflag:$0x1] =	stream.indirect_vreg.gather [hbm4b:s2+s3], $0x80, v3, vm0, $0xb8;
	[tilespmem:$0x18200] =	vst v63  }
0x29: {  	_ = 	snop  }
0x2a: {  	[tilespmem:s16], [sflag:$0x1] =	stream.indirect_vreg.gather [hbm4b:s5+s3], $0x80, v3, vm0, $0xb8;
	[tilespmem:$0x18200] =	vst v63  }
0x2b: {  	_ = 	snop  }
0x2c: {  	[tilespmem:s17], [sflag:$0x1] =	stream.indirect_vreg.gather [hbm4b:s6+s3], $0x80, v3, vm0, $0xb8;
	[tilespmem:$0x18200] =	vst v63  }
0x2d: {  	v3 =	vld [tilespmem:$0x10];
	_ =	sdelay $0x4  }
0x2e: {  	v49 =	vshrl.u32 v3, $0x3  }
0x2f: {  	v4 =	vmul.u32 $0x30, v49  }
0x30: {  	v3 =	vand.u32 $0x7, v3  }
0x31: {  	v3 =	vor.u32 v3, v4  }
0x32: {  	v4 =	vperm.xlane v3, v0;
	_ =	sdelay $0x1  }
0x33: {  	v4 =	vadd.s32 v1, v4;
	_ =	sdelay $0x3  }
0x34: {  	v3 =	vperm.xlane v3, v2  }
0x35: {  	[tilespmem:s18], [sflag:$0x1] =	stream.indirect_vreg.gather [hbm4b:s2+s3], $0x80, v4, vm0, $0xb8;
	[tilespmem:$0x18200] =	vst v63  }
0x36: {  	v3 =	vadd.s32 v1, v3  }
0x37: {  	[tilespmem:s19], [sflag:$0x1] =	stream.indirect_vreg.gather [hbm4b:s5+s3], $0x80, v4, vm0, $0xb8;
	[tilespmem:$0x18200] =	vst v63  }
0x38: {  	_ = 	snop  }
0x39: {  	[tilespmem:s20], [sflag:$0x1] =	stream.indirect_vreg.gather [hbm4b:s6+s3], $0x80, v4, vm0, $0xb8;
	[tilespmem:$0x18200] =	vst v63  }
0x3a: {  	_ = 	snop  }
0x3b: {  	[tilespmem:s21], [sflag:$0x1] =	stream.indirect_vreg.gather [hbm4b:s2+s3], $0x80, v3, vm0, $0xb8;
	[tilespmem:$0x18200] =	vst v63  }
0x3c: {  	_ = 	snop  }
0x3d: {  	[tilespmem:s22], [sflag:$0x1] =	stream.indirect_vreg.gather [hbm4b:s5+s3], $0x80, v3, vm0, $0xb8;
	[tilespmem:$0x18200] =	vst v63  }
0x3e: {  	_ = 	snop  }
0x3f: {  	[tilespmem:s23], [sflag:$0x1] =	stream.indirect_vreg.gather [hbm4b:s6+s3], $0x80, v3, vm0, $0xb8;
	[tilespmem:$0x18200] =	vst v63  }
0x40: {  	v3 =	vld [tilespmem:$0x20];
	_ =	sdelay $0x4  }
0x41: {  	v50 =	vshrl.u32 v3, $0x3  }
0x42: {  	v4 =	vmul.u32 $0x30, v50  }
0x43: {  	v3 =	vand.u32 $0x7, v3  }
0x44: {  	v3 =	vor.u32 v3, v4  }
0x45: {  	v4 =	vperm.xlane v3, v0;
	_ =	sdelay $0x1  }
0x46: {  	v4 =	vadd.s32 v1, v4;
	_ =	sdelay $0x3  }
0x47: {  	v3 =	vperm.xlane v3, v2  }
0x48: {  	[tilespmem:s24], [sflag:$0x1] =	stream.indirect_vreg.gather [hbm4b:s2+s3], $0x80, v4, vm0, $0xb8;
	[tilespmem:$0x18200] =	vst v63  }
0x49: {  	v3 =	vadd.s32 v1, v3  }
0x4a: {  	[tilespmem:s25], [sflag:$0x1] =	stream.indirect_vreg.gather [hbm4b:s5+s3], $0x80, v4, vm0, $0xb8;
	[tilespmem:$0x18200] =	vst v63  }
0x4b: {  	_ = 	snop  }
0x4c: {  	[tilespmem:s26], [sflag:$0x1] =	stream.indirect_vreg.gather [hbm4b:s6+s3], $0x80, v4, vm0, $0xb8;
	[tilespmem:$0x18200] =	vst v63  }
0x4d: {  	_ = 	snop  }
0x4e: {  	[tilespmem:s28], [sflag:$0x1] =	stream.indirect_vreg.gather [hbm4b:s2+s3], $0x80, v3, vm0, $0xb8;
	[tilespmem:$0x18200] =	vst v63  }
0x4f: {  	_ = 	snop  }
0x50: {  	[tilespmem:s29], [sflag:$0x1] =	stream.indirect_vreg.gather [hbm4b:s5+s3], $0x80, v3, vm0, $0xb8;
	[tilespmem:$0x18200] =	vst v63  }
0x51: {  	_ = 	snop  }
0x52: {  	[tilespmem:s30], [sflag:$0x1] =	stream.indirect_vreg.gather [hbm4b:s6+s3], $0x80, v3, vm0, $0xb8;
	[tilespmem:$0x18200] =	vst v63  }
0x53: {  	v3 =	vld [tilespmem:$0x30];
	_ =	sdelay $0x4  }
0x54: {  	v51 =	vshrl.u32 v3, $0x3  }
0x55: {  	v4 =	vmul.u32 $0x30, v51  }
0x56: {  	v3 =	vand.u32 $0x7, v3  }
0x57: {  	v3 =	vor.u32 v3, v4  }
0x58: {  	v4 =	vperm.xlane v3, v0;
	_ =	sdelay $0x1  }
0x59: {  	v4 =	vadd.s32 v1, v4;
	_ =	sdelay $0x3  }
0x5a: {  	v3 =	vperm.xlane v3, v2  }
0x5b: {  	[tilespmem:s31], [sflag:$0x1] =	stream.indirect_vreg.gather [hbm4b:s2+s3], $0x80, v4, vm0, $0xb8;
	[tilespmem:$0x18200] =	vst v63  }
0x5c: {  	s7 =	simm.s32 $0x9A00;
	v3 =	vadd.s32 v1, v3  }
0x5d: {  	[tilespmem:s7], [sflag:$0x1] =	stream.indirect_vreg.gather [hbm4b:s5+s3], $0x80, v4, vm0, $0xb8;
	[tilespmem:$0x18200] =	vst v63  }
0x5e: {  	s1 =	simm.s32 $0xA200  }
0x5f: {  	[tilespmem:s1], [sflag:$0x1] =	stream.indirect_vreg.gather [hbm4b:s6+s3], $0x80, v4, vm0, $0xb8;
	[tilespmem:$0x18200] =	vst v63  }
0x60: {  	_ = 	snop  }
0x61: {  	[tilespmem:s9], [sflag:$0x1] =	stream.indirect_vreg.gather [hbm4b:s2+s3], $0x80, v3, vm0, $0xb8;
	[tilespmem:$0x18200] =	vst v63  }
0x62: {  	s12 =	simm.s32 $0xB200  }
0x63: {  	[tilespmem:s12], [sflag:$0x1] =	stream.indirect_vreg.gather [hbm4b:s5+s3], $0x80, v3, vm0, $0xb8;
	[tilespmem:$0x18200] =	vst v63  }
0x64: {  	_ = 	snop  }
0x65: {  	[tilespmem:s10], [sflag:$0x1] =	stream.indirect_vreg.gather [hbm4b:s6+s3], $0x80, v3, vm0, $0xb8;
	[tilespmem:$0x18200] =	vst v63  }
0x66: {  	v3 =	vld [tilespmem:$0x80];
	_ =	sdelay $0x4  }
0x67: {  	v52 =	vshrl.u32 v3, $0x3  }
0x68: {  	v4 =	vmul.u32 $0x30, v52  }
0x69: {  	v3 =	vand.u32 $0x7, v3  }
0x6a: {  	v3 =	vor.u32 v3, v4  }
0x6b: {  	v4 =	vperm.xlane v3, v0;
	_ =	sdelay $0x1  }
0x6c: {  	v4 =	vadd.s32 v1, v4;
	_ =	sdelay $0x3  }
0x6d: {  	v3 =	vperm.xlane v3, v2  }
0x6e: {  	[tilespmem:s11], [sflag:$0x2] =	stream.indirect_vreg.gather [hbm4b:s2+s3], $0x80, v4, vm0, $0xb8;
	[tilespmem:$0x18200] =	vst v63  }
0x6f: {  	s7 =	simm.s32 $0xCA00;
	v3 =	vadd.s32 v1, v3  }
0x70: {  	[tilespmem:s7], [sflag:$0x2] =	stream.indirect_vreg.gather [hbm4b:s5+s3], $0x80, v4, vm0, $0xb8;
	[tilespmem:$0x18200] =	vst v63  }
0x71: {  	s12 =	simm.s32 $0xD200  }
0x72: {  	[tilespmem:s12], [sflag:$0x2] =	stream.indirect_vreg.gather [hbm4b:s6+s3], $0x80, v4, vm0, $0xb8;
	[tilespmem:$0x18200] =	vst v63  }
0x73: {  	s7 =	simm.s32 $0xDA00  }
0x74: {  	[tilespmem:s7], [sflag:$0x2] =	stream.indirect_vreg.gather [hbm4b:s2+s3], $0x80, v3, vm0, $0xb8;
	[tilespmem:$0x18200] =	vst v63  }
0x75: {  	s12 =	simm.s32 $0xE200  }
0x76: {  	[tilespmem:s12], [sflag:$0x2] =	stream.indirect_vreg.gather [hbm4b:s5+s3], $0x80, v3, vm0, $0xb8;
	[tilespmem:$0x18200] =	vst v63  }
0x77: {  	s7 =	simm.s32 $0xEA00  }
0x78: {  	[tilespmem:s7], [sflag:$0x2] =	stream.indirect_vreg.gather [hbm4b:s6+s3], $0x80, v3, vm0, $0xb8;
	[tilespmem:$0x18200] =	vst v63  }
0x79: {  	v3 =	vld [tilespmem:$0x90];
	_ =	sdelay $0x4  }
0x7a: {  	v53 =	vshrl.u32 v3, $0x3  }
0x7b: {  	v4 =	vmul.u32 $0x30, v53  }
0x7c: {  	v3 =	vand.u32 $0x7, v3  }
0x7d: {  	v3 =	vor.u32 v3, v4  }
0x7e: {  	v4 =	vperm.xlane v3, v0;
	_ =	sdelay $0x1  }
0x7f: {  	v4 =	vadd.s32 v1, v4;
	_ =	sdelay $0x3  }
0x80: {  	s12 =	simm.s32 $0xF200;
	v3 =	vperm.xlane v3, v2  }
0x81: {  	[tilespmem:s12], [sflag:$0x2] =	stream.indirect_vreg.gather [hbm4b:s2+s3], $0x80, v4, vm0, $0xb8;
	[tilespmem:$0x18200] =	vst v63  }
0x82: {  	s7 =	simm.s32 $0xFA00;
	v3 =	vadd.s32 v1, v3  }
0x83: {  	[tilespmem:s7], [sflag:$0x2] =	stream.indirect_vreg.gather [hbm4b:s5+s3], $0x80, v4, vm0, $0xb8;
	[tilespmem:$0x18200] =	vst v63  }
0x84: {  	s12 =	simm.s32 $0x10200  }
0x85: {  	[tilespmem:s12], [sflag:$0x2] =	stream.indirect_vreg.gather [hbm4b:s6+s3], $0x80, v4, vm0, $0xb8;
	[tilespmem:$0x18200] =	vst v63  }
0x86: {  	s7 =	simm.s32 $0x10A00  }
0x87: {  	[tilespmem:s7], [sflag:$0x2] =	stream.indirect_vreg.gather [hbm4b:s2+s3], $0x80, v3, vm0, $0xb8;
	[tilespmem:$0x18200] =	vst v63  }
0x88: {  	s12 =	simm.s32 $0x11200  }
0x89: {  	[tilespmem:s12], [sflag:$0x2] =	stream.indirect_vreg.gather [hbm4b:s5+s3], $0x80, v3, vm0, $0xb8;
	[tilespmem:$0x18200] =	vst v63  }
0x8a: {  	s7 =	simm.s32 $0x11A00  }
0x8b: {  	[tilespmem:s7], [sflag:$0x2] =	stream.indirect_vreg.gather [hbm4b:s6+s3], $0x80, v3, vm0, $0xb8;
	[tilespmem:$0x18200] =	vst v63  }
0x8c: {  	v3 =	vld [tilespmem:$0xA0];
	_ =	sdelay $0x4  }
0x8d: {  	v54 =	vshrl.u32 v3, $0x3  }
0x8e: {  	v4 =	vmul.u32 $0x30, v54  }
0x8f: {  	v3 =	vand.u32 $0x7, v3  }
0x90: {  	v3 =	vor.u32 v3, v4  }
0x91: {  	v4 =	vperm.xlane v3, v0;
	_ =	sdelay $0x1  }
0x92: {  	v4 =	vadd.s32 v1, v4;
	_ =	sdelay $0x3  }
0x93: {  	s12 =	simm.s32 $0x12200;
	v3 =	vperm.xlane v3, v2  }
0x94: {  	[tilespmem:s12], [sflag:$0x2] =	stream.indirect_vreg.gather [hbm4b:s2+s3], $0x80, v4, vm0, $0xb8;
	[tilespmem:$0x18200] =	vst v63  }
0x95: {  	s7 =	simm.s32 $0x12A00;
	v3 =	vadd.s32 v1, v3  }
0x96: {  	[tilespmem:s7], [sflag:$0x2] =	stream.indirect_vreg.gather [hbm4b:s5+s3], $0x80, v4, vm0, $0xb8;
	[tilespmem:$0x18200] =	vst v63  }
0x97: {  	s12 =	simm.s32 $0x13200  }
0x98: {  	[tilespmem:s12], [sflag:$0x2] =	stream.indirect_vreg.gather [hbm4b:s6+s3], $0x80, v4, vm0, $0xb8;
	[tilespmem:$0x18200] =	vst v63  }
0x99: {  	s7 =	simm.s32 $0x13A00  }
0x9a: {  	[tilespmem:s7], [sflag:$0x2] =	stream.indirect_vreg.gather [hbm4b:s2+s3], $0x80, v3, vm0, $0xb8;
	[tilespmem:$0x18200] =	vst v63  }
0x9b: {  	s12 =	simm.s32 $0x14200  }
0x9c: {  	[tilespmem:s12], [sflag:$0x2] =	stream.indirect_vreg.gather [hbm4b:s5+s3], $0x80, v3, vm0, $0xb8;
	[tilespmem:$0x18200] =	vst v63  }
0x9d: {  	s7 =	simm.s32 $0x14A00  }
0x9e: {  	[tilespmem:s7], [sflag:$0x2] =	stream.indirect_vreg.gather [hbm4b:s6+s3], $0x80, v3, vm0, $0xb8;
	[tilespmem:$0x18200] =	vst v63  }
0x9f: {  	v3 =	vld [tilespmem:$0xB0];
	_ =	sdelay $0x4  }
0xa0: {  	v55 =	vshrl.u32 v3, $0x3  }
0xa1: {  	v4 =	vmul.u32 $0x30, v55  }
0xa2: {  	v3 =	vand.u32 $0x7, v3  }
0xa3: {  	v3 =	vor.u32 v3, v4  }
0xa4: {  	v4 =	vperm.xlane v3, v0;
	_ =	sdelay $0x1  }
0xa5: {  	v4 =	vadd.s32 v1, v4;
	_ =	sdelay $0x3  }
0xa6: {  	s12 =	simm.s32 $0x15200;
	v3 =	vperm.xlane v3, v2  }
0xa7: {  	[tilespmem:s12], [sflag:$0x2] =	stream.indirect_vreg.gather [hbm4b:s2+s3], $0x80, v4, vm0, $0xb8;
	[tilespmem:$0x18200] =	vst v63  }
0xa8: {  	s7 =	simm.s32 $0x15A00;
	v3 =	vadd.s32 v1, v3  }
0xa9: {  	[tilespmem:s7], [sflag:$0x2] =	stream.indirect_vreg.gather [hbm4b:s5+s3], $0x80, v4, vm0, $0xb8;
	[tilespmem:$0x18200] =	vst v63  }
0xaa: {  	s12 =	simm.s32 $0x16200  }
0xab: {  	[tilespmem:s12], [sflag:$0x2] =	stream.indirect_vreg.gather [hbm4b:s6+s3], $0x80, v4, vm0, $0xb8;
	[tilespmem:$0x18200] =	vst v63  }
0xac: {  	s7 =	simm.s32 $0x16A00  }
0xad: {  	[tilespmem:s7], [sflag:$0x2] =	stream.indirect_vreg.gather [hbm4b:s2+s3], $0x80, v3, vm0, $0xb8;
	[tilespmem:$0x18200] =	vst v63  }
0xae: {  	s12 =	simm.s32 $0x17200  }
0xaf: {  	[tilespmem:s12], [sflag:$0x2] =	stream.indirect_vreg.gather [hbm4b:s5+s3], $0x80, v3, vm0, $0xb8;
	[tilespmem:$0x18200] =	vst v63  }
0xb0: {  	s0 =	simm.s32 $0x1;
	s7 =	simm.s32 $0x17A00  }
0xb1: {  	[tilespmem:s7], [sflag:$0x2] =	stream.indirect_vreg.gather [hbm4b:s6+s3], $0x80, v3, vm0, $0xb8;
	[tilespmem:$0x18200] =	vst v63  }
0xb2: {  	_ =	swait.ge [sflag:s0], $0xC000  }
0xb3: {  	[sflag:s0] =	ssyncset.done $0x0  }
0xb4: {  	s7 =	simm.s32 $0x200;
	s12 =	rddreg [dreg:$0x7];
	[sflag:s0] =	ssyncadd.s32 $0xFFFF4000  }
0xb5: {  	[hbm4b:s12+s3] =	stream.linear.scatter [tilespmem:s7], [sflag:$0x3], $0xC000, $0x38;
	[tilespmem:$0x18200] =	vst v63  }
0xb6: {  	_ =	swait.ge [sflag:s8], $0xC000  }
0xb7: {  	[sflag:s8] =	ssyncset.done $0x0  }
0xb8: {  	[sflag:s8] =	ssyncadd.s32 $0xFFFF4000  }
0xb9: {  	v3 =	vld [tilespmem:$0x100];
	_ =	sdelay $0x4  }
0xba: {  	v56 =	vshrl.u32 v3, $0x3  }
0xbb: {  	v4 =	vmul.u32 $0x30, v56  }
0xbc: {  	v3 =	vand.u32 $0x7, v3  }
0xbd: {  	v3 =	vor.u32 v3, v4  }
0xbe: {  	v4 =	vperm.xlane v3, v0;
	_ =	sdelay $0x1  }
0xbf: {  	v4 =	vadd.s32 v1, v4;
	_ =	sdelay $0x3  }
0xc0: {  	v3 =	vperm.xlane v3, v2  }
0xc1: {  	[tilespmem:s7], [sflag:$0x1] =	stream.indirect_vreg.gather [hbm4b:s2+s3], $0x80, v4, vm0, $0xb8;
	[tilespmem:$0x18200] =	vst v63  }
0xc2: {  	v3 =	vadd.s32 v1, v3  }
0xc3: {  	[tilespmem:s13], [sflag:$0x1] =	stream.indirect_vreg.gather [hbm4b:s5+s3], $0x80, v4, vm0, $0xb8;
	[tilespmem:$0x18200] =	vst v63  }
0xc4: {  	_ = 	snop  }
0xc5: {  	[tilespmem:s14], [sflag:$0x1] =	stream.indirect_vreg.gather [hbm4b:s6+s3], $0x80, v4, vm0, $0xb8;
	[tilespmem:$0x18200] =	vst v63  }
0xc6: {  	_ = 	snop  }
0xc7: {  	[tilespmem:s15], [sflag:$0x1] =	stream.indirect_vreg.gather [hbm4b:s2+s3], $0x80, v3, vm0, $0xb8;
	[tilespmem:$0x18200] =	vst v63  }
0xc8: {  	_ = 	snop  }
0xc9: {  	[tilespmem:s16], [sflag:$0x1] =	stream.indirect_vreg.gather [hbm4b:s5+s3], $0x80, v3, vm0, $0xb8;
	[tilespmem:$0x18200] =	vst v63  }
0xca: {  	_ = 	snop  }
0xcb: {  	[tilespmem:s17], [sflag:$0x1] =	stream.indirect_vreg.gather [hbm4b:s6+s3], $0x80, v3, vm0, $0xb8;
	[tilespmem:$0x18200] =	vst v63  }
0xcc: {  	v3 =	vld [tilespmem:$0x110];
	_ =	sdelay $0x4  }
0xcd: {  	v57 =	vshrl.u32 v3, $0x3  }
0xce: {  	v4 =	vmul.u32 $0x30, v57  }
0xcf: {  	v3 =	vand.u32 $0x7, v3  }
0xd0: {  	v3 =	vor.u32 v3, v4  }
0xd1: {  	v4 =	vperm.xlane v3, v0;
	_ =	sdelay $0x1  }
0xd2: {  	v4 =	vadd.s32 v1, v4;
	_ =	sdelay $0x3  }
0xd3: {  	v3 =	vperm.xlane v3, v2  }
0xd4: {  	[tilespmem:s18], [sflag:$0x1] =	stream.indirect_vreg.gather [hbm4b:s2+s3], $0x80, v4, vm0, $0xb8;
	[tilespmem:$0x18200] =	vst v63  }
0xd5: {  	v3 =	vadd.s32 v1, v3  }
0xd6: {  	[tilespmem:s19], [sflag:$0x1] =	stream.indirect_vreg.gather [hbm4b:s5+s3], $0x80, v4, vm0, $0xb8;
	[tilespmem:$0x18200] =	vst v63  }
0xd7: {  	_ = 	snop  }
0xd8: {  	[tilespmem:s20], [sflag:$0x1] =	stream.indirect_vreg.gather [hbm4b:s6+s3], $0x80, v4, vm0, $0xb8;
	[tilespmem:$0x18200] =	vst v63  }
0xd9: {  	_ = 	snop  }
0xda: {  	[tilespmem:s21], [sflag:$0x1] =	stream.indirect_vreg.gather [hbm4b:s2+s3], $0x80, v3, vm0, $0xb8;
	[tilespmem:$0x18200] =	vst v63  }
0xdb: {  	_ = 	snop  }
0xdc: {  	[tilespmem:s22], [sflag:$0x1] =	stream.indirect_vreg.gather [hbm4b:s5+s3], $0x80, v3, vm0, $0xb8;
	[tilespmem:$0x18200] =	vst v63  }
0xdd: {  	_ = 	snop  }
0xde: {  	[tilespmem:s23], [sflag:$0x1] =	stream.indirect_vreg.gather [hbm4b:s6+s3], $0x80, v3, vm0, $0xb8;
	[tilespmem:$0x18200] =	vst v63  }
0xdf: {  	v3 =	vld [tilespmem:$0x120];
	_ =	sdelay $0x4  }
0xe0: {  	v58 =	vshrl.u32 v3, $0x3  }
0xe1: {  	v4 =	vmul.u32 $0x30, v58  }
0xe2: {  	v3 =	vand.u32 $0x7, v3  }
0xe3: {  	v3 =	vor.u32 v3, v4  }
0xe4: {  	v4 =	vperm.xlane v3, v0;
	_ =	sdelay $0x1  }
0xe5: {  	v4 =	vadd.s32 v1, v4;
	_ =	sdelay $0x3  }
0xe6: {  	v3 =	vperm.xlane v3, v2  }
0xe7: {  	[tilespmem:s24], [sflag:$0x1] =	stream.indirect_vreg.gather [hbm4b:s2+s3], $0x80, v4, vm0, $0xb8;
	[tilespmem:$0x18200] =	vst v63  }
0xe8: {  	v3 =	vadd.s32 v1, v3  }
0xe9: {  	[tilespmem:s25], [sflag:$0x1] =	stream.indirect_vreg.gather [hbm4b:s5+s3], $0x80, v4, vm0, $0xb8;
	[tilespmem:$0x18200] =	vst v63  }
0xea: {  	_ = 	snop  }
0xeb: {  	[tilespmem:s26], [sflag:$0x1] =	stream.indirect_vreg.gather [hbm4b:s6+s3], $0x80, v4, vm0, $0xb8;
	[tilespmem:$0x18200] =	vst v63  }
0xec: {  	_ = 	snop  }
0xed: {  	[tilespmem:s28], [sflag:$0x1] =	stream.indirect_vreg.gather [hbm4b:s2+s3], $0x80, v3, vm0, $0xb8;
	[tilespmem:$0x18200] =	vst v63  }
0xee: {  	_ = 	snop  }
0xef: {  	[tilespmem:s29], [sflag:$0x1] =	stream.indirect_vreg.gather [hbm4b:s5+s3], $0x80, v3, vm0, $0xb8;
	[tilespmem:$0x18200] =	vst v63  }
0xf0: {  	_ = 	snop  }
0xf1: {  	[tilespmem:s30], [sflag:$0x1] =	stream.indirect_vreg.gather [hbm4b:s6+s3], $0x80, v3, vm0, $0xb8;
	[tilespmem:$0x18200] =	vst v63  }
0xf2: {  	v3 =	vld [tilespmem:$0x130];
	_ =	sdelay $0x4  }
0xf3: {  	v59 =	vshrl.u32 v3, $0x3  }
0xf4: {  	v4 =	vmul.u32 $0x30, v59  }
0xf5: {  	v3 =	vand.u32 $0x7, v3  }
0xf6: {  	v3 =	vor.u32 v3, v4  }
0xf7: {  	v4 =	vperm.xlane v3, v0;
	_ =	sdelay $0x1  }
0xf8: {  	v4 =	vadd.s32 v1, v4;
	_ =	sdelay $0x3  }
0xf9: {  	v3 =	vperm.xlane v3, v2  }
0xfa: {  	[tilespmem:s31], [sflag:$0x1] =	stream.indirect_vreg.gather [hbm4b:s2+s3], $0x80, v4, vm0, $0xb8;
	[tilespmem:$0x18200] =	vst v63  }
0xfb: {  	s12 =	simm.s32 $0x9A00;
	v3 =	vadd.s32 v1, v3  }
0xfc: {  	[tilespmem:s12], [sflag:$0x1] =	stream.indirect_vreg.gather [hbm4b:s5+s3], $0x80, v4, vm0, $0xb8;
	[tilespmem:$0x18200] =	vst v63  }
0xfd: {  	_ = 	snop  }
0xfe: {  	[tilespmem:s1], [sflag:$0x1] =	stream.indirect_vreg.gather [hbm4b:s6+s3], $0x80, v4, vm0, $0xb8;
	[tilespmem:$0x18200] =	vst v63  }
0xff: {  	_ = 	snop  }
0x100: {  	[tilespmem:s9], [sflag:$0x1] =	stream.indirect_vreg.gather [hbm4b:s2+s3], $0x80, v3, vm0, $0xb8;
	[tilespmem:$0x18200] =	vst v63  }
0x101: {  	s12 =	simm.s32 $0xB200  }
0x102: {  	[tilespmem:s12], [sflag:$0x1] =	stream.indirect_vreg.gather [hbm4b:s5+s3], $0x80, v3, vm0, $0xb8;
	[tilespmem:$0x18200] =	vst v63  }
0x103: {  	s1 =	simm.s32 $0x2  }
0x104: {  	[tilespmem:s10], [sflag:$0x1] =	stream.indirect_vreg.gather [hbm4b:s6+s3], $0x80, v3, vm0, $0xb8;
	[tilespmem:$0x18200] =	vst v63  }
0x105: {  	_ =	swait.ge [sflag:s1], $0xC000  }
0x106: {  	[sflag:s1] =	ssyncset.done $0x0  }
0x107: {  	s7 =	rddreg [dreg:$0x4];
	[sflag:s1] =	ssyncadd.s32 $0xFFFF4000  }
0x108: {  	[hbm4b:s7+s3] =	stream.linear.scatter [tilespmem:s11], [sflag:$0x3], $0xC000, $0x38;
	[tilespmem:$0x18200] =	vst v63  }
0x109: {  	_ =	swait.ge [sflag:s8], $0xC000  }
0x10a: {  	[sflag:s8] =	ssyncset.done $0x0  }
0x10b: {  	[sflag:s8] =	ssyncadd.s32 $0xFFFF4000  }
0x10c: {  	v3 =	vld [tilespmem:$0x180];
	_ =	sdelay $0x4  }
0x10d: {  	v60 =	vshrl.u32 v3, $0x3  }
0x10e: {  	v4 =	vmul.u32 $0x30, v60  }
0x10f: {  	v3 =	vand.u32 $0x7, v3  }
0x110: {  	v3 =	vor.u32 v3, v4  }
0x111: {  	v4 =	vperm.xlane v3, v0;
	_ =	sdelay $0x1  }
0x112: {  	v4 =	vadd.s32 v1, v4;
	_ =	sdelay $0x3  }
0x113: {  	v3 =	vperm.xlane v3, v2  }
0x114: {  	[tilespmem:s11], [sflag:$0x2] =	stream.indirect_vreg.gather [hbm4b:s2+s3], $0x80, v4, vm0, $0xb8;
	[tilespmem:$0x18200] =	vst v63  }
0x115: {  	s12 =	simm.s32 $0xCA00;
	v3 =	vadd.s32 v1, v3  }
0x116: {  	[tilespmem:s12], [sflag:$0x2] =	stream.indirect_vreg.gather [hbm4b:s5+s3], $0x80, v4, vm0, $0xb8;
	[tilespmem:$0x18200] =	vst v63  }
0x117: {  	s12 =	simm.s32 $0xD200  }
0x118: {  	[tilespmem:s12], [sflag:$0x2] =	stream.indirect_vreg.gather [hbm4b:s6+s3], $0x80, v4, vm0, $0xb8;
	[tilespmem:$0x18200] =	vst v63  }
0x119: {  	s12 =	simm.s32 $0xDA00  }
0x11a: {  	[tilespmem:s12], [sflag:$0x2] =	stream.indirect_vreg.gather [hbm4b:s2+s3], $0x80, v3, vm0, $0xb8;
	[tilespmem:$0x18200] =	vst v63  }
0x11b: {  	s12 =	simm.s32 $0xE200  }
0x11c: {  	[tilespmem:s12], [sflag:$0x2] =	stream.indirect_vreg.gather [hbm4b:s5+s3], $0x80, v3, vm0, $0xb8;
	[tilespmem:$0x18200] =	vst v63  }
0x11d: {  	s12 =	simm.s32 $0xEA00  }
0x11e: {  	[tilespmem:s12], [sflag:$0x2] =	stream.indirect_vreg.gather [hbm4b:s6+s3], $0x80, v3, vm0, $0xb8;
	[tilespmem:$0x18200] =	vst v63  }
0x11f: {  	v3 =	vld [tilespmem:$0x190];
	_ =	sdelay $0x4  }
0x120: {  	v61 =	vshrl.u32 v3, $0x3  }
0x121: {  	v4 =	vmul.u32 $0x30, v61  }
0x122: {  	v3 =	vand.u32 $0x7, v3  }
0x123: {  	v3 =	vor.u32 v3, v4  }
0x124: {  	v4 =	vperm.xlane v3, v0;
	_ =	sdelay $0x1  }
0x125: {  	v4 =	vadd.s32 v1, v4;
	_ =	sdelay $0x3  }
0x126: {  	s12 =	simm.s32 $0xF200;
	v3 =	vperm.xlane v3, v2  }
0x127: {  	[tilespmem:s12], [sflag:$0x2] =	stream.indirect_vreg.gather [hbm4b:s2+s3], $0x80, v4, vm0, $0xb8;
	[tilespmem:$0x18200] =	vst v63  }
0x128: {  	v3 =	vadd.s32 v1, v3;
	s12 =	simm.s32 $0xFA00  }
0x129: {  	[tilespmem:s12], [sflag:$0x2] =	stream.indirect_vreg.gather [hbm4b:s5+s3], $0x80, v4, vm0, $0xb8;
	[tilespmem:$0x18200] =	vst v63  }
0x12a: {  	s12 =	simm.s32 $0x10200  }
0x12b: {  	[tilespmem:s12], [sflag:$0x2] =	stream.indirect_vreg.gather [hbm4b:s6+s3], $0x80, v4, vm0, $0xb8;
	[tilespmem:$0x18200] =	vst v63  }
0x12c: {  	s12 =	simm.s32 $0x10A00  }
0x12d: {  	[tilespmem:s12], [sflag:$0x2] =	stream.indirect_vreg.gather [hbm4b:s2+s3], $0x80, v3, vm0, $0xb8;
	[tilespmem:$0x18200] =	vst v63  }
0x12e: {  	s12 =	simm.s32 $0x11200  }
0x12f: {  	[tilespmem:s12], [sflag:$0x2] =	stream.indirect_vreg.gather [hbm4b:s5+s3], $0x80, v3, vm0, $0xb8;
	[tilespmem:$0x18200] =	vst v63  }
0x130: {  	s12 =	simm.s32 $0x11A00  }
0x131: {  	[tilespmem:s12], [sflag:$0x2] =	stream.indirect_vreg.gather [hbm4b:s6+s3], $0x80, v3, vm0, $0xb8;
	[tilespmem:$0x18200] =	vst v63  }
0x132: {  	v3 =	vld [tilespmem:$0x1A0];
	_ =	sdelay $0x4  }
0x133: {  	v62 =	vshrl.u32 v3, $0x3  }
0x134: {  	v4 =	vmul.u32 $0x30, v62  }
0x135: {  	v3 =	vand.u32 $0x7, v3  }
0x136: {  	v3 =	vor.u32 v3, v4  }
0x137: {  	v4 =	vperm.xlane v3, v0;
	_ =	sdelay $0x1  }
0x138: {  	v4 =	vadd.s32 v1, v4;
	_ =	sdelay $0x3  }
0x139: {  	s12 =	simm.s32 $0x12200;
	v3 =	vperm.xlane v3, v2  }
0x13a: {  	[tilespmem:s12], [sflag:$0x2] =	stream.indirect_vreg.gather [hbm4b:s2+s3], $0x80, v4, vm0, $0xb8;
	[tilespmem:$0x18200] =	vst v63  }
0x13b: {  	v3 =	vadd.s32 v1, v3;
	s12 =	simm.s32 $0x12A00  }
0x13c: {  	[tilespmem:s12], [sflag:$0x2] =	stream.indirect_vreg.gather [hbm4b:s5+s3], $0x80, v4, vm0, $0xb8;
	[tilespmem:$0x18200] =	vst v63  }
0x13d: {  	s12 =	simm.s32 $0x13200  }
0x13e: {  	[tilespmem:s12], [sflag:$0x2] =	stream.indirect_vreg.gather [hbm4b:s6+s3], $0x80, v4, vm0, $0xb8;
	[tilespmem:$0x18200] =	vst v63  }
0x13f: {  	s12 =	simm.s32 $0x13A00  }
0x140: {  	[tilespmem:s12], [sflag:$0x2] =	stream.indirect_vreg.gather [hbm4b:s2+s3], $0x80, v3, vm0, $0xb8;
	[tilespmem:$0x18200] =	vst v63  }
0x141: {  	s12 =	simm.s32 $0x14200  }
0x142: {  	[tilespmem:s12], [sflag:$0x2] =	stream.indirect_vreg.gather [hbm4b:s5+s3], $0x80, v3, vm0, $0xb8;
	[tilespmem:$0x18200] =	vst v63  }
0x143: {  	s12 =	simm.s32 $0x14A00  }
0x144: {  	[tilespmem:s12], [sflag:$0x2] =	stream.indirect_vreg.gather [hbm4b:s6+s3], $0x80, v3, vm0, $0xb8;
	[tilespmem:$0x18200] =	vst v63  }
0x145: {  	v3 =	vld [tilespmem:$0x1B0];
	_ =	sdelay $0x4  }
0x146: {  	v63 =	vshrl.u32 v3, $0x3  }
0x147: {  	v4 =	vmul.u32 $0x30, v63  }
0x148: {  	v3 =	vand.u32 $0x7, v3  }
0x149: {  	v3 =	vor.u32 v3, v4  }
0x14a: {  	v4 =	vperm.xlane v3, v0;
	_ =	sdelay $0x1  }
0x14b: {  	v4 =	vadd.s32 v1, v4;
	_ =	sdelay $0x3  }
0x14c: {  	s12 =	simm.s32 $0x15200;
	v3 =	vperm.xlane v3, v2  }
0x14d: {  	[tilespmem:s12], [sflag:$0x2] =	stream.indirect_vreg.gather [hbm4b:s2+s3], $0x80, v4, vm0, $0xb8;
	[tilespmem:$0x18200] =	vst v63  }
0x14e: {  	v3 =	vadd.s32 v1, v3;
	s12 =	simm.s32 $0x15A00  }
0x14f: {  	[tilespmem:s12], [sflag:$0x2] =	stream.indirect_vreg.gather [hbm4b:s5+s3], $0x80, v4, vm0, $0xb8;
	[tilespmem:$0x18200] =	vst v63  }
0x150: {  	s12 =	simm.s32 $0x16200  }
0x151: {  	[tilespmem:s12], [sflag:$0x2] =	stream.indirect_vreg.gather [hbm4b:s6+s3], $0x80, v4, vm0, $0xb8;
	[tilespmem:$0x18200] =	vst v63  }
0x152: {  	s12 =	simm.s32 $0x16A00  }
0x153: {  	[tilespmem:s12], [sflag:$0x2] =	stream.indirect_vreg.gather [hbm4b:s2+s3], $0x80, v3, vm0, $0xb8;
	[tilespmem:$0x18200] =	vst v63  }
0x154: {  	s12 =	simm.s32 $0x17200  }
0x155: {  	[tilespmem:s12], [sflag:$0x2] =	stream.indirect_vreg.gather [hbm4b:s5+s3], $0x80, v3, vm0, $0xb8;
	[tilespmem:$0x18200] =	vst v63  }
0x156: {  	s12 =	simm.s32 $0x17A00  }
0x157: {  	[tilespmem:s12], [sflag:$0x2] =	stream.indirect_vreg.gather [hbm4b:s6+s3], $0x80, v3, vm0, $0xb8;
	[tilespmem:$0x18200] =	vst v63  }
0x158: {  	_ =	swait.ge [sflag:s0], $0xC000  }
0x159: {  	[sflag:s0] =	ssyncset.done $0x0  }
0x15a: {  	s7 =	simm.s32 $0x200;
	s12 =	rddreg [dreg:$0x5];
	[sflag:s0] =	ssyncadd.s32 $0xFFFF4000  }
0x15b: {  	[hbm4b:s12+s3] =	stream.linear.scatter [tilespmem:s7], [sflag:$0x3], $0xC000, $0x38;
	[tilespmem:$0x18200] =	vst v63  }
0x15c: {  	_ =	swait.ge [sflag:s8], $0xC000  }
0x15d: {  	[sflag:s8] =	ssyncset.done $0x0  }
0x15e: {  	[sflag:s8] =	ssyncadd.s32 $0xFFFF4000  }
0x15f: {  	_ =	swait.ge [sflag:s1], $0xC000  }
0x160: {  	p0 =	sne.s32 s4, $0x1;
	[sflag:s1] =	ssyncset.done $0x0  }
.Ltmp0:
0x161: {  	s7 =	rddreg [dreg:$0x6];
	[sflag:s1] =	ssyncadd.s32 $0xFFFF4000;
	(pc) =	sbr.rel @p0 .LBB2_1-.Ltmp0, $4  }
0x162: {  	[hbm4b:s7+s3] =	stream.linear.scatter [tilespmem:s11], [sflag:$0x3], $0xC000, $0x38;
	[tilespmem:$0x18200] =	vst v63  }
0x163: {  	_ =	swait.ge [sflag:s8], $0xC000  }
0x164: {  	[sflag:s8] =	ssyncset.done $0x0  }
0x165: {  	s4 =	sadd.s32 $0xFFFFFFFF, s4;
	[sflag:s8] =	ssyncadd.s32 $0xFFFF4000  }
0x166: {  	_ =	sfence.sel $0x180000  }
0x167: {  	[bflag:$0x0] =	sbarrier.arrive $0xFFFF  }
0x168: {  	_ =	strace $0x90000050  }
0x169: {  	s0 =	stileid.u32;
	[bflag:$0x2] =	sbarrier.arrive $0xFFFF  }
0x16a: {  	p0 =	sne.s32 s0, $0x0;
	s0 =	rddreg [dreg:$0x2]  }
0x16b: {  	s0 =	sadd.s32 @!p0 $0x100000, s0  }
0x16c: {  	[sflag:s0] =	ssyncadd.tile.s32 @!p0 $0x1;
	_ =	shalt  }
.Lfunc_end2:
_tile_overlayer_lowered:
.L_overlay_start_2:
0x16d: {  	(tag) =	ssettag $0x2  }
0x16e: {  	s0 =	rddreg [dreg:$0x0];
	s2 =	stileid.u32  }
0x16f: {  	s1 =	rddreg [dreg:$0x1];
	p0 =	sne.s32 s2, $0x0  }
0x170: {  	s3 =	rddreg [dreg:$0x2];
	[bflag:$0x3] =	sbarrier.arrive $0xFFFF;
	s2 =	simm.s32 @!p0 $0x1C03  }
0x171: {  	[timem:s3], [sflag:s2] =	dma.local @!p0 [hbm:s0], s1  }
0x172: {  	s0 =	simm.s32 @!p0 $0x3  }
0x173: {  	_ =	swait.ge @!p0 [sflag:s0], s1  }
0x174: {  	s1 =	ssub.s32 @!p0 $0x0, s1;
	[sflag:s0] =	ssyncset.done @!p0 $0x0  }
0x175: {  	[sflag:s0] =	ssyncadd.s32 @!p0 s1  }
0x176: {  	[bflag:$0x3] =	sbarrier.arrive $0xFFFF  }
0x177: {  	_ =	shalt  }

// kernel: scatter_offload_async_start
scs
__scs_entry_jumppad:
0x0: {  	(pc) =	sbr.rel $0x88, $3  }
0x1: {  	(tag) =	ssettag $0x0;
	lr =	simm.s32 $0x1  }
0x2: {  	[smem:$0x3F94] =	sst lr;
	_ =	strace $0xD0000000  }
0x3: {  	_ = 	snop  }
0x4: {  	_ = 	snop  }
0x5: {  	_ = 	snop  }
0x6: {  	_ = 	snop  }
0x7: {  	_ = 	snop  }
__scs_overlays_trampoline_lowered:
0x8: {  	[smem:$0x3FA3] =	sst s0  }
0x9: {  	[smem:$0x3FA4] =	sst s1  }
0xa: {  	[smem:$0x3FA5] =	sst s2  }
0xb: {  	[smem:$0x3FA6] =	sst s3  }
0xc: {  	[smem:$0x3FA7] =	sst s4  }
0xd: {  	[smem:$0x3FA8] =	sst s5  }
0xe: {  	[smem:$0x3FA9] =	sst s6  }
0xf: {  	[smem:$0x3FAA] =	sst s7  }
0x10: {  	[smem:$0x3FAB] =	sst s8  }
0x11: {  	[smem:$0x3FAC] =	sst s9;
	s0 =	simm.s32 @!p0 $0x0  }
0x12: {  	s1 =	sld [smem:$0x3F92];
	s0 =	simm.s32 @p0 $0x1  }
0x13: {  	[smem:$0x3FAD] =	sst s0;
	s0 =	simm.s32 @!p1 $0x0  }
0x14: {  	s2 =	sld [smem:$0x3F91];
	s0 =	simm.s32 @p1 $0x1  }
0x15: {  	[smem:$0x3FAE] =	sst s0;
	s0 =	simm.s32 @!p2 $0x0  }
0x16: {  	s3 =	sld [smem:$0x3FDB];
	s0 =	simm.s32 @p2 $0x1  }
0x17: {  	s4 =	simm.s32 $0x1BF5;
	[smem:$0x3FB0] =	sst s0  }
0x18: {  	s0 =	sld [smem:$0x3F93];
	_ =	swait.ge [sflag:s4], $0x0  }
0x19: {  	s7 =	sld [smem:$0x3F94]  }
0x1a: {  	s8 =	sadd.s32 $0xFFFFE003, lr  }
0x1b: {  	s9 =	sadd.s32 $0xFFFFFEF7, lr;
	s5 =	simm.s32 $0xFFFFFFFF;
	p2 =	slt.u32 s8, $0xFFFFF086  }
0x1c: {  	p1 =	slt.u32 s9, $0xF7A;
	s5 =	simm.s32 @!p2 $0x0  }
0x1d: {  	s5 =	simm.s32 @p1 $0x1;
	p0 =	seq.s32 s7, s2  }
0x1e: {  	s7 =	smul.u32 @!p0 $0xF7A, s2;
	p2 =	seq.s32 @!p0 s5, $0x0  }
0x1f: {  	s9 =	smul.u32 $0xF7A, s1;
	s8 =	simm.s32 @!p0 $0x1BF5;
	p2 =	por !p2, p0  }
0x20: {  	[sflag:s8] =	ssyncset.s32 @!p0 $0xFFFFF086;
	s6 =	sadd.s32 @!p0 s3, s7;
	s7 =	simm.s32 @!p0 $0x108  }
0x21: {  	s3 =	sadd.s32 s3, s9;
	s6 =	sadd.s32 @!p0 $0x88, s6;
	s7 =	simm.s32 @p2 $0x1082  }
0x22: {  	[simem:s7], [sflag:s8] =	dma.local @!p0 [hbm:s6], $0xF7A  }
0x23: {  	s9 =	sor.u32 $0xD0000000, s2;
	s6 =	simm.s32 $0x108;
	_ =	swait.ge @!p0 [sflag:s8], $0x0  }
0x24: {  	s3 =	sadd.s32 $0x88, s3;
	s6 =	simm.s32 @!p1 $0x1082;
	[sflag:s4] =	ssyncset.s32 $0xFFFFF086  }
0x25: {  	[simem:s6], [sflag:s4] =	dma.local [hbm:s3], $0xF7A  }
0x26: {  	[smem:$0x3F94] =	sst s1;
	(tag) =	ssettag s2;
	_ =	strace s9  }
0x27: {  	s1 =	sld [smem:$0x3FA4]  }
0x28: {  	s2 =	sld [smem:$0x3FA5]  }
0x29: {  	s4 =	sld [smem:$0x3FA7]  }
0x2a: {  	p0 =	seq.s32 s5, $0x0;
	s5 =	sld [smem:$0x3FA8]  }
0x2b: {  	s6 =	sld [smem:$0x3FA9]  }
0x2c: {  	s7 =	sld [smem:$0x3FAA]  }
0x2d: {  	s3 =	simm.s32 $0x108;
	s8 =	sld [smem:$0x3FAB]  }
0x2e: {  	s3 =	simm.s32 @!p0 $0x1082;
	s9 =	sld [smem:$0x3FAC]  }
0x2f: {  	lr =	sadd.s32 s0, s3;
	s0 =	sld [smem:$0x3FA3]  }
0x30: {  	s3 =	sld [smem:$0x3FA6]  }
0x31: {  	[smem:$0x3FAF] =	sst s10  }
0x32: {  	s10 =	sld [smem:$0x3FAD];
	_ =	sdelay $0x3  }
0x33: {  	p0 =	seq.s32 s10, $0x1;
	s10 =	sld [smem:$0x3FAF];
	_ =	sdelay $0x3  }
0x34: {  	[smem:$0x3FAF] =	sst s10  }
0x35: {  	s10 =	sld [smem:$0x3FAE];
	_ =	sdelay $0x3  }
0x36: {  	p1 =	seq.s32 s10, $0x1;
	s10 =	sld [smem:$0x3FAF];
	_ =	sdelay $0x3  }
0x37: {  	[smem:$0x3FAF] =	sst s10  }
0x38: {  	s10 =	sld [smem:$0x3FB0]  }
0x39: {  	_ = 	snop;
	(pc) =	sbr.ind lr, $3  }
0x3a: {  	_ = 	snop  }
0x3b: {  	_ = 	snop  }
0x3c: {  	p2 =	seq.s32 s10, $0x1;
	s10 =	sld [smem:$0x3FAF]  }
0x3d: {  	_ =	shalt  }
0x3e: {  	_ =	shalt  }
0x3f: {  	_ =	shalt  }
0x40: {  	_ =	shalt  }
0x41: {  	_ =	shalt  }
0x42: {  	_ =	shalt  }
0x43: {  	_ =	shalt  }
0x44: {  	_ =	shalt  }
0x45: {  	_ =	shalt  }
0x46: {  	_ =	shalt  }
0x47: {  	_ =	shalt  }
0x48: {  	_ =	shalt  }
0x49: {  	_ =	shalt  }
0x4a: {  	_ =	shalt  }
0x4b: {  	_ =	shalt  }
0x4c: {  	_ =	shalt  }
0x4d: {  	_ =	shalt  }
0x4e: {  	_ =	shalt  }
0x4f: {  	_ =	shalt  }
0x50: {  	_ =	shalt  }
0x51: {  	_ =	shalt  }
0x52: {  	_ =	shalt  }
0x53: {  	_ =	shalt  }
0x54: {  	_ =	shalt  }
0x55: {  	_ =	shalt  }
0x56: {  	_ =	shalt  }
0x57: {  	_ =	shalt  }
0x58: {  	_ =	shalt  }
0x59: {  	_ =	shalt  }
0x5a: {  	_ =	shalt  }
0x5b: {  	_ =	shalt  }
0x5c: {  	_ =	shalt  }
0x5d: {  	_ =	shalt  }
0x5e: {  	_ =	shalt  }
0x5f: {  	_ =	shalt  }
0x60: {  	_ =	shalt  }
0x61: {  	_ =	shalt  }
0x62: {  	_ =	shalt  }
0x63: {  	_ =	shalt  }
0x64: {  	_ =	shalt  }
0x65: {  	_ =	shalt  }
0x66: {  	_ =	shalt  }
0x67: {  	_ =	shalt  }
0x68: {  	_ =	shalt  }
0x69: {  	_ =	shalt  }
0x6a: {  	_ =	shalt  }
0x6b: {  	_ =	shalt  }
0x6c: {  	_ =	shalt  }
0x6d: {  	_ =	shalt  }
0x6e: {  	_ =	shalt  }
0x6f: {  	_ =	shalt  }
0x70: {  	_ =	shalt  }
0x71: {  	_ =	shalt  }
0x72: {  	_ =	shalt  }
0x73: {  	_ =	shalt  }
0x74: {  	_ =	shalt  }
0x75: {  	_ =	shalt  }
0x76: {  	_ =	shalt  }
0x77: {  	_ =	shalt  }
0x78: {  	_ =	shalt  }
0x79: {  	_ =	shalt  }
0x7a: {  	_ =	shalt  }
0x7b: {  	_ =	shalt  }
0x7c: {  	_ =	shalt  }
0x7d: {  	_ =	shalt  }
0x7e: {  	_ =	shalt  }
0x7f: {  	_ =	shalt  }
0x80: {  	_ =	shalt  }
0x81: {  	_ =	shalt  }
0x82: {  	_ =	shalt  }
0x83: {  	_ =	shalt  }
0x84: {  	_ =	shalt  }
0x85: {  	_ =	shalt  }
0x86: {  	_ =	shalt  }
0x87: {  	_ =	shalt  }
.Lfunc_end0:
.L_simem_size_0:
called_computation_lowered:
.L_overlay_start_0:
0x88: {  	s0 =	sld [smem:$0x3FD9]  }
0x89: {  	s1 =	sld [smem:$0x3FFE];
	_ =	sdelay $0x3  }
0x8a: {  	s0 =	sadd.s32 s1, s0  }
0x8b: {  	[smem:$0x3FBB] =	sst s0  }
0x8c: {  	_ = 	snop  }
0x8d: {  	(tm) =	ssettm $0x1  }
0x8e: {  	s15 =	sld [smem:$0x3FFB];
	_ =	sdelay $0x3  }
0x8f: {  	_ =	strace s15  }
0x90: {  	s0 =	sld [smem:$0x3FFC];
	_ =	sdelay $0x3  }
0x91: {  	_ =	strace s0  }
0x92: {  	s0 =	sld [smem:$0x3FFD];
	_ =	sdelay $0x3  }
0x93: {  	_ =	strace s0  }
0x94: {  	_ =	strace $0x8FFFFFFF  }
0x95: {  	s16 =	sld [smem:$0x3FDB];
	_ =	sdelay $0x1  }
0x96: {  	s17 =	simm.s32 $_scs_section_size  }
0x97: {  	s2 =	simm.s32 $_size__tile_overlayer_lowered;
	s3 =	simm.s32 $_tile_overlayer_lowered  }
0x98: {  	s20 =	simm.s32 $0x1BFF;
	s19 =	sshll.u32 s3, $0x1;
	s0 =	sadd.s32 s17, s16  }
0x99: {  	s4 =	simm.s32 $0x0;
	s18 =	sshll.u32 s2, $0x1;
	s2 =	sadd.s32 s19, s0  }
0x9a: {  	[timem:s4], [sflag:s20] =	dma.local [hbm:s2], s18  }
0x9b: {  	_ =	swait.ge [sflag:s20], s18  }
0x9c: {  	s1 =	ssub.s32 $0x0, s18;
	[sflag:s20] =	ssyncset.done $0x0  }
0x9d: {  	[sflag:s20] =	ssyncadd.s32 s1;
	_ =	sdelay $0x1  }
0x9e: {  	s21 =	simm.s32 $0x1B8B  }
0x9f: {  	_ =	swait.ge [sflag:s21], $0x1  }
0xa0: {  	[sflag:s21] =	ssyncset.done $0x0  }
0xa1: {  	s23 =	simm.s32 $0x1B8E;
	s22 =	sld [smem:$0x3FFE];
	[sflag:s21] =	ssyncadd.s32 $0xFFFFFFFF  }
0xa2: {  	s24 =	simm.s32 $execute0_lowered;
	[smem:$0x3FD2] =	sst s23  }
0xa3: {  	s2 =	sshll.u32 s24, $0x1;
	_ =	strace $0x80000046;
	[dreg:$0x1] =	wrdreg $0xFFFFFFFF  }
0xa4: {  	s25 =	simm.s32 $_size_execute0_lowered;
	s0 =	sadd.s32 s0, s2;
	[dreg:$0x0] =	wrdreg $0x0  }
0xa5: {  	s2 =	sshll.u32 s25, $0x1;
	[dreg:$0x2] =	wrdreg s0  }
0xa6: {  	[dreg:$0x3] =	wrdreg s2  }
0xa7: {  	[dreg:$0x4] =	wrdreg $0xC0  }
0xa8: {  	_ =	task [dreg:s4], $0x5FFFF  }
0xa9: {  	[dreg:$0x1] =	wrdreg $0xFFFFFFFF  }
0xaa: {  	[dreg:$0x0] =	wrdreg $0x60  }
0xab: {  	[dreg:$0x2] =	wrdreg s22  }
0xac: {  	[dreg:$0x3] =	wrdreg $0x9  }
0xad: {  	_ =	task.clear_ibuf [dreg:s4], $0x4FFFF;
	_ =	strace $0x90000046  }
0xae: {  	s26 =	simm.s32 $0x9;
	_ =	strace $0x80000048  }
0xaf: {  	_ =	swait.ge [sflag:s26], $0x1  }
0xb0: {  	[sflag:s26] =	ssyncadd.s32 $0xFFFFFFFF  }
0xb1: {  	_ =	strace $0x90000048  }
0xb2: {  	_ =	sfence  }
0xb3: {  	s28 =	sld [smem:$0x0];
	_ =	sdelay $0x1  }
0xb4: {  	s29 =	srdreg.scid  }
0xb5: {  	s30 =	sshll.u32 s29, $0xD;
	s31 =	sshrl.u32 s29, $0x2  }
0xb6: {  	s1 =	sand.u32 $0x1, s29;
	s2 =	sand.u32 $0x4000, s30;
	s0 =	sadd.s32 s31, s28  }
0xb7: {  	s1 =	sor.u32 s2, s1;
	s0 =	sshll.u32 s0, $0x11  }
0xb8: {  	s0 =	sor.u32 s0, s1  }
0xb9: {  	s0 =	sadd.s32 $0x8F2B, s0  }
0xba: {  	[sflag:s0] =	ssyncadd.remote.s32 $0x1  }
0xbb: {  	_ =	sfence.sel $0xFFFF  }
0xbc: {  	[dreg:$0x0] =	wrdreg $0xFFFFFFFF;
	(pc) =	sbr.abs _section_cstart, $3  }
0xbd: {  	[dreg:$0x1] =	wrdreg $0xFFFFFFFF  }
0xbe: {  	_ =	task.clear_ibuf [dreg:s4], $0x2FFFF;
	_ =	strace $0x9FFFFFFF  }
0xbf: {  	(tm) =	ssettm $0x7FFFFFFF  }
tec
execute0_lowered:
.L_overlay_start_1:
0x0: {  	(tag) =	ssettag $0x1  }
0x1: {  	s2 =	rddreg [dreg:$0x0]  }
0x2: {  	s0 =	rddreg [dreg:$0x1];
	_ =	strace $0x80000047;
	s3 =	stileid.u32  }
0x3: {  	s4 =	simm.s32 $0x3E;
	s1 =	sadd.s32 $0x9A00, s2;
	p0 =	sne.s32 s3, $0x0  }
0x4: {  	[sflag:s4] =	ssyncpa.u1 $0x0;
	s5 =	simm.s32 @!p0 $0x1C3E;
	s6 =	simm.s32 @!p0 $0x0  }
0x5: {  	[spmem:s6], [sflag:s5] =	dma.local @!p0 [hbm:s1], $0x10  }
0x6: {  	s5 =	simm.s32 @!p0 $0x3E  }
0x7: {  	_ =	swait.ge @!p0 [sflag:s5], $0x10  }
0x8: {  	[sflag:s5] =	ssyncset.done @!p0 $0x0  }
0x9: {  	s26 =	simm.s32 $0x1;
	[sflag:s5] =	ssyncadd.s32 @!p0 $0xFFFFFFF0  }
0xa: {  	s29 =	simm.s32 $0x2;
	s7 =	simm.s32 $0x208;
	[bflag:$0x0] =	sbarrier.arrive $0xFFFF  }
0xb: {  	s28 =	sadd.s32 $0x8A00, s2;
	s30 =	sadd.s32 $0x9600, s2;
	[sflag:s4] =	ssyncpa.u1 $0x1  }
0xc: {  	s3 =	sshll.u32 s3, $0x6;
	s2 =	simm.s32 $0x0;
	[sflag:s26] =	ssyncpa.u1 $0x0  }
0xd: {  	s4 =	sadd.s32 s28, s3;
	(ifvalue) =	ssetifvalue $0x80;
	[sflag:s29] =	ssyncpa.u1 $0x0  }
0xe: {  	[tilespmem:s7], [sflag:$0x2] =	stream.linear.gather [hbm4b:s4+s2], $0x200, $0x38;
	[tilespmem:$0x808] =	vst v63  }
0xf: {  	s31 =	sadd.s32 s30, s3;
	s3 =	simm.s32 $0x608  }
0x10: {  	[tilespmem:s3], [sflag:$0x2] =	stream.linear.gather [hbm4b:s31+s2], $0x200, $0x38;
	[tilespmem:$0x808] =	vst v63  }
0x11: {  	_ =	swait.ge [sflag:s29], $0x400  }
0x12: {  	[sflag:s29] =	ssyncset.done $0x0  }
0x13: {  	[sflag:s29] =	ssyncadd.s32 $0xFFFFFC00  }
0x14: {  	v0 =	vld.msk [tilespmem:s7+$0x0 ss:$0x1], $0xffff;
	_ =	sdelay $0x4  }
0x15: {  	v0 =	vmin.u32 v0, $0x80;
	_ =	sdelay $0x3  }
0x16: {  	vm0 =	vmmov $0xffff;
	s5 =	simm.s32 $0x218;
	s4 =	simm.s32 $0x0  }
0x17: {  	[spmem:s2] =	stream.indirect_vreg.scatter.add.s32 [tilespmem:s3], [sflag:$0x1], $0x1, v0, vm0, $0x4038;
	[tilespmem:$0x808] =	vst v63  }
.LBB2_1:
0x18: {  	v0 =	vld.msk [tilespmem:s5+$0x0 ss:$0x1], $0xffff;
	s4 =	sadd.s32 $0x10, s4  }
0x19: {  	p1 =	slt.u32 s4, $0x1F0;
	_ =	sdelay $0x4  }
0x1a: {  	v0 =	vmin.u32 v0, $0x80  }
.Ltmp0:
0x1b: {  	(pc) =	sbr.rel @p1 .LBB2_1-.Ltmp0, $3  }
0x1c: {  	_ =	sdelay $0x1  }
0x1d: {  	s5 =	sadd.s32 $0x10, s5;
	s3 =	sadd.s32 $0x10, s3  }
0x1e: {  	[spmem:s2] =	stream.indirect_vreg.scatter.add.s32 [tilespmem:s3], [sflag:$0x1], $0x1, v0, vm0, $0x4038;
	[tilespmem:$0x808] =	vst v63  }
0x1f: {  	s2 =	simm.s32 $0x1  }
0x20: {  	_ =	swait.ge [sflag:s2], $0x200  }
0x21: {  	[sflag:s2] =	ssyncset.done $0x0  }
0x22: {  	[sflag:s2] =	ssyncadd.s32 $0xFFFFFE00  }
0x23: {  	_ =	sfence.sel $0x180000  }
0x24: {  	s3 =	simm.s32 $0x2;
	[bflag:$0x0] =	sbarrier.arrive $0xFFFF  }
0x25: {  	[sflag:s3] =	ssyncpa.u1 $0x1  }
0x26: {  	[sflag:s2] =	ssyncpa.u1 $0x1  }
0x27: {  	_ =	sfence.stream.spmem  }
0x28: {  	s31 =	simm.s32 $0x3D;
	[bflag:$0x0] =	sbarrier.arrive $0xFFFF  }
0x29: {  	s2 =	simm.s32 @p0 $0x3D;
	[sflag:s31] =	ssyncpa.u1 $0x0  }
0x2a: {  	[sflag:s2] =	ssyncpa.u1 @p0 $0x1  }
0x2b: {  	[bflag:$0x0] =	sbarrier.arrive @p0 $0xFFFF  }
0x2c: {  	_ =	strace @p0 $0x90000047  }
0x2d: {  	s3 =	simm.s32 @!p0 $0x1C3D;
	s2 =	simm.s32 @!p0 $0x0;
	[bflag:$0x2] =	sbarrier.arrive @p0 $0xFFFF  }
0x2e: {  	[hbm:s1], [sflag:s3] =	dma.local @!p0 [spmem:s2], $0x10  }
0x2f: {  	s1 =	simm.s32 @!p0 $0x3D  }
0x30: {  	_ =	swait.ge @!p0 [sflag:s1], $0x10  }
0x31: {  	[sflag:s1] =	ssyncset.done @!p0 $0x0  }
0x32: {  	[sflag:s1] =	ssyncadd.s32 @!p0 $0xFFFFFFF0  }
0x33: {  	[sflag:s1] =	ssyncpa.u1 @!p0 $0x1  }
0x34: {  	[bflag:$0x0] =	sbarrier.arrive @!p0 $0xFFFF  }
0x35: {  	_ =	strace @!p0 $0x90000047  }
0x36: {  	s0 =	sadd.s32 @!p0 $0x100000, s0;
	[bflag:$0x2] =	sbarrier.arrive @!p0 $0xFFFF  }
0x37: {  	[sflag:s0] =	ssyncadd.tile.s32 @!p0 $0x1;
	_ =	shalt  }
.Lfunc_end2:
_tile_overlayer_lowered:
.L_overlay_start_2:
0x38: {  	(tag) =	ssettag $0x2  }
0x39: {  	s0 =	rddreg [dreg:$0x0];
	s2 =	stileid.u32  }
0x3a: {  	s1 =	rddreg [dreg:$0x1];
	p0 =	sne.s32 s2, $0x0  }
0x3b: {  	s3 =	rddreg [dreg:$0x2];
	[bflag:$0x3] =	sbarrier.arrive $0xFFFF;
	s2 =	simm.s32 @!p0 $0x1C01  }
0x3c: {  	[timem:s3], [sflag:s2] =	dma.local @!p0 [hbm:s0], s1  }
0x3d: {  	s0 =	simm.s32 @!p0 $0x1  }
0x3e: {  	_ =	swait.ge @!p0 [sflag:s0], s1  }
0x3f: {  	s1 =	ssub.s32 @!p0 $0x0, s1;
	[sflag:s0] =	ssyncset.done @!p0 $0x0  }
0x40: {  	[sflag:s0] =	ssyncadd.s32 @!p0 s1  }
0x41: {  	[bflag:$0x3] =	sbarrier.arrive $0xFFFF  }
0x42: {  	_ =	shalt  }

</sc_bundles>
